<compile_context>
chip_gen: v7x
topology: tpu7x:2x2x1
jax: 0.10.2.dev20260603
libtpu: 0.0.44.dev20260713+nightly
codegen_flags: <defaults>
</compile_context>

<pallas_src>
import functools

import jax
import jax.numpy as jnp
from jax import lax
from jax.experimental import pallas as pl
from jax.experimental.pallas import tpu as pltpu
from jax.experimental.pallas import tpu_sc as plsc

B = 128
D = 128
N_TILES = 32768
P = 64
TILE_K = 64
EPS = 1e-6

SUB = 32
NSUB = N_TILES // SUB
NBLK = 64
BLK = N_TILES // NBLK
GPS = BLK // SUB

NC, NS, L = 2, 16, 32 * 16 // 32
NW = NC * NS

NEG = -3.0e38
BIGI = 2**31 - 1


def _prob_body(q_ref, le_ref, qn_ref, ln_ref, out_ref, bm_ref):
    num = lax.dot_general(q_ref[...], le_ref[...], (((1,), (1,)), ((), ())))
    denom = jnp.maximum(qn_ref[...] * ln_ref[...], EPS)
    prob = num / denom
    out_ref[...] = prob
    for g in range(GPS):
        bm_ref[0, :, g:g + 1] = jnp.max(prob[:, g * SUB:(g + 1) * SUB],
                                        axis=1, keepdims=True)


def _probs(tile_output, LE, q_norm, le_norm):
    return pl.pallas_call(
        _prob_body,
        grid=(NBLK,),
        in_specs=[
            pl.BlockSpec((B, D), lambda i: (0, 0)),
            pl.BlockSpec((BLK, D), lambda i: (i, 0)),
            pl.BlockSpec((B, 1), lambda i: (0, 0)),
            pl.BlockSpec((1, BLK), lambda i: (0, i)),
        ],
        out_specs=[
            pl.BlockSpec((B, BLK), lambda i: (0, i)),
            pl.BlockSpec((1, B, GPS), lambda i: (i, 0, 0)),
        ],
        out_shape=[
            jax.ShapeDtypeStruct((B, N_TILES), jnp.float32),
            jax.ShapeDtypeStruct((NBLK, B, GPS), jnp.float32),
        ],
    )(tile_output, LE, q_norm.reshape(B, 1), le_norm.reshape(1, N_TILES))


def _topblk_body(bm_ref, out_ref, v_ref):
    v_ref[...] = bm_ref[...]
    cols = lax.broadcasted_iota(jnp.int32, (B, NSUB), 1)
    kcols = lax.broadcasted_iota(jnp.int32, (B, TILE_K), 1)

    def step(k, acc):
        v = v_ref[...]
        m = jnp.max(v, axis=1, keepdims=True)
        c = jnp.where(v == m, cols, BIGI)
        idx = jnp.min(c, axis=1, keepdims=True)
        v_ref[...] = jnp.where(c == idx, NEG, v)
        return acc + idx * (kcols == k).astype(jnp.int32)

    out_ref[...] = lax.fori_loop(0, TILE_K, step, jnp.zeros((B, TILE_K),
                                                            jnp.int32))


def _top_blocks(blockmax):
    return pl.pallas_call(
        _topblk_body,
        in_specs=[pl.BlockSpec((B, NSUB), lambda: (0, 0))],
        out_specs=pl.BlockSpec((B, TILE_K), lambda: (0, 0)),
        out_shape=jax.ShapeDtypeStruct((B, TILE_K), jnp.int32),
        scratch_shapes=[pltpu.VMEM((B, NSUB), jnp.float32)],
    )(blockmax)


def _sc_gather(table, idx, rows, dtype, tc_tiling=True):
    V, W = table.shape
    b_per_w = rows // NW
    chunks = b_per_w // 128 if b_per_w > 128 else 1
    cs = b_per_w // chunks
    mesh = plsc.VectorSubcoreMesh(core_axis_name="c", subcore_axis_name="s")

    @functools.partial(
        pl.kernel,
        out_type=jax.ShapeDtypeStruct((rows, W), dtype),
        mesh=mesh,
        compiler_params=pltpu.CompilerParams(use_tc_tiling_on_sc=tc_tiling),
        scratch_types=[
            pltpu.VMEM((chunks, cs), jnp.int32),
            pltpu.VMEM((b_per_w, W), dtype),
            pltpu.SemaphoreType.DMA,
        ],
    )
    def k(table_hbm, idx_hbm, out_hbm, idx_v, rows_v, sem):
        wid = lax.axis_index("s") * NC + lax.axis_index("c")
        base = wid * b_per_w
        for j in range(chunks):
            pltpu.sync_copy(idx_hbm.at[pl.ds(base + j * cs, cs)],
                            idx_v.at[j])
        copies = []
        for j in range(chunks):
            copies.append(pltpu.async_copy(
                table_hbm.at[idx_v.at[j]],
                rows_v.at[pl.ds(j * cs, cs)], sem))
        for cp in copies:
            cp.wait()
        pltpu.sync_copy(rows_v, out_hbm.at[pl.ds(base, b_per_w)])

    return k(table, idx)


def _topk_body(g_ref, oc_ref, tgt_ref, out_ref, v_ref):
    v_ref[...] = g_ref[...]
    oc = oc_ref[...]
    tgt = tgt_ref[...]
    kcols = lax.broadcasted_iota(jnp.int32, (B, TILE_K), 1)

    def step(k, carry):
        acc, hit = carry
        v = v_ref[...]
        m = jnp.max(v, axis=1, keepdims=True)
        c = jnp.where(v == m, oc, BIGI)
        idx = jnp.min(c, axis=1, keepdims=True)
        v_ref[...] = jnp.where(c == idx, NEG, v)
        acc = acc + idx * (kcols == k).astype(jnp.int32)
        hit = jnp.maximum(hit, (idx == tgt).astype(jnp.int32))
        return acc, hit

    acc, hit = lax.fori_loop(
        0, TILE_K, step,
        (jnp.zeros((B, TILE_K), jnp.int32), jnp.zeros((B, 1), jnp.int32)))
    last = jnp.where(hit > 0, acc[:, TILE_K - 1:TILE_K], tgt)
    out_ref[...] = jnp.where(kcols == TILE_K - 1, last, acc)


def _topk_final(gathered, origcol, target):
    n = gathered.shape[1]
    return pl.pallas_call(
        _topk_body,
        in_specs=[
            pl.BlockSpec((B, n), lambda: (0, 0)),
            pl.BlockSpec((B, n), lambda: (0, 0)),
            pl.BlockSpec((B, 1), lambda: (0, 0)),
        ],
        out_specs=pl.BlockSpec((B, TILE_K), lambda: (0, 0)),
        out_shape=jax.ShapeDtypeStruct((B, TILE_K), jnp.int32),
        scratch_shapes=[pltpu.VMEM((B, n), jnp.float32)],
    )(gathered, origcol, target.reshape(B, 1))


def _sc_poi(table3d, idx, t0pad):
    rows = B * TILE_K
    b_per_w = rows // NW
    chunks, cs = 2, 128
    mesh = plsc.VectorSubcoreMesh(core_axis_name="c", subcore_axis_name="s")

    @functools.partial(
        pl.kernel,
        out_type=(jax.ShapeDtypeStruct((B, TILE_K, P * 2), jnp.int32),
                  jax.ShapeDtypeStruct((NW, 16), jnp.int32)),
        mesh=mesh,
        compiler_params=pltpu.CompilerParams(needs_layout_passes=False,
                                             use_tc_tiling_on_sc=False),
        scratch_types=[
            pltpu.VMEM((chunks, cs), jnp.int32),
            pltpu.VMEM((b_per_w, P * 2), jnp.int32),
            pltpu.VMEM((16,), jnp.int32),
            pltpu.VMEM((16,), jnp.int32),
            pltpu.SemaphoreType.DMA,
        ],
    )
    def k(table_hbm, idx_hbm, t0_hbm, cand_hbm, red_hbm,
          idx_v, rows_v, tv, out_v, sem):
        wid = lax.axis_index("s") * NC + lax.axis_index("c")
        base = wid * b_per_w
        for j in range(chunks):
            pltpu.sync_copy(idx_hbm.at[pl.ds(base + j * cs, cs)], idx_v.at[j])
        cps = [pltpu.async_copy(table_hbm.at[idx_v.at[j]],
                                rows_v.at[pl.ds(j * cs, cs)], sem)
               for j in range(chunks)]
        for cp in cps:
            cp.wait()
        for bi in range(b_per_w // TILE_K):
            pltpu.sync_copy(rows_v.at[pl.ds(bi * TILE_K, TILE_K)],
                            cand_hbm.at[wid * 4 + bi])

        iot = lax.broadcasted_iota(jnp.int32, (16,), 0)
        zeros = jnp.zeros((16,), jnp.int32)
        ones = jnp.ones((16,), jnp.int32)
        outacc = zeros
        nv = zeros
        nchunks = TILE_K * P // 16
        for bi in range(b_per_w // TILE_K):
            pltpu.sync_copy(t0_hbm.at[wid * 4 + bi], tv)
            t0spl = tv[...]

            def acc_body(ci, carry, bi=bi, t0spl=t0spl):
                cntv, nvv, hitb = carry
                rsp = zeros + (bi * TILE_K + ci // 4)
                ppv = 2 * ((ci % 4) * 16 + iot)
                c0v = plsc.load_gather(rows_v, [rsp, ppv])
                c1v = plsc.load_gather(rows_v, [rsp, ppv + ones])
                v0 = c0v != -1
                v1 = c1v != -1
                cntv = cntv + (v0 & v1).astype(jnp.int32)
                nvv = nvv + v0.astype(jnp.int32) + v1.astype(jnp.int32)
                hitb = hitb | (c0v == t0spl).astype(jnp.int32)
                return cntv, nvv, hitb

            cntv, nvv, hitb = lax.fori_loop(
                0, nchunks, acc_body, (zeros, zeros, zeros))
            nv = nv + nvv
            cnt = zeros + jnp.sum(cntv)
            anyhit = jnp.sum(hitb) > 0

            def hit_pass(bi=bi, t0spl=t0spl):
                def chunk_body(ci, carry):
                    cntp, found, tpi = carry
                    rsp = zeros + (bi * TILE_K + ci // 4)
                    ppv = 2 * ((ci % 4) * 16 + iot)
                    c0v = plsc.load_gather(rows_v, [rsp, ppv])
                    c1v = plsc.load_gather(rows_v, [rsp, ppv + ones])
                    validv = (c0v != -1) & (c1v != -1)
                    hitv = c0v == t0spl
                    fmv = zeros + jnp.min(jnp.where(hitv, iot, 99))
                    anyh = (fmv < 99).astype(jnp.int32)
                    partial = plsc.all_reduce_population_count(
                        validv & (iot < fmv))
                    tpi = tpi + (1 - found) * anyh * (cntp + partial)
                    found = jnp.maximum(found, anyh)
                    cntp = cntp + plsc.all_reduce_population_count(validv)
                    return cntp, found, tpi

                _, _, tpi = lax.fori_loop(
                    0, nchunks, chunk_body, (zeros, zeros, zeros))
                return tpi

            tpi = lax.cond(anyhit, hit_pass, lambda: zeros)
            outacc = (outacc + cnt * (iot == bi).astype(jnp.int32)
                      + tpi * (iot == 4 + bi).astype(jnp.int32))
        outacc = outacc + (zeros + jnp.sum(nv)) * (iot == 8).astype(jnp.int32)
        out_v[...] = outacc
        pltpu.sync_copy(out_v, red_hbm.at[wid])

    return k(table3d, idx, t0pad)


def kernel(tile_output, LE, tile_poi_tensor, b_target_tile, b_target_poi):
    q_norm = jnp.sqrt(jnp.sum(tile_output * tile_output, axis=-1))
    le_norm = jnp.sqrt(jnp.sum(LE * LE, axis=-1))
    tile_probability, blockmax3 = _probs(tile_output, LE, q_norm, le_norm)
    blockmax = blockmax3.transpose(1, 0, 2).reshape(B, NSUB)

    blk_idx = _top_blocks(blockmax)

    flat1 = (jnp.arange(B, dtype=jnp.int32)[:, None] * NSUB
             + blk_idx).reshape(-1)
    probs_rows = tile_probability.reshape(B * NSUB, SUB)
    gathered = _sc_gather(probs_rows, flat1, B * TILE_K, jnp.float32,
                          tc_tiling=False).reshape(B, TILE_K * SUB)
    origcol = (blk_idx[:, :, None] * SUB
               + jnp.arange(SUB, dtype=jnp.int32)[None, None, :]
               ).reshape(B, TILE_K * SUB)

    filtered = _topk_final(gathered, origcol,
                           b_target_tile.astype(jnp.int32))

    t0pad = jnp.tile(b_target_poi[:, 0].astype(jnp.int32)[:, None], (1, 16))
    cand_rows, red = _sc_poi(
        tile_poi_tensor.astype(jnp.int32).reshape(N_TILES, P * 2),
        filtered.reshape(-1), t0pad)
    candidate = cand_rows.reshape(B, TILE_K * P, 2)

    return (tile_probability, candidate,
            red[:, 0:4].reshape(B),
            red[:, 4:8].reshape(B),
            jnp.sum(red[:, 8]))

# --- scband reference (transcript-rebuilt; emitter-appended) ---
"""Pipeline reference for scband-rose-tea-21406117003313 (READ-ONLY COPY).

The authoritative reference and input builder live on the scoring server;
editing this copy changes nothing except your own understanding.
"""

import jax, jax.numpy as jnp
import numpy as np

B = 128
D = 128
N_TILES = 32768
P = 64
TILE_K = 64
NUM_POIS = 100000
EPS = 1e-6


def setup_inputs(seed: int = 0) -> dict:
    key = jax.random.key(seed)
    k1, k2, k3, k4, k5 = jax.random.split(key, 5)
    tile_output = jax.random.normal(k1, (B, D), dtype=jnp.float32)
    LE = jax.random.normal(k2, (N_TILES, D), dtype=jnp.float32)
    # POI table padded with -1 entries (matches torch semantics: candidate != -1 mask)
    tile_poi_tensor = jax.random.randint(k3, (N_TILES, P, 2), -1, NUM_POIS)
    b_target_tile = jax.random.randint(k4, (B,), 0, N_TILES)
    b_target_poi = jax.random.randint(k5, (B, 2), 0, NUM_POIS)
    return {
        'tile_output': tile_output,
        'LE': LE,
        'tile_poi_tensor': tile_poi_tensor,
        'b_target_tile': b_target_tile,
        'b_target_poi': b_target_poi,
    }


def reference(tile_output, LE, tile_poi_tensor, b_target_tile, b_target_poi):
    # --- tile_probability = CosineSimilarity(LE, tile_output.unsqueeze(1)) ---
    # torch: x1.x2 / max(||x1|| * ||x2||, eps), computed pairwise [B, N_TILES]
    num = tile_output @ LE.T  # [B, N_TILES]
    q_norm = jnp.sqrt(jnp.sum(tile_output * tile_output, axis=-1))  # [B]
    le_norm = jnp.sqrt(jnp.sum(LE * LE, axis=-1))  # [N_TILES]
    denom = jnp.maximum(q_norm[:, None] * le_norm[None, :], EPS)
    tile_probability = num / denom  # [B, N_TILES]

    # --- pickCandidatePOI: top-k masking + gather ---
    _, filtered_tiles = jax.lax.top_k(tile_probability, TILE_K)  # indices [B, TILE_K]
    hitted = jnp.sum(filtered_tiles == b_target_tile[:, None], axis=1)  # [B]
    last_col = filtered_tiles[:, -1] * hitted + b_target_tile * (hitted == 0)
    filtered_tiles = filtered_tiles.at[:, -1].set(last_col)

    batch_size = filtered_tiles.shape[0]
    flat = filtered_tiles.reshape(-1)
    candidate = jnp.take(tile_poi_tensor, flat, axis=0).reshape(batch_size, -1, 2)  # [B, TILE_K*P, 2]
    mask = candidate != -1
    valid = jnp.all(mask, axis=-1)  # [B, TILE_K*P]
    poi_recovery = jnp.sum(valid, axis=1)  # [B]

    target_mask = candidate[:, :, 0] == b_target_poi[:, 0][:, None]
    # torch uses torch.where(target_mask)[1] assuming exactly one hit per row;
    # argmax gives the first-hit position per row with a static shape (equivalent).
    position = jnp.argmax(target_mask, axis=1)  # [B]
    position_mask = jnp.arange(candidate.shape[1])[None, :] < position[:, None]
    target_poi_index = jnp.sum(valid & position_mask, axis=1)  # [B]
    num_valid = jnp.sum(mask)

    return (tile_probability, candidate, poi_recovery, target_poi_index, num_valid)

if __name__ == "__main__":
    import jax
    _d = setup_inputs()
    print(jax.jit(kernel)(*tuple(_d.values())))

</pallas_src>

<mosaic_0001>
#map = affine_map<(d0, d1) -> (0, 0)>
#map1 = affine_map<(d0, d1) -> (0)>
#map2 = affine_map<(d0, d1) -> (0, 0, 0)>
module attributes {stable_mosaic.version = 14 : i64} {
  func.func @k(%arg0: i32, %arg1: i32, %arg2: memref<32768x128xi32, #tpu.memory_space<hbm>>, %arg3: memref<8192xi32, #tpu.memory_space<hbm>>, %arg4: memref<128x16xi32, #tpu.memory_space<hbm>>, %arg5: memref<128x64x128xi32, #tpu.memory_space<hbm>>, %arg6: memref<32x16xi32, #tpu.memory_space<hbm>>, %arg7: memref<2x128xi32, #tpu.memory_space<vmem>>, %arg8: memref<256x128xi32, #tpu.memory_space<vmem>>, %arg9: memref<16xi32, #tpu.memory_space<vmem>>, %arg10: memref<16xi32, #tpu.memory_space<vmem>>, %arg11: memref<!tpu.dma_semaphore, #tpu.memory_space<semaphore_mem>>) attributes {dimension_semantics = [#tpu.dimension_semantics<core_parallel>, #tpu.dimension_semantics<subcore_parallel>], iteration_bounds = array<i64: 2, 16>, scalar_prefetch = 0 : i64, scratch_operands = 5 : i64, tpu.core_type = #tpu.core_type<sc_vector_subcore>, window_params = [{transform_indices = #map}, {transform_indices = #map1}, {transform_indices = #map}, {transform_indices = #map2}, {transform_indices = #map}]} {
    %mul3A = arith.constant 2 : i32
    %mul3A_0 = arith.muli %arg1, %mul3A : i32
    %add3A = arith.addi %mul3A_0, %arg0 : i32
    %mul3A_1 = arith.constant 256 : i32
    %mul3A_2 = arith.muli %add3A, %mul3A_1 : i32
    %add3A_3 = arith.constant 0 : i32
    %add3A_4 = arith.addi %mul3A_2, %add3A_3 : i32
    %run_scoped3A = arith.constant 0 : i32
    "tpu.region"() ({
      %run_scoped3A_235 = tpu.sem_alloc : memref<!tpu.dma_semaphore, #tpu.memory_space<semaphore_mem>>
      %dma_start3A_236 = arith.constant 0 : i32
      %dma_start3A_237 = tpu.memref_slice %arg7[%run_scoped3A, %dma_start3A_236] : memref<2x128xi32, #tpu.memory_space<vmem>> -> memref<1x128xi32, #tpu.memory_space<vmem>>
      %dma_start3A_238 = tpu.memref_squeeze %dma_start3A_237 : memref<1x128xi32, #tpu.memory_space<vmem>> -> memref<128xi32, #tpu.memory_space<vmem>>
      %dma_start3A_239 = tpu.memref_slice %arg3[%add3A_4] : memref<8192xi32, #tpu.memory_space<hbm>> -> memref<128xi32, #tpu.memory_space<hbm>>
      %dma_start3A_240 = arith.constant 0 : i32
      %dma_start3A_241 = tpu.memref_slice %arg7[%run_scoped3A, %dma_start3A_240] : memref<2x128xi32, #tpu.memory_space<vmem>> -> memref<1x128xi32, #tpu.memory_space<vmem>>
      %dma_start3A_242 = tpu.memref_squeeze %dma_start3A_241 : memref<1x128xi32, #tpu.memory_space<vmem>> -> memref<128xi32, #tpu.memory_space<vmem>>
      %dma_start3A_243 = tpu.memref_slice %arg3[%add3A_4] : memref<8192xi32, #tpu.memory_space<hbm>> -> memref<128xi32, #tpu.memory_space<hbm>>
      tpu.enqueue_dma source(%dma_start3A_243 : memref<128xi32, #tpu.memory_space<hbm>>) target(%dma_start3A_242 : memref<128xi32, #tpu.memory_space<vmem>>) target_semaphore(%run_scoped3A_235 : memref<!tpu.dma_semaphore, #tpu.memory_space<semaphore_mem>>)
      %dma_wait3A_244 = arith.constant 0 : i32
      %dma_wait3A_245 = tpu.memref_slice %arg7[%run_scoped3A, %dma_wait3A_244] : memref<2x128xi32, #tpu.memory_space<vmem>> -> memref<1x128xi32, #tpu.memory_space<vmem>>
      %dma_wait3A_246 = tpu.memref_squeeze %dma_wait3A_245 : memref<1x128xi32, #tpu.memory_space<vmem>> -> memref<128xi32, #tpu.memory_space<vmem>>
      %dma_wait3A_247 = tpu.memref_slice %arg3[%add3A_4] : memref<8192xi32, #tpu.memory_space<hbm>> -> memref<128xi32, #tpu.memory_space<hbm>>
      %dma_wait3A_248 = arith.constant 0 : i32
      %dma_wait3A_249 = tpu.memref_slice %arg7[%run_scoped3A, %dma_wait3A_248] : memref<2x128xi32, #tpu.memory_space<vmem>> -> memref<1x128xi32, #tpu.memory_space<vmem>>
      %dma_wait3A_250 = tpu.memref_squeeze %dma_wait3A_249 : memref<1x128xi32, #tpu.memory_space<vmem>> -> memref<128xi32, #tpu.memory_space<vmem>>
      %dma_wait3A_251 = tpu.memref_slice %arg3[%add3A_4] : memref<8192xi32, #tpu.memory_space<hbm>> -> memref<128xi32, #tpu.memory_space<hbm>>
      tpu.wait_dma2 semaphore(%run_scoped3A_235 : memref<!tpu.dma_semaphore, #tpu.memory_space<semaphore_mem>>) src(%dma_wait3A_251 : memref<128xi32, #tpu.memory_space<hbm>>) dst(%dma_wait3A_250 : memref<128xi32, #tpu.memory_space<vmem>>)
      tpu.yield
    }) : () -> ()
    %add3A_5 = arith.constant 128 : i32
    %add3A_6 = arith.addi %mul3A_2, %add3A_5 : i32
    %run_scoped3A_7 = arith.constant 1 : i32
    "tpu.region"() ({
      %run_scoped3A_235 = tpu.sem_alloc : memref<!tpu.dma_semaphore, #tpu.memory_space<semaphore_mem>>
      %dma_start3A_236 = arith.constant 0 : i32
      %dma_start3A_237 = tpu.memref_slice %arg7[%run_scoped3A_7, %dma_start3A_236] : memref<2x128xi32, #tpu.memory_space<vmem>> -> memref<1x128xi32, #tpu.memory_space<vmem>>
      %dma_start3A_238 = tpu.memref_squeeze %dma_start3A_237 : memref<1x128xi32, #tpu.memory_space<vmem>> -> memref<128xi32, #tpu.memory_space<vmem>>
      %dma_start3A_239 = tpu.memref_slice %arg3[%add3A_6] : memref<8192xi32, #tpu.memory_space<hbm>> -> memref<128xi32, #tpu.memory_space<hbm>>
      %dma_start3A_240 = arith.constant 0 : i32
      %dma_start3A_241 = tpu.memref_slice %arg7[%run_scoped3A_7, %dma_start3A_240] : memref<2x128xi32, #tpu.memory_space<vmem>> -> memref<1x128xi32, #tpu.memory_space<vmem>>
      %dma_start3A_242 = tpu.memref_squeeze %dma_start3A_241 : memref<1x128xi32, #tpu.memory_space<vmem>> -> memref<128xi32, #tpu.memory_space<vmem>>
      %dma_start3A_243 = tpu.memref_slice %arg3[%add3A_6] : memref<8192xi32, #tpu.memory_space<hbm>> -> memref<128xi32, #tpu.memory_space<hbm>>
      tpu.enqueue_dma source(%dma_start3A_243 : memref<128xi32, #tpu.memory_space<hbm>>) target(%dma_start3A_242 : memref<128xi32, #tpu.memory_space<vmem>>) target_semaphore(%run_scoped3A_235 : memref<!tpu.dma_semaphore, #tpu.memory_space<semaphore_mem>>)
      %dma_wait3A_244 = arith.constant 0 : i32
      %dma_wait3A_245 = tpu.memref_slice %arg7[%run_scoped3A_7, %dma_wait3A_244] : memref<2x128xi32, #tpu.memory_space<vmem>> -> memref<1x128xi32, #tpu.memory_space<vmem>>
      %dma_wait3A_246 = tpu.memref_squeeze %dma_wait3A_245 : memref<1x128xi32, #tpu.memory_space<vmem>> -> memref<128xi32, #tpu.memory_space<vmem>>
      %dma_wait3A_247 = tpu.memref_slice %arg3[%add3A_6] : memref<8192xi32, #tpu.memory_space<hbm>> -> memref<128xi32, #tpu.memory_space<hbm>>
      %dma_wait3A_248 = arith.constant 0 : i32
      %dma_wait3A_249 = tpu.memref_slice %arg7[%run_scoped3A_7, %dma_wait3A_248] : memref<2x128xi32, #tpu.memory_space<vmem>> -> memref<1x128xi32, #tpu.memory_space<vmem>>
      %dma_wait3A_250 = tpu.memref_squeeze %dma_wait3A_249 : memref<1x128xi32, #tpu.memory_space<vmem>> -> memref<128xi32, #tpu.memory_space<vmem>>
      %dma_wait3A_251 = tpu.memref_slice %arg3[%add3A_6] : memref<8192xi32, #tpu.memory_space<hbm>> -> memref<128xi32, #tpu.memory_space<hbm>>
      tpu.wait_dma2 semaphore(%run_scoped3A_235 : memref<!tpu.dma_semaphore, #tpu.memory_space<semaphore_mem>>) src(%dma_wait3A_251 : memref<128xi32, #tpu.memory_space<hbm>>) dst(%dma_wait3A_250 : memref<128xi32, #tpu.memory_space<vmem>>)
      tpu.yield
    }) : () -> ()
    %dma_start3A = arith.constant 0 : i32
    %dma_start3A_8 = arith.constant 0 : i32
    %dma_start3A_9 = arith.constant 0 : i32
    %dma_start3A_10 = tpu.memref_slice %arg8[%dma_start3A_8, %dma_start3A_9] : memref<256x128xi32, #tpu.memory_space<vmem>> -> memref<128x128xi32, #tpu.memory_space<vmem>>
    %dma_start3A_11 = arith.constant 0 : i32
    %dma_start3A_12 = tpu.memref_slice %arg7[%dma_start3A, %dma_start3A_11] : memref<2x128xi32, #tpu.memory_space<vmem>> -> memref<1x128xi32, #tpu.memory_space<vmem>>
    %dma_start3A_13 = tpu.memref_squeeze %dma_start3A_12 : memref<1x128xi32, #tpu.memory_space<vmem>> -> memref<128xi32, #tpu.memory_space<vmem>>
    %dma_start3A_14 = arith.constant 0 : i32
    %dma_start3A_15 = arith.constant 0 : i32
    %dma_start3A_16 = tpu.memref_slice %arg2[%dma_start3A_14, %dma_start3A_15] : memref<32768x128xi32, #tpu.memory_space<hbm>> -> memref<32768x128xi32, #tpu.memory_space<hbm>>
    tpu.enqueue_indirect_dma source(%dma_start3A_16 : memref<32768x128xi32, #tpu.memory_space<hbm>>) target(%dma_start3A_10 : memref<128x128xi32, #tpu.memory_space<vmem>>) offsets(%dma_start3A_13 : memref<128xi32, #tpu.memory_space<vmem>>) semaphore(%arg11 : memref<!tpu.dma_semaphore, #tpu.memory_space<semaphore_mem>>)
    %dma_start3A_17 = arith.constant 1 : i32
    %dma_start3A_18 = arith.constant 128 : i32
    %dma_start3A_19 = arith.constant 0 : i32
    %dma_start3A_20 = tpu.memref_slice %arg8[%dma_start3A_18, %dma_start3A_19] : memref<256x128xi32, #tpu.memory_space<vmem>> -> memref<128x128xi32, #tpu.memory_space<vmem>>
    %dma_start3A_21 = arith.constant 0 : i32
    %dma_start3A_22 = tpu.memref_slice %arg7[%dma_start3A_17, %dma_start3A_21] : memref<2x128xi32, #tpu.memory_space<vmem>> -> memref<1x128xi32, #tpu.memory_space<vmem>>
    %dma_start3A_23 = tpu.memref_squeeze %dma_start3A_22 : memref<1x128xi32, #tpu.memory_space<vmem>> -> memref<128xi32, #tpu.memory_space<vmem>>
    %dma_start3A_24 = arith.constant 0 : i32
    %dma_start3A_25 = arith.constant 0 : i32
    %dma_start3A_26 = tpu.memref_slice %arg2[%dma_start3A_24, %dma_start3A_25] : memref<32768x128xi32, #tpu.memory_space<hbm>> -> memref<32768x128xi32, #tpu.memory_space<hbm>>
    tpu.enqueue_indirect_dma source(%dma_start3A_26 : memref<32768x128xi32, #tpu.memory_space<hbm>>) target(%dma_start3A_20 : memref<128x128xi32, #tpu.memory_space<vmem>>) offsets(%dma_start3A_23 : memref<128xi32, #tpu.memory_space<vmem>>) semaphore(%arg11 : memref<!tpu.dma_semaphore, #tpu.memory_space<semaphore_mem>>)
    %dma_wait3A = arith.constant 0 : i32
    %dma_wait3A_27 = arith.constant 0 : i32
    %dma_wait3A_28 = arith.constant 0 : i32
    %dma_wait3A_29 = tpu.memref_slice %arg8[%dma_wait3A_27, %dma_wait3A_28] : memref<256x128xi32, #tpu.memory_space<vmem>> -> memref<128x128xi32, #tpu.memory_space<vmem>>
    %dma_wait3A_30 = arith.constant 0 : i32
    %dma_wait3A_31 = tpu.memref_slice %arg7[%dma_wait3A, %dma_wait3A_30] : memref<2x128xi32, #tpu.memory_space<vmem>> -> memref<1x128xi32, #tpu.memory_space<vmem>>
    %dma_wait3A_32 = tpu.memref_squeeze %dma_wait3A_31 : memref<1x128xi32, #tpu.memory_space<vmem>> -> memref<128xi32, #tpu.memory_space<vmem>>
    %dma_wait3A_33 = arith.constant 0 : i32
    %dma_wait3A_34 = arith.constant 0 : i32
    %dma_wait3A_35 = tpu.memref_slice %arg2[%dma_wait3A_33, %dma_wait3A_34] : memref<32768x128xi32, #tpu.memory_space<hbm>> -> memref<32768x128xi32, #tpu.memory_space<hbm>>
    tpu.wait_indirect_dma semaphore(%arg11 : memref<!tpu.dma_semaphore, #tpu.memory_space<semaphore_mem>>) src(%dma_wait3A_35 : memref<32768x128xi32, #tpu.memory_space<hbm>>) dst(%dma_wait3A_29 : memref<128x128xi32, #tpu.memory_space<vmem>>)
    %dma_wait3A_36 = arith.constant 1 : i32
    %dma_wait3A_37 = arith.constant 128 : i32
    %dma_wait3A_38 = arith.constant 0 : i32
    %dma_wait3A_39 = tpu.memref_slice %arg8[%dma_wait3A_37, %dma_wait3A_38] : memref<256x128xi32, #tpu.memory_space<vmem>> -> memref<128x128xi32, #tpu.memory_space<vmem>>
    %dma_wait3A_40 = arith.constant 0 : i32
    %dma_wait3A_41 = tpu.memref_slice %arg7[%dma_wait3A_36, %dma_wait3A_40] : memref<2x128xi32, #tpu.memory_space<vmem>> -> memref<1x128xi32, #tpu.memory_space<vmem>>
    %dma_wait3A_42 = tpu.memref_squeeze %dma_wait3A_41 : memref<1x128xi32, #tpu.memory_space<vmem>> -> memref<128xi32, #tpu.memory_space<vmem>>
    %dma_wait3A_43 = arith.constant 0 : i32
    %dma_wait3A_44 = arith.constant 0 : i32
    %dma_wait3A_45 = tpu.memref_slice %arg2[%dma_wait3A_43, %dma_wait3A_44] : memref<32768x128xi32, #tpu.memory_space<hbm>> -> memref<32768x128xi32, #tpu.memory_space<hbm>>
    tpu.wait_indirect_dma semaphore(%arg11 : memref<!tpu.dma_semaphore, #tpu.memory_space<semaphore_mem>>) src(%dma_wait3A_45 : memref<32768x128xi32, #tpu.memory_space<hbm>>) dst(%dma_wait3A_39 : memref<128x128xi32, #tpu.memory_space<vmem>>)
    %mul3A_46 = arith.constant 4 : i32
    %mul3A_47 = arith.muli %add3A, %mul3A_46 : i32
    %add3A_48 = arith.constant 0 : i32
    %add3A_49 = arith.addi %mul3A_47, %add3A_48 : i32
    "tpu.region"() ({
      %run_scoped3A_235 = tpu.sem_alloc : memref<!tpu.dma_semaphore, #tpu.memory_space<semaphore_mem>>
      %dma_start3A_236 = arith.constant 0 : i32
      %dma_start3A_237 = arith.constant 0 : i32
      %dma_start3A_238 = tpu.memref_slice %arg8[%dma_start3A_236, %dma_start3A_237] : memref<256x128xi32, #tpu.memory_space<vmem>> -> memref<64x128xi32, #tpu.memory_space<vmem>>
      %dma_start3A_239 = arith.constant 0 : i32
      %dma_start3A_240 = arith.constant 0 : i32
      %dma_start3A_241 = tpu.memref_slice %arg5[%add3A_49, %dma_start3A_239, %dma_start3A_240] : memref<128x64x128xi32, #tpu.memory_space<hbm>> -> memref<1x64x128xi32, #tpu.memory_space<hbm>>
      %dma_start3A_242 = tpu.memref_squeeze %dma_start3A_241 : memref<1x64x128xi32, #tpu.memory_space<hbm>> -> memref<64x128xi32, #tpu.memory_space<hbm>>
      %dma_start3A_243 = arith.constant 0 : i32
      %dma_start3A_244 = arith.constant 0 : i32
      %dma_start3A_245 = tpu.memref_slice %arg5[%add3A_49, %dma_start3A_243, %dma_start3A_244] : memref<128x64x128xi32, #tpu.memory_space<hbm>> -> memref<1x64x128xi32, #tpu.memory_space<hbm>>
      %dma_start3A_246 = tpu.memref_squeeze %dma_start3A_245 : memref<1x64x128xi32, #tpu.memory_space<hbm>> -> memref<64x128xi32, #tpu.memory_space<hbm>>
      %dma_start3A_247 = arith.constant 0 : i32
      %dma_start3A_248 = arith.constant 0 : i32
      %dma_start3A_249 = tpu.memref_slice %arg8[%dma_start3A_247, %dma_start3A_248] : memref<256x128xi32, #tpu.memory_space<vmem>> -> memref<64x128xi32, #tpu.memory_space<vmem>>
      tpu.enqueue_dma source(%dma_start3A_249 : memref<64x128xi32, #tpu.memory_space<vmem>>) target(%dma_start3A_246 : memref<64x128xi32, #tpu.memory_space<hbm>>) target_semaphore(%run_scoped3A_235 : memref<!tpu.dma_semaphore, #tpu.memory_space<semaphore_mem>>)
      %dma_wait3A_250 = arith.constant 0 : i32
      %dma_wait3A_251 = arith.constant 0 : i32
      %dma_wait3A_252 = tpu.memref_slice %arg8[%dma_wait3A_250, %dma_wait3A_251] : memref<256x128xi32, #tpu.memory_space<vmem>> -> memref<64x128xi32, #tpu.memory_space<vmem>>
      %dma_wait3A_253 = arith.constant 0 : i32
      %dma_wait3A_254 = arith.constant 0 : i32
      %dma_wait3A_255 = tpu.memref_slice %arg5[%add3A_49, %dma_wait3A_253, %dma_wait3A_254] : memref<128x64x128xi32, #tpu.memory_space<hbm>> -> memref<1x64x128xi32, #tpu.memory_space<hbm>>
      %dma_wait3A_256 = tpu.memref_squeeze %dma_wait3A_255 : memref<1x64x128xi32, #tpu.memory_space<hbm>> -> memref<64x128xi32, #tpu.memory_space<hbm>>
      %dma_wait3A_257 = arith.constant 0 : i32
      %dma_wait3A_258 = arith.constant 0 : i32
      %dma_wait3A_259 = tpu.memref_slice %arg5[%add3A_49, %dma_wait3A_257, %dma_wait3A_258] : memref<128x64x128xi32, #tpu.memory_space<hbm>> -> memref<1x64x128xi32, #tpu.memory_space<hbm>>
      %dma_wait3A_260 = tpu.memref_squeeze %dma_wait3A_259 : memref<1x64x128xi32, #tpu.memory_space<hbm>> -> memref<64x128xi32, #tpu.memory_space<hbm>>
      %dma_wait3A_261 = arith.constant 0 : i32
      %dma_wait3A_262 = arith.constant 0 : i32
      %dma_wait3A_263 = tpu.memref_slice %arg8[%dma_wait3A_261, %dma_wait3A_262] : memref<256x128xi32, #tpu.memory_space<vmem>> -> memref<64x128xi32, #tpu.memory_space<vmem>>
      tpu.wait_dma2 semaphore(%run_scoped3A_235 : memref<!tpu.dma_semaphore, #tpu.memory_space<semaphore_mem>>) src(%dma_wait3A_263 : memref<64x128xi32, #tpu.memory_space<vmem>>) dst(%dma_wait3A_260 : memref<64x128xi32, #tpu.memory_space<hbm>>)
      tpu.yield
    }) : () -> ()
    %mul3A_50 = arith.constant 4 : i32
    %mul3A_51 = arith.muli %add3A, %mul3A_50 : i32
    %add3A_52 = arith.constant 1 : i32
    %add3A_53 = arith.addi %mul3A_51, %add3A_52 : i32
    "tpu.region"() ({
      %run_scoped3A_235 = tpu.sem_alloc : memref<!tpu.dma_semaphore, #tpu.memory_space<semaphore_mem>>
      %dma_start3A_236 = arith.constant 64 : i32
      %dma_start3A_237 = arith.constant 0 : i32
      %dma_start3A_238 = tpu.memref_slice %arg8[%dma_start3A_236, %dma_start3A_237] : memref<256x128xi32, #tpu.memory_space<vmem>> -> memref<64x128xi32, #tpu.memory_space<vmem>>
      %dma_start3A_239 = arith.constant 0 : i32
      %dma_start3A_240 = arith.constant 0 : i32
      %dma_start3A_241 = tpu.memref_slice %arg5[%add3A_53, %dma_start3A_239, %dma_start3A_240] : memref<128x64x128xi32, #tpu.memory_space<hbm>> -> memref<1x64x128xi32, #tpu.memory_space<hbm>>
      %dma_start3A_242 = tpu.memref_squeeze %dma_start3A_241 : memref<1x64x128xi32, #tpu.memory_space<hbm>> -> memref<64x128xi32, #tpu.memory_space<hbm>>
      %dma_start3A_243 = arith.constant 0 : i32
      %dma_start3A_244 = arith.constant 0 : i32
      %dma_start3A_245 = tpu.memref_slice %arg5[%add3A_53, %dma_start3A_243, %dma_start3A_244] : memref<128x64x128xi32, #tpu.memory_space<hbm>> -> memref<1x64x128xi32, #tpu.memory_space<hbm>>
      %dma_start3A_246 = tpu.memref_squeeze %dma_start3A_245 : memref<1x64x128xi32, #tpu.memory_space<hbm>> -> memref<64x128xi32, #tpu.memory_space<hbm>>
      %dma_start3A_247 = arith.constant 64 : i32
      %dma_start3A_248 = arith.constant 0 : i32
      %dma_start3A_249 = tpu.memref_slice %arg8[%dma_start3A_247, %dma_start3A_248] : memref<256x128xi32, #tpu.memory_space<vmem>> -> memref<64x128xi32, #tpu.memory_space<vmem>>
      tpu.enqueue_dma source(%dma_start3A_249 : memref<64x128xi32, #tpu.memory_space<vmem>>) target(%dma_start3A_246 : memref<64x128xi32, #tpu.memory_space<hbm>>) target_semaphore(%run_scoped3A_235 : memref<!tpu.dma_semaphore, #tpu.memory_space<semaphore_mem>>)
      %dma_wait3A_250 = arith.constant 64 : i32
      %dma_wait3A_251 = arith.constant 0 : i32
      %dma_wait3A_252 = tpu.memref_slice %arg8[%dma_wait3A_250, %dma_wait3A_251] : memref<256x128xi32, #tpu.memory_space<vmem>> -> memref<64x128xi32, #tpu.memory_space<vmem>>
      %dma_wait3A_253 = arith.constant 0 : i32
      %dma_wait3A_254 = arith.constant 0 : i32
      %dma_wait3A_255 = tpu.memref_slice %arg5[%add3A_53, %dma_wait3A_253, %dma_wait3A_254] : memref<128x64x128xi32, #tpu.memory_space<hbm>> -> memref<1x64x128xi32, #tpu.memory_space<hbm>>
      %dma_wait3A_256 = tpu.memref_squeeze %dma_wait3A_255 : memref<1x64x128xi32, #tpu.memory_space<hbm>> -> memref<64x128xi32, #tpu.memory_space<hbm>>
      %dma_wait3A_257 = arith.constant 0 : i32
      %dma_wait3A_258 = arith.constant 0 : i32
      %dma_wait3A_259 = tpu.memref_slice %arg5[%add3A_53, %dma_wait3A_257, %dma_wait3A_258] : memref<128x64x128xi32, #tpu.memory_space<hbm>> -> memref<1x64x128xi32, #tpu.memory_space<hbm>>
      %dma_wait3A_260 = tpu.memref_squeeze %dma_wait3A_259 : memref<1x64x128xi32, #tpu.memory_space<hbm>> -> memref<64x128xi32, #tpu.memory_space<hbm>>
      %dma_wait3A_261 = arith.constant 64 : i32
      %dma_wait3A_262 = arith.constant 0 : i32
      %dma_wait3A_263 = tpu.memref_slice %arg8[%dma_wait3A_261, %dma_wait3A_262] : memref<256x128xi32, #tpu.memory_space<vmem>> -> memref<64x128xi32, #tpu.memory_space<vmem>>
      tpu.wait_dma2 semaphore(%run_scoped3A_235 : memref<!tpu.dma_semaphore, #tpu.memory_space<semaphore_mem>>) src(%dma_wait3A_263 : memref<64x128xi32, #tpu.memory_space<vmem>>) dst(%dma_wait3A_260 : memref<64x128xi32, #tpu.memory_space<hbm>>)
      tpu.yield
    }) : () -> ()
    %mul3A_54 = arith.constant 4 : i32
    %mul3A_55 = arith.muli %add3A, %mul3A_54 : i32
    %add3A_56 = arith.constant 2 : i32
    %add3A_57 = arith.addi %mul3A_55, %add3A_56 : i32
    "tpu.region"() ({
      %run_scoped3A_235 = tpu.sem_alloc : memref<!tpu.dma_semaphore, #tpu.memory_space<semaphore_mem>>
      %dma_start3A_236 = arith.constant 128 : i32
      %dma_start3A_237 = arith.constant 0 : i32
      %dma_start3A_238 = tpu.memref_slice %arg8[%dma_start3A_236, %dma_start3A_237] : memref<256x128xi32, #tpu.memory_space<vmem>> -> memref<64x128xi32, #tpu.memory_space<vmem>>
      %dma_start3A_239 = arith.constant 0 : i32
      %dma_start3A_240 = arith.constant 0 : i32
      %dma_start3A_241 = tpu.memref_slice %arg5[%add3A_57, %dma_start3A_239, %dma_start3A_240] : memref<128x64x128xi32, #tpu.memory_space<hbm>> -> memref<1x64x128xi32, #tpu.memory_space<hbm>>
      %dma_start3A_242 = tpu.memref_squeeze %dma_start3A_241 : memref<1x64x128xi32, #tpu.memory_space<hbm>> -> memref<64x128xi32, #tpu.memory_space<hbm>>
      %dma_start3A_243 = arith.constant 0 : i32
      %dma_start3A_244 = arith.constant 0 : i32
      %dma_start3A_245 = tpu.memref_slice %arg5[%add3A_57, %dma_start3A_243, %dma_start3A_244] : memref<128x64x128xi32, #tpu.memory_space<hbm>> -> memref<1x64x128xi32, #tpu.memory_space<hbm>>
      %dma_start3A_246 = tpu.memref_squeeze %dma_start3A_245 : memref<1x64x128xi32, #tpu.memory_space<hbm>> -> memref<64x128xi32, #tpu.memory_space<hbm>>
      %dma_start3A_247 = arith.constant 128 : i32
      %dma_start3A_248 = arith.constant 0 : i32
      %dma_start3A_249 = tpu.memref_slice %arg8[%dma_start3A_247, %dma_start3A_248] : memref<256x128xi32, #tpu.memory_space<vmem>> -> memref<64x128xi32, #tpu.memory_space<vmem>>
      tpu.enqueue_dma source(%dma_start3A_249 : memref<64x128xi32, #tpu.memory_space<vmem>>) target(%dma_start3A_246 : memref<64x128xi32, #tpu.memory_space<hbm>>) target_semaphore(%run_scoped3A_235 : memref<!tpu.dma_semaphore, #tpu.memory_space<semaphore_mem>>)
      %dma_wait3A_250 = arith.constant 128 : i32
      %dma_wait3A_251 = arith.constant 0 : i32
      %dma_wait3A_252 = tpu.memref_slice %arg8[%dma_wait3A_250, %dma_wait3A_251] : memref<256x128xi32, #tpu.memory_space<vmem>> -> memref<64x128xi32, #tpu.memory_space<vmem>>
      %dma_wait3A_253 = arith.constant 0 : i32
      %dma_wait3A_254 = arith.constant 0 : i32
      %dma_wait3A_255 = tpu.memref_slice %arg5[%add3A_57, %dma_wait3A_253, %dma_wait3A_254] : memref<128x64x128xi32, #tpu.memory_space<hbm>> -> memref<1x64x128xi32, #tpu.memory_space<hbm>>
      %dma_wait3A_256 = tpu.memref_squeeze %dma_wait3A_255 : memref<1x64x128xi32, #tpu.memory_space<hbm>> -> memref<64x128xi32, #tpu.memory_space<hbm>>
      %dma_wait3A_257 = arith.constant 0 : i32
      %dma_wait3A_258 = arith.constant 0 : i32
      %dma_wait3A_259 = tpu.memref_slice %arg5[%add3A_57, %dma_wait3A_257, %dma_wait3A_258] : memref<128x64x128xi32, #tpu.memory_space<hbm>> -> memref<1x64x128xi32, #tpu.memory_space<hbm>>
      %dma_wait3A_260 = tpu.memref_squeeze %dma_wait3A_259 : memref<1x64x128xi32, #tpu.memory_space<hbm>> -> memref<64x128xi32, #tpu.memory_space<hbm>>
      %dma_wait3A_261 = arith.constant 128 : i32
      %dma_wait3A_262 = arith.constant 0 : i32
      %dma_wait3A_263 = tpu.memref_slice %arg8[%dma_wait3A_261, %dma_wait3A_262] : memref<256x128xi32, #tpu.memory_space<vmem>> -> memref<64x128xi32, #tpu.memory_space<vmem>>
      tpu.wait_dma2 semaphore(%run_scoped3A_235 : memref<!tpu.dma_semaphore, #tpu.memory_space<semaphore_mem>>) src(%dma_wait3A_263 : memref<64x128xi32, #tpu.memory_space<vmem>>) dst(%dma_wait3A_260 : memref<64x128xi32, #tpu.memory_space<hbm>>)
      tpu.yield
    }) : () -> ()
    %mul3A_58 = arith.constant 4 : i32
    %mul3A_59 = arith.muli %add3A, %mul3A_58 : i32
    %add3A_60 = arith.constant 3 : i32
    %add3A_61 = arith.addi %mul3A_59, %add3A_60 : i32
    "tpu.region"() ({
      %run_scoped3A_235 = tpu.sem_alloc : memref<!tpu.dma_semaphore, #tpu.memory_space<semaphore_mem>>
      %dma_start3A_236 = arith.constant 192 : i32
      %dma_start3A_237 = arith.constant 0 : i32
      %dma_start3A_238 = tpu.memref_slice %arg8[%dma_start3A_236, %dma_start3A_237] : memref<256x128xi32, #tpu.memory_space<vmem>> -> memref<64x128xi32, #tpu.memory_space<vmem>>
      %dma_start3A_239 = arith.constant 0 : i32
      %dma_start3A_240 = arith.constant 0 : i32
      %dma_start3A_241 = tpu.memref_slice %arg5[%add3A_61, %dma_start3A_239, %dma_start3A_240] : memref<128x64x128xi32, #tpu.memory_space<hbm>> -> memref<1x64x128xi32, #tpu.memory_space<hbm>>
      %dma_start3A_242 = tpu.memref_squeeze %dma_start3A_241 : memref<1x64x128xi32, #tpu.memory_space<hbm>> -> memref<64x128xi32, #tpu.memory_space<hbm>>
      %dma_start3A_243 = arith.constant 0 : i32
      %dma_start3A_244 = arith.constant 0 : i32
      %dma_start3A_245 = tpu.memref_slice %arg5[%add3A_61, %dma_start3A_243, %dma_start3A_244] : memref<128x64x128xi32, #tpu.memory_space<hbm>> -> memref<1x64x128xi32, #tpu.memory_space<hbm>>
      %dma_start3A_246 = tpu.memref_squeeze %dma_start3A_245 : memref<1x64x128xi32, #tpu.memory_space<hbm>> -> memref<64x128xi32, #tpu.memory_space<hbm>>
      %dma_start3A_247 = arith.constant 192 : i32
      %dma_start3A_248 = arith.constant 0 : i32
      %dma_start3A_249 = tpu.memref_slice %arg8[%dma_start3A_247, %dma_start3A_248] : memref<256x128xi32, #tpu.memory_space<vmem>> -> memref<64x128xi32, #tpu.memory_space<vmem>>
      tpu.enqueue_dma source(%dma_start3A_249 : memref<64x128xi32, #tpu.memory_space<vmem>>) target(%dma_start3A_246 : memref<64x128xi32, #tpu.memory_space<hbm>>) target_semaphore(%run_scoped3A_235 : memref<!tpu.dma_semaphore, #tpu.memory_space<semaphore_mem>>)
      %dma_wait3A_250 = arith.constant 192 : i32
      %dma_wait3A_251 = arith.constant 0 : i32
      %dma_wait3A_252 = tpu.memref_slice %arg8[%dma_wait3A_250, %dma_wait3A_251] : memref<256x128xi32, #tpu.memory_space<vmem>> -> memref<64x128xi32, #tpu.memory_space<vmem>>
      %dma_wait3A_253 = arith.constant 0 : i32
      %dma_wait3A_254 = arith.constant 0 : i32
      %dma_wait3A_255 = tpu.memref_slice %arg5[%add3A_61, %dma_wait3A_253, %dma_wait3A_254] : memref<128x64x128xi32, #tpu.memory_space<hbm>> -> memref<1x64x128xi32, #tpu.memory_space<hbm>>
      %dma_wait3A_256 = tpu.memref_squeeze %dma_wait3A_255 : memref<1x64x128xi32, #tpu.memory_space<hbm>> -> memref<64x128xi32, #tpu.memory_space<hbm>>
      %dma_wait3A_257 = arith.constant 0 : i32
      %dma_wait3A_258 = arith.constant 0 : i32
      %dma_wait3A_259 = tpu.memref_slice %arg5[%add3A_61, %dma_wait3A_257, %dma_wait3A_258] : memref<128x64x128xi32, #tpu.memory_space<hbm>> -> memref<1x64x128xi32, #tpu.memory_space<hbm>>
      %dma_wait3A_260 = tpu.memref_squeeze %dma_wait3A_259 : memref<1x64x128xi32, #tpu.memory_space<hbm>> -> memref<64x128xi32, #tpu.memory_space<hbm>>
      %dma_wait3A_261 = arith.constant 192 : i32
      %dma_wait3A_262 = arith.constant 0 : i32
      %dma_wait3A_263 = tpu.memref_slice %arg8[%dma_wait3A_261, %dma_wait3A_262] : memref<256x128xi32, #tpu.memory_space<vmem>> -> memref<64x128xi32, #tpu.memory_space<vmem>>
      tpu.wait_dma2 semaphore(%run_scoped3A_235 : memref<!tpu.dma_semaphore, #tpu.memory_space<semaphore_mem>>) src(%dma_wait3A_263 : memref<64x128xi32, #tpu.memory_space<vmem>>) dst(%dma_wait3A_260 : memref<64x128xi32, #tpu.memory_space<hbm>>)
      tpu.yield
    }) : () -> ()
    %iota3A = tpu.iota {dimensions = array<i32: 0>} : vector<16xi32>
    %broadcast_in_dim3A = arith.constant 0 : i32
    %broadcast_in_dim3A_62 = vector.broadcast %broadcast_in_dim3A : i32 to vector<16xi32>
    %broadcast_in_dim3A_63 = arith.constant 1 : i32
    %broadcast_in_dim3A_64 = vector.broadcast %broadcast_in_dim3A_63 : i32 to vector<16xi32>
    %mul3A_65 = arith.constant 4 : i32
    %mul3A_66 = arith.muli %add3A, %mul3A_65 : i32
    %add3A_67 = arith.constant 0 : i32
    %add3A_68 = arith.addi %mul3A_66, %add3A_67 : i32
    "tpu.region"() ({
      %run_scoped3A_235 = tpu.sem_alloc : memref<!tpu.dma_semaphore, #tpu.memory_space<semaphore_mem>>
      %dma_start3A_236 = arith.constant 0 : i32
      %dma_start3A_237 = tpu.memref_slice %arg4[%add3A_68, %dma_start3A_236] : memref<128x16xi32, #tpu.memory_space<hbm>> -> memref<1x16xi32, #tpu.memory_space<hbm>>
      %dma_start3A_238 = tpu.memref_squeeze %dma_start3A_237 : memref<1x16xi32, #tpu.memory_space<hbm>> -> memref<16xi32, #tpu.memory_space<hbm>>
      %dma_start3A_239 = arith.constant 0 : i32
      %dma_start3A_240 = tpu.memref_slice %arg4[%add3A_68, %dma_start3A_239] : memref<128x16xi32, #tpu.memory_space<hbm>> -> memref<1x16xi32, #tpu.memory_space<hbm>>
      %dma_start3A_241 = tpu.memref_squeeze %dma_start3A_240 : memref<1x16xi32, #tpu.memory_space<hbm>> -> memref<16xi32, #tpu.memory_space<hbm>>
      tpu.enqueue_dma source(%dma_start3A_241 : memref<16xi32, #tpu.memory_space<hbm>>) target(%arg9 : memref<16xi32, #tpu.memory_space<vmem>>) target_semaphore(%run_scoped3A_235 : memref<!tpu.dma_semaphore, #tpu.memory_space<semaphore_mem>>)
      %dma_wait3A_242 = arith.constant 0 : i32
      %dma_wait3A_243 = tpu.memref_slice %arg4[%add3A_68, %dma_wait3A_242] : memref<128x16xi32, #tpu.memory_space<hbm>> -> memref<1x16xi32, #tpu.memory_space<hbm>>
      %dma_wait3A_244 = tpu.memref_squeeze %dma_wait3A_243 : memref<1x16xi32, #tpu.memory_space<hbm>> -> memref<16xi32, #tpu.memory_space<hbm>>
      %dma_wait3A_245 = arith.constant 0 : i32
      %dma_wait3A_246 = tpu.memref_slice %arg4[%add3A_68, %dma_wait3A_245] : memref<128x16xi32, #tpu.memory_space<hbm>> -> memref<1x16xi32, #tpu.memory_space<hbm>>
      %dma_wait3A_247 = tpu.memref_squeeze %dma_wait3A_246 : memref<1x16xi32, #tpu.memory_space<hbm>> -> memref<16xi32, #tpu.memory_space<hbm>>
      tpu.wait_dma2 semaphore(%run_scoped3A_235 : memref<!tpu.dma_semaphore, #tpu.memory_space<semaphore_mem>>) src(%dma_wait3A_247 : memref<16xi32, #tpu.memory_space<hbm>>) dst(%arg9 : memref<16xi32, #tpu.memory_space<vmem>>)
      tpu.yield
    }) : () -> ()
    %get3A = arith.constant 0 : index
    %get3A_69 = tpu.vector_load %arg9[%get3A] {strides = array<i32>} : memref<16xi32, #tpu.memory_space<vmem>>, vector<16xi32>,
    %scan3A = arith.constant 0 : i32
    %scan3A_70 = arith.constant 256 : i32
    %scan3A_71 = arith.addi %scan3A, %scan3A_70 : i32
    %scan3A_72 = arith.constant 1 : i32
    %scan3A_73:3 = scf.for %scan3A_235 = %scan3A to %scan3A_71 step %scan3A_72 iter_args(%scan3A_236 = %broadcast_in_dim3A_62, %scan3A_237 = %broadcast_in_dim3A_62, %scan3A_238 = %broadcast_in_dim3A_62) -> (vector<16xi32>, vector<16xi32>, vector<16xi32>)  : i32 {
      %jit3A = arith.constant 4 : i32
      %div3A = arith.divsi %scan3A_235, %jit3A : i32
      %sign3A = arith.constant 0 : i32
      %sign3A_239 = arith.cmpi sgt, %scan3A_235, %sign3A : i32
      %sign3A_240 = arith.extui %sign3A_239 : i1 to i32
      %sign3A_241 = arith.constant 0 : i32
      %sign3A_242 = arith.cmpi slt, %scan3A_235, %sign3A_241 : i32
      %sign3A_243 = arith.extui %sign3A_242 : i1 to i32
      %sign3A_244 = arith.subi %sign3A_240, %sign3A_243 : i32
      %sign3A_245 = arith.constant 0 : i32
      %sign3A_246 = arith.cmpi sgt, %jit3A, %sign3A_245 : i32
      %sign3A_247 = arith.extui %sign3A_246 : i1 to i32
      %sign3A_248 = arith.constant 0 : i32
      %sign3A_249 = arith.cmpi slt, %jit3A, %sign3A_248 : i32
      %sign3A_250 = arith.extui %sign3A_249 : i1 to i32
      %sign3A_251 = arith.subi %sign3A_247, %sign3A_250 : i32
      %ne3A = arith.cmpi ne, %sign3A_244, %sign3A_251 : i32
      %rem3A = arith.remsi %scan3A_235, %jit3A : i32
      %ne3A_252 = arith.constant 0 : i32
      %ne3A_253 = arith.cmpi ne, %rem3A, %ne3A_252 : i32
      %and3A = arith.andi %ne3A, %ne3A_253 : i1
      %sub3A = arith.constant 1 : i32
      %sub3A_254 = arith.subi %div3A, %sub3A : i32
      %select_n3A = arith.select %and3A, %sub3A_254, %div3A : i32
      %add3A_255 = arith.constant 0 : i32
      %add3A_256 = arith.addi %add3A_255, %select_n3A : i32
      %add3A_257 = vector.broadcast %add3A_256 : i32 to vector<16xi32>
      %add3A_258 = arith.addi %broadcast_in_dim3A_62, %add3A_257 : vector<16xi32>
      %jit3A_259 = arith.constant 4 : i32
      %eq3A_260 = arith.constant 0 : i32
      %eq3A_261 = arith.cmpi eq, %jit3A_259, %eq3A_260 : i32
      %jit3A_262 = arith.constant 1 : i32
      %select_n3A_263 = arith.select %eq3A_261, %jit3A_262, %jit3A_259 : i32
      %rem3A_264 = arith.remsi %scan3A_235, %select_n3A_263 : i32
      %ne3A_265 = arith.constant 0 : i32
      %ne3A_266 = arith.cmpi ne, %rem3A_264, %ne3A_265 : i32
      %lt3A = arith.constant 0 : i32
      %lt3A_267 = arith.cmpi slt, %rem3A_264, %lt3A : i32
      %lt3A_268 = arith.constant 0 : i32
      %lt3A_269 = arith.cmpi slt, %select_n3A_263, %lt3A_268 : i32
      %ne3A_270 = arith.xori %lt3A_267, %lt3A_269 : i1
      %and3A_271 = arith.andi %ne3A_270, %ne3A_266 : i1
      %add3A_272 = arith.addi %rem3A_264, %select_n3A_263 : i32
      %select_n3A_273 = arith.select %and3A_271, %add3A_272, %rem3A_264 : i32
      %mul3A_274 = arith.constant 16 : i32
      %mul3A_275 = arith.muli %select_n3A_273, %mul3A_274 : i32
      %add3A_276 = vector.broadcast %mul3A_275 : i32 to vector<16xi32>
      %add3A_277 = arith.addi %add3A_276, %iota3A : vector<16xi32>
      %mul3A_278 = arith.constant 2 : i32
      %mul3A_279 = vector.broadcast %mul3A_278 : i32 to vector<16xi32>
      %mul3A_280 = arith.muli %mul3A_279, %add3A_277 : vector<16xi32>
      %gather3A = tpu.vector_load_idx %arg8[%add3A_258, %mul3A_280] : memref<256x128xi32, #tpu.memory_space<vmem>>[vector<16xi32>, vector<16xi32>], vector<16xi32>,
      %add3A_281 = arith.addi %mul3A_280, %broadcast_in_dim3A_64 : vector<16xi32>
      %gather3A_282 = tpu.vector_load_idx %arg8[%add3A_258, %add3A_281] : memref<256x128xi32, #tpu.memory_space<vmem>>[vector<16xi32>, vector<16xi32>], vector<16xi32>,
      %ne3A_283 = arith.constant -1 : i32
      %ne3A_284 = vector.broadcast %ne3A_283 : i32 to vector<16xi32>
      %ne3A_285 = arith.cmpi ne, %gather3A, %ne3A_284 : vector<16xi32>
      %ne3A_286 = arith.constant -1 : i32
      %ne3A_287 = vector.broadcast %ne3A_286 : i32 to vector<16xi32>
      %ne3A_288 = arith.cmpi ne, %gather3A_282, %ne3A_287 : vector<16xi32>
      %and3A_289 = arith.andi %ne3A_285, %ne3A_288 : vector<16xi1>
      %convert_element_type3A_290 = arith.extui %and3A_289 : vector<16xi1> to vector<16xi32>
      %add3A_291 = arith.addi %scan3A_236, %convert_element_type3A_290 : vector<16xi32>
      %convert_element_type3A_292 = arith.extui %ne3A_285 : vector<16xi1> to vector<16xi32>
      %add3A_293 = arith.addi %scan3A_237, %convert_element_type3A_292 : vector<16xi32>
      %convert_element_type3A_294 = arith.extui %ne3A_288 : vector<16xi1> to vector<16xi32>
      %add3A_295 = arith.addi %add3A_293, %convert_element_type3A_294 : vector<16xi32>
      %eq3A_296 = arith.cmpi eq, %gather3A, %get3A_69 : vector<16xi32>
      %convert_element_type3A_297 = arith.extui %eq3A_296 : vector<16xi1> to vector<16xi32>
      %or3A = arith.ori %scan3A_238, %convert_element_type3A_297 : vector<16xi32>
      scf.yield %add3A_291, %add3A_295, %or3A : vector<16xi32>, vector<16xi32>, vector<16xi32>
    }
    %scan3A_74 = arith.constant 256 : i32
    %add3A_75 = arith.addi %broadcast_in_dim3A_62, %scan3A_73#1 : vector<16xi32>
    %reduce_sum3A = arith.constant true
    %reduce_sum3A_76 = vector.broadcast %reduce_sum3A : i1 to vector<16xi1>
    %reduce_sum3A_77 = tpu.scan <sum>, %scan3A_73#0 masked %reduce_sum3A_76 : vector<16xi32>, vector<16xi1> -> vector<16xi32>
    %reduce_sum3A_78 = vector.extract %reduce_sum3A_77[15] : i32 from vector<16xi32>
    %add3A_79 = vector.broadcast %reduce_sum3A_78 : i32 to vector<16xi32>
    %add3A_80 = arith.addi %broadcast_in_dim3A_62, %add3A_79 : vector<16xi32>
    %reduce_sum3A_81 = arith.constant true
    %reduce_sum3A_82 = vector.broadcast %reduce_sum3A_81 : i1 to vector<16xi1>
    %reduce_sum3A_83 = tpu.scan <sum>, %scan3A_73#2 masked %reduce_sum3A_82 : vector<16xi32>, vector<16xi1> -> vector<16xi32>
    %reduce_sum3A_84 = vector.extract %reduce_sum3A_83[15] : i32 from vector<16xi32>
    %gt3A = arith.constant 0 : i32
    %gt3A_85 = arith.cmpi sgt, %reduce_sum3A_84, %gt3A : i32
    %convert_element_type3A = arith.extui %gt3A_85 : i1 to i32
    %cond3A = arith.constant 0 : i32
    %cond3A_86 = arith.cmpi ne, %convert_element_type3A, %cond3A : i32
    %cond3A_87 = scf.if %cond3A_86 -> (vector<16xi32>) {
      %scan3A_235 = arith.constant 0 : i32
      %scan3A_236 = arith.constant 256 : i32
      %scan3A_237 = arith.addi %scan3A_235, %scan3A_236 : i32
      %scan3A_238 = arith.constant 1 : i32
      %scan3A_239:3 = scf.for %scan3A_241 = %scan3A_235 to %scan3A_237 step %scan3A_238 iter_args(%scan3A_242 = %broadcast_in_dim3A_62, %scan3A_243 = %broadcast_in_dim3A_62, %scan3A_244 = %broadcast_in_dim3A_62) -> (vector<16xi32>, vector<16xi32>, vector<16xi32>)  : i32 {
        %jit3A = arith.constant 4 : i32
        %div3A = arith.divsi %scan3A_241, %jit3A : i32
        %sign3A = arith.constant 0 : i32
        %sign3A_245 = arith.cmpi sgt, %scan3A_241, %sign3A : i32
        %sign3A_246 = arith.extui %sign3A_245 : i1 to i32
        %sign3A_247 = arith.constant 0 : i32
        %sign3A_248 = arith.cmpi slt, %scan3A_241, %sign3A_247 : i32
        %sign3A_249 = arith.extui %sign3A_248 : i1 to i32
        %sign3A_250 = arith.subi %sign3A_246, %sign3A_249 : i32
        %sign3A_251 = arith.constant 0 : i32
        %sign3A_252 = arith.cmpi sgt, %jit3A, %sign3A_251 : i32
        %sign3A_253 = arith.extui %sign3A_252 : i1 to i32
        %sign3A_254 = arith.constant 0 : i32
        %sign3A_255 = arith.cmpi slt, %jit3A, %sign3A_254 : i32
        %sign3A_256 = arith.extui %sign3A_255 : i1 to i32
        %sign3A_257 = arith.subi %sign3A_253, %sign3A_256 : i32
        %ne3A = arith.cmpi ne, %sign3A_250, %sign3A_257 : i32
        %rem3A = arith.remsi %scan3A_241, %jit3A : i32
        %ne3A_258 = arith.constant 0 : i32
        %ne3A_259 = arith.cmpi ne, %rem3A, %ne3A_258 : i32
        %and3A = arith.andi %ne3A, %ne3A_259 : i1
        %sub3A = arith.constant 1 : i32
        %sub3A_260 = arith.subi %div3A, %sub3A : i32
        %select_n3A = arith.select %and3A, %sub3A_260, %div3A : i32
        %add3A_261 = arith.constant 0 : i32
        %add3A_262 = arith.addi %add3A_261, %select_n3A : i32
        %add3A_263 = vector.broadcast %add3A_262 : i32 to vector<16xi32>
        %add3A_264 = arith.addi %broadcast_in_dim3A_62, %add3A_263 : vector<16xi32>
        %jit3A_265 = arith.constant 4 : i32
        %eq3A_266 = arith.constant 0 : i32
        %eq3A_267 = arith.cmpi eq, %jit3A_265, %eq3A_266 : i32
        %jit3A_268 = arith.constant 1 : i32
        %select_n3A_269 = arith.select %eq3A_267, %jit3A_268, %jit3A_265 : i32
        %rem3A_270 = arith.remsi %scan3A_241, %select_n3A_269 : i32
        %ne3A_271 = arith.constant 0 : i32
        %ne3A_272 = arith.cmpi ne, %rem3A_270, %ne3A_271 : i32
        %lt3A = arith.constant 0 : i32
        %lt3A_273 = arith.cmpi slt, %rem3A_270, %lt3A : i32
        %lt3A_274 = arith.constant 0 : i32
        %lt3A_275 = arith.cmpi slt, %select_n3A_269, %lt3A_274 : i32
        %ne3A_276 = arith.xori %lt3A_273, %lt3A_275 : i1
        %and3A_277 = arith.andi %ne3A_276, %ne3A_272 : i1
        %add3A_278 = arith.addi %rem3A_270, %select_n3A_269 : i32
        %select_n3A_279 = arith.select %and3A_277, %add3A_278, %rem3A_270 : i32
        %mul3A_280 = arith.constant 16 : i32
        %mul3A_281 = arith.muli %select_n3A_279, %mul3A_280 : i32
        %add3A_282 = vector.broadcast %mul3A_281 : i32 to vector<16xi32>
        %add3A_283 = arith.addi %add3A_282, %iota3A : vector<16xi32>
        %mul3A_284 = arith.constant 2 : i32
        %mul3A_285 = vector.broadcast %mul3A_284 : i32 to vector<16xi32>
        %mul3A_286 = arith.muli %mul3A_285, %add3A_283 : vector<16xi32>
        %gather3A = tpu.vector_load_idx %arg8[%add3A_264, %mul3A_286] : memref<256x128xi32, #tpu.memory_space<vmem>>[vector<16xi32>, vector<16xi32>], vector<16xi32>,
        %add3A_287 = arith.addi %mul3A_286, %broadcast_in_dim3A_64 : vector<16xi32>
        %gather3A_288 = tpu.vector_load_idx %arg8[%add3A_264, %add3A_287] : memref<256x128xi32, #tpu.memory_space<vmem>>[vector<16xi32>, vector<16xi32>], vector<16xi32>,
        %ne3A_289 = arith.constant -1 : i32
        %ne3A_290 = vector.broadcast %ne3A_289 : i32 to vector<16xi32>
        %ne3A_291 = arith.cmpi ne, %gather3A, %ne3A_290 : vector<16xi32>
        %ne3A_292 = arith.constant -1 : i32
        %ne3A_293 = vector.broadcast %ne3A_292 : i32 to vector<16xi32>
        %ne3A_294 = arith.cmpi ne, %gather3A_288, %ne3A_293 : vector<16xi32>
        %and3A_295 = arith.andi %ne3A_291, %ne3A_294 : vector<16xi1>
        %eq3A_296 = arith.cmpi eq, %gather3A, %get3A_69 : vector<16xi32>
        %jit3A_297 = arith.constant 99 : i32
        %broadcast_in_dim3A_298 = vector.broadcast %jit3A_297 : i32 to vector<16xi32>
        %select_n3A_299 = arith.select %eq3A_296, %iota3A, %broadcast_in_dim3A_298 : vector<16xi1>, vector<16xi32>
        %reduce_min3A = arith.constant true
        %reduce_min3A_300 = vector.broadcast %reduce_min3A : i1 to vector<16xi1>
        %reduce_min3A_301 = arith.constant -2147483648 : i32
        %reduce_min3A_302 = vector.broadcast %reduce_min3A_301 : i32 to vector<16xi32>
        %reduce_min3A_303 = arith.xori %select_n3A_299, %reduce_min3A_302 : vector<16xi32>
        %reduce_min3A_304 = tpu.scan <min>, %reduce_min3A_303 masked %reduce_min3A_300 : vector<16xi32>, vector<16xi1> -> vector<16xi32>
        %reduce_min3A_305 = arith.xori %reduce_min3A_304, %reduce_min3A_302 : vector<16xi32>
        %reduce_min3A_306 = vector.extract %reduce_min3A_305[15] : i32 from vector<16xi32>
        %add3A_307 = vector.broadcast %reduce_min3A_306 : i32 to vector<16xi32>
        %add3A_308 = arith.addi %broadcast_in_dim3A_62, %add3A_307 : vector<16xi32>
        %lt3A_309 = arith.constant 99 : i32
        %lt3A_310 = vector.broadcast %lt3A_309 : i32 to vector<16xi32>
        %lt3A_311 = arith.cmpi slt, %add3A_308, %lt3A_310 : vector<16xi32>
        %convert_element_type3A_312 = arith.extui %lt3A_311 : vector<16xi1> to vector<16xi32>
        %lt3A_313 = arith.cmpi slt, %iota3A, %add3A_308 : vector<16xi32>
        %and3A_314 = arith.andi %and3A_295, %lt3A_313 : vector<16xi1>
        %all_reduce_population_count3A = tpu.all_reduce %and3A_314 {dim = 0 : i64, kind = #tpu.reduction_kind<sum>} : vector<16xi1> -> vector<16xi32>
        %sub3A_315 = arith.constant 1 : i32
        %sub3A_316 = vector.broadcast %sub3A_315 : i32 to vector<16xi32>
        %sub3A_317 = arith.subi %sub3A_316, %scan3A_243 : vector<16xi32>
        %mul3A_318 = arith.muli %sub3A_317, %convert_element_type3A_312 : vector<16xi32>
        %add3A_319 = arith.addi %scan3A_242, %all_reduce_population_count3A : vector<16xi32>
        %mul3A_320 = arith.muli %mul3A_318, %add3A_319 : vector<16xi32>
        %add3A_321 = arith.addi %scan3A_244, %mul3A_320 : vector<16xi32>
        %max3A = arith.maxsi %scan3A_243, %convert_element_type3A_312 : vector<16xi32>
        %all_reduce_population_count3A_322 = tpu.all_reduce %and3A_295 {dim = 0 : i64, kind = #tpu.reduction_kind<sum>} : vector<16xi1> -> vector<16xi32>
        %add3A_323 = arith.addi %scan3A_242, %all_reduce_population_count3A_322 : vector<16xi32>
        scf.yield %add3A_323, %max3A, %add3A_321 : vector<16xi32>, vector<16xi32>, vector<16xi32>
      }
      %scan3A_240 = arith.constant 256 : i32
      scf.yield %scan3A_239#2 : vector<16xi32>
    } else {
      scf.yield %broadcast_in_dim3A_62 : vector<16xi32>
    }
    %eq3A = arith.constant 0 : i32
    %eq3A_88 = vector.broadcast %eq3A : i32 to vector<16xi32>
    %eq3A_89 = arith.cmpi eq, %iota3A, %eq3A_88 : vector<16xi32>
    %convert_element_type3A_90 = arith.extui %eq3A_89 : vector<16xi1> to vector<16xi32>
    %mul3A_91 = arith.muli %add3A_80, %convert_element_type3A_90 : vector<16xi32>
    %add3A_92 = arith.addi %broadcast_in_dim3A_62, %mul3A_91 : vector<16xi32>
    %eq3A_93 = arith.constant 4 : i32
    %eq3A_94 = vector.broadcast %eq3A_93 : i32 to vector<16xi32>
    %eq3A_95 = arith.cmpi eq, %iota3A, %eq3A_94 : vector<16xi32>
    %convert_element_type3A_96 = arith.extui %eq3A_95 : vector<16xi1> to vector<16xi32>
    %mul3A_97 = arith.muli %cond3A_87, %convert_element_type3A_96 : vector<16xi32>
    %add3A_98 = arith.addi %add3A_92, %mul3A_97 : vector<16xi32>
    %mul3A_99 = arith.constant 4 : i32
    %mul3A_100 = arith.muli %add3A, %mul3A_99 : i32
    %add3A_101 = arith.constant 1 : i32
    %add3A_102 = arith.addi %mul3A_100, %add3A_101 : i32
    "tpu.region"() ({
      %run_scoped3A_235 = tpu.sem_alloc : memref<!tpu.dma_semaphore, #tpu.memory_space<semaphore_mem>>
      %dma_start3A_236 = arith.constant 0 : i32
      %dma_start3A_237 = tpu.memref_slice %arg4[%add3A_102, %dma_start3A_236] : memref<128x16xi32, #tpu.memory_space<hbm>> -> memref<1x16xi32, #tpu.memory_space<hbm>>
      %dma_start3A_238 = tpu.memref_squeeze %dma_start3A_237 : memref<1x16xi32, #tpu.memory_space<hbm>> -> memref<16xi32, #tpu.memory_space<hbm>>
      %dma_start3A_239 = arith.constant 0 : i32
      %dma_start3A_240 = tpu.memref_slice %arg4[%add3A_102, %dma_start3A_239] : memref<128x16xi32, #tpu.memory_space<hbm>> -> memref<1x16xi32, #tpu.memory_space<hbm>>
      %dma_start3A_241 = tpu.memref_squeeze %dma_start3A_240 : memref<1x16xi32, #tpu.memory_space<hbm>> -> memref<16xi32, #tpu.memory_space<hbm>>
      tpu.enqueue_dma source(%dma_start3A_241 : memref<16xi32, #tpu.memory_space<hbm>>) target(%arg9 : memref<16xi32, #tpu.memory_space<vmem>>) target_semaphore(%run_scoped3A_235 : memref<!tpu.dma_semaphore, #tpu.memory_space<semaphore_mem>>)
      %dma_wait3A_242 = arith.constant 0 : i32
      %dma_wait3A_243 = tpu.memref_slice %arg4[%add3A_102, %dma_wait3A_242] : memref<128x16xi32, #tpu.memory_space<hbm>> -> memref<1x16xi32, #tpu.memory_space<hbm>>
      %dma_wait3A_244 = tpu.memref_squeeze %dma_wait3A_243 : memref<1x16xi32, #tpu.memory_space<hbm>> -> memref<16xi32, #tpu.memory_space<hbm>>
      %dma_wait3A_245 = arith.constant 0 : i32
      %dma_wait3A_246 = tpu.memref_slice %arg4[%add3A_102, %dma_wait3A_245] : memref<128x16xi32, #tpu.memory_space<hbm>> -> memref<1x16xi32, #tpu.memory_space<hbm>>
      %dma_wait3A_247 = tpu.memref_squeeze %dma_wait3A_246 : memref<1x16xi32, #tpu.memory_space<hbm>> -> memref<16xi32, #tpu.memory_space<hbm>>
      tpu.wait_dma2 semaphore(%run_scoped3A_235 : memref<!tpu.dma_semaphore, #tpu.memory_space<semaphore_mem>>) src(%dma_wait3A_247 : memref<16xi32, #tpu.memory_space<hbm>>) dst(%arg9 : memref<16xi32, #tpu.memory_space<vmem>>)
      tpu.yield
    }) : () -> ()
    %get3A_103 = arith.constant 0 : index
    %get3A_104 = tpu.vector_load %arg9[%get3A_103] {strides = array<i32>} : memref<16xi32, #tpu.memory_space<vmem>>, vector<16xi32>,
    %scan3A_105 = arith.constant 0 : i32
    %scan3A_106 = arith.constant 256 : i32
    %scan3A_107 = arith.addi %scan3A_105, %scan3A_106 : i32
    %scan3A_108 = arith.constant 1 : i32
    %scan3A_109:3 = scf.for %scan3A_235 = %scan3A_105 to %scan3A_107 step %scan3A_108 iter_args(%scan3A_236 = %broadcast_in_dim3A_62, %scan3A_237 = %broadcast_in_dim3A_62, %scan3A_238 = %broadcast_in_dim3A_62) -> (vector<16xi32>, vector<16xi32>, vector<16xi32>)  : i32 {
      %jit3A = arith.constant 4 : i32
      %div3A = arith.divsi %scan3A_235, %jit3A : i32
      %sign3A = arith.constant 0 : i32
      %sign3A_239 = arith.cmpi sgt, %scan3A_235, %sign3A : i32
      %sign3A_240 = arith.extui %sign3A_239 : i1 to i32
      %sign3A_241 = arith.constant 0 : i32
      %sign3A_242 = arith.cmpi slt, %scan3A_235, %sign3A_241 : i32
      %sign3A_243 = arith.extui %sign3A_242 : i1 to i32
      %sign3A_244 = arith.subi %sign3A_240, %sign3A_243 : i32
      %sign3A_245 = arith.constant 0 : i32
      %sign3A_246 = arith.cmpi sgt, %jit3A, %sign3A_245 : i32
      %sign3A_247 = arith.extui %sign3A_246 : i1 to i32
      %sign3A_248 = arith.constant 0 : i32
      %sign3A_249 = arith.cmpi slt, %jit3A, %sign3A_248 : i32
      %sign3A_250 = arith.extui %sign3A_249 : i1 to i32
      %sign3A_251 = arith.subi %sign3A_247, %sign3A_250 : i32
      %ne3A = arith.cmpi ne, %sign3A_244, %sign3A_251 : i32
      %rem3A = arith.remsi %scan3A_235, %jit3A : i32
      %ne3A_252 = arith.constant 0 : i32
      %ne3A_253 = arith.cmpi ne, %rem3A, %ne3A_252 : i32
      %and3A = arith.andi %ne3A, %ne3A_253 : i1
      %sub3A = arith.constant 1 : i32
      %sub3A_254 = arith.subi %div3A, %sub3A : i32
      %select_n3A = arith.select %and3A, %sub3A_254, %div3A : i32
      %add3A_255 = arith.constant 64 : i32
      %add3A_256 = arith.addi %add3A_255, %select_n3A : i32
      %add3A_257 = vector.broadcast %add3A_256 : i32 to vector<16xi32>
      %add3A_258 = arith.addi %broadcast_in_dim3A_62, %add3A_257 : vector<16xi32>
      %jit3A_259 = arith.constant 4 : i32
      %eq3A_260 = arith.constant 0 : i32
      %eq3A_261 = arith.cmpi eq, %jit3A_259, %eq3A_260 : i32
      %jit3A_262 = arith.constant 1 : i32
      %select_n3A_263 = arith.select %eq3A_261, %jit3A_262, %jit3A_259 : i32
      %rem3A_264 = arith.remsi %scan3A_235, %select_n3A_263 : i32
      %ne3A_265 = arith.constant 0 : i32
      %ne3A_266 = arith.cmpi ne, %rem3A_264, %ne3A_265 : i32
      %lt3A = arith.constant 0 : i32
      %lt3A_267 = arith.cmpi slt, %rem3A_264, %lt3A : i32
      %lt3A_268 = arith.constant 0 : i32
      %lt3A_269 = arith.cmpi slt, %select_n3A_263, %lt3A_268 : i32
      %ne3A_270 = arith.xori %lt3A_267, %lt3A_269 : i1
      %and3A_271 = arith.andi %ne3A_270, %ne3A_266 : i1
      %add3A_272 = arith.addi %rem3A_264, %select_n3A_263 : i32
      %select_n3A_273 = arith.select %and3A_271, %add3A_272, %rem3A_264 : i32
      %mul3A_274 = arith.constant 16 : i32
      %mul3A_275 = arith.muli %select_n3A_273, %mul3A_274 : i32
      %add3A_276 = vector.broadcast %mul3A_275 : i32 to vector<16xi32>
      %add3A_277 = arith.addi %add3A_276, %iota3A : vector<16xi32>
      %mul3A_278 = arith.constant 2 : i32
      %mul3A_279 = vector.broadcast %mul3A_278 : i32 to vector<16xi32>
      %mul3A_280 = arith.muli %mul3A_279, %add3A_277 : vector<16xi32>
      %gather3A = tpu.vector_load_idx %arg8[%add3A_258, %mul3A_280] : memref<256x128xi32, #tpu.memory_space<vmem>>[vector<16xi32>, vector<16xi32>], vector<16xi32>,
      %add3A_281 = arith.addi %mul3A_280, %broadcast_in_dim3A_64 : vector<16xi32>
      %gather3A_282 = tpu.vector_load_idx %arg8[%add3A_258, %add3A_281] : memref<256x128xi32, #tpu.memory_space<vmem>>[vector<16xi32>, vector<16xi32>], vector<16xi32>,
      %ne3A_283 = arith.constant -1 : i32
      %ne3A_284 = vector.broadcast %ne3A_283 : i32 to vector<16xi32>
      %ne3A_285 = arith.cmpi ne, %gather3A, %ne3A_284 : vector<16xi32>
      %ne3A_286 = arith.constant -1 : i32
      %ne3A_287 = vector.broadcast %ne3A_286 : i32 to vector<16xi32>
      %ne3A_288 = arith.cmpi ne, %gather3A_282, %ne3A_287 : vector<16xi32>
      %and3A_289 = arith.andi %ne3A_285, %ne3A_288 : vector<16xi1>
      %convert_element_type3A_290 = arith.extui %and3A_289 : vector<16xi1> to vector<16xi32>
      %add3A_291 = arith.addi %scan3A_236, %convert_element_type3A_290 : vector<16xi32>
      %convert_element_type3A_292 = arith.extui %ne3A_285 : vector<16xi1> to vector<16xi32>
      %add3A_293 = arith.addi %scan3A_237, %convert_element_type3A_292 : vector<16xi32>
      %convert_element_type3A_294 = arith.extui %ne3A_288 : vector<16xi1> to vector<16xi32>
      %add3A_295 = arith.addi %add3A_293, %convert_element_type3A_294 : vector<16xi32>
      %eq3A_296 = arith.cmpi eq, %gather3A, %get3A_104 : vector<16xi32>
      %convert_element_type3A_297 = arith.extui %eq3A_296 : vector<16xi1> to vector<16xi32>
      %or3A = arith.ori %scan3A_238, %convert_element_type3A_297 : vector<16xi32>
      scf.yield %add3A_291, %add3A_295, %or3A : vector<16xi32>, vector<16xi32>, vector<16xi32>
    }
    %scan3A_110 = arith.constant 256 : i32
    %add3A_111 = arith.addi %add3A_75, %scan3A_109#1 : vector<16xi32>
    %reduce_sum3A_112 = arith.constant true
    %reduce_sum3A_113 = vector.broadcast %reduce_sum3A_112 : i1 to vector<16xi1>
    %reduce_sum3A_114 = tpu.scan <sum>, %scan3A_109#0 masked %reduce_sum3A_113 : vector<16xi32>, vector<16xi1> -> vector<16xi32>
    %reduce_sum3A_115 = vector.extract %reduce_sum3A_114[15] : i32 from vector<16xi32>
    %add3A_116 = vector.broadcast %reduce_sum3A_115 : i32 to vector<16xi32>
    %add3A_117 = arith.addi %broadcast_in_dim3A_62, %add3A_116 : vector<16xi32>
    %reduce_sum3A_118 = arith.constant true
    %reduce_sum3A_119 = vector.broadcast %reduce_sum3A_118 : i1 to vector<16xi1>
    %reduce_sum3A_120 = tpu.scan <sum>, %scan3A_109#2 masked %reduce_sum3A_119 : vector<16xi32>, vector<16xi1> -> vector<16xi32>
    %reduce_sum3A_121 = vector.extract %reduce_sum3A_120[15] : i32 from vector<16xi32>
    %gt3A_122 = arith.constant 0 : i32
    %gt3A_123 = arith.cmpi sgt, %reduce_sum3A_121, %gt3A_122 : i32
    %convert_element_type3A_124 = arith.extui %gt3A_123 : i1 to i32
    %cond3A_125 = arith.constant 0 : i32
    %cond3A_126 = arith.cmpi ne, %convert_element_type3A_124, %cond3A_125 : i32
    %cond3A_127 = scf.if %cond3A_126 -> (vector<16xi32>) {
      %scan3A_235 = arith.constant 0 : i32
      %scan3A_236 = arith.constant 256 : i32
      %scan3A_237 = arith.addi %scan3A_235, %scan3A_236 : i32
      %scan3A_238 = arith.constant 1 : i32
      %scan3A_239:3 = scf.for %scan3A_241 = %scan3A_235 to %scan3A_237 step %scan3A_238 iter_args(%scan3A_242 = %broadcast_in_dim3A_62, %scan3A_243 = %broadcast_in_dim3A_62, %scan3A_244 = %broadcast_in_dim3A_62) -> (vector<16xi32>, vector<16xi32>, vector<16xi32>)  : i32 {
        %jit3A = arith.constant 4 : i32
        %div3A = arith.divsi %scan3A_241, %jit3A : i32
        %sign3A = arith.constant 0 : i32
        %sign3A_245 = arith.cmpi sgt, %scan3A_241, %sign3A : i32
        %sign3A_246 = arith.extui %sign3A_245 : i1 to i32
        %sign3A_247 = arith.constant 0 : i32
        %sign3A_248 = arith.cmpi slt, %scan3A_241, %sign3A_247 : i32
        %sign3A_249 = arith.extui %sign3A_248 : i1 to i32
        %sign3A_250 = arith.subi %sign3A_246, %sign3A_249 : i32
        %sign3A_251 = arith.constant 0 : i32
        %sign3A_252 = arith.cmpi sgt, %jit3A, %sign3A_251 : i32
        %sign3A_253 = arith.extui %sign3A_252 : i1 to i32
        %sign3A_254 = arith.constant 0 : i32
        %sign3A_255 = arith.cmpi slt, %jit3A, %sign3A_254 : i32
        %sign3A_256 = arith.extui %sign3A_255 : i1 to i32
        %sign3A_257 = arith.subi %sign3A_253, %sign3A_256 : i32
        %ne3A = arith.cmpi ne, %sign3A_250, %sign3A_257 : i32
        %rem3A = arith.remsi %scan3A_241, %jit3A : i32
        %ne3A_258 = arith.constant 0 : i32
        %ne3A_259 = arith.cmpi ne, %rem3A, %ne3A_258 : i32
        %and3A = arith.andi %ne3A, %ne3A_259 : i1
        %sub3A = arith.constant 1 : i32
        %sub3A_260 = arith.subi %div3A, %sub3A : i32
        %select_n3A = arith.select %and3A, %sub3A_260, %div3A : i32
        %add3A_261 = arith.constant 64 : i32
        %add3A_262 = arith.addi %add3A_261, %select_n3A : i32
        %add3A_263 = vector.broadcast %add3A_262 : i32 to vector<16xi32>
        %add3A_264 = arith.addi %broadcast_in_dim3A_62, %add3A_263 : vector<16xi32>
        %jit3A_265 = arith.constant 4 : i32
        %eq3A_266 = arith.constant 0 : i32
        %eq3A_267 = arith.cmpi eq, %jit3A_265, %eq3A_266 : i32
        %jit3A_268 = arith.constant 1 : i32
        %select_n3A_269 = arith.select %eq3A_267, %jit3A_268, %jit3A_265 : i32
        %rem3A_270 = arith.remsi %scan3A_241, %select_n3A_269 : i32
        %ne3A_271 = arith.constant 0 : i32
        %ne3A_272 = arith.cmpi ne, %rem3A_270, %ne3A_271 : i32
        %lt3A = arith.constant 0 : i32
        %lt3A_273 = arith.cmpi slt, %rem3A_270, %lt3A : i32
        %lt3A_274 = arith.constant 0 : i32
        %lt3A_275 = arith.cmpi slt, %select_n3A_269, %lt3A_274 : i32
        %ne3A_276 = arith.xori %lt3A_273, %lt3A_275 : i1
        %and3A_277 = arith.andi %ne3A_276, %ne3A_272 : i1
        %add3A_278 = arith.addi %rem3A_270, %select_n3A_269 : i32
        %select_n3A_279 = arith.select %and3A_277, %add3A_278, %rem3A_270 : i32
        %mul3A_280 = arith.constant 16 : i32
        %mul3A_281 = arith.muli %select_n3A_279, %mul3A_280 : i32
        %add3A_282 = vector.broadcast %mul3A_281 : i32 to vector<16xi32>
        %add3A_283 = arith.addi %add3A_282, %iota3A : vector<16xi32>
        %mul3A_284 = arith.constant 2 : i32
        %mul3A_285 = vector.broadcast %mul3A_284 : i32 to vector<16xi32>
        %mul3A_286 = arith.muli %mul3A_285, %add3A_283 : vector<16xi32>
        %gather3A = tpu.vector_load_idx %arg8[%add3A_264, %mul3A_286] : memref<256x128xi32, #tpu.memory_space<vmem>>[vector<16xi32>, vector<16xi32>], vector<16xi32>,
        %add3A_287 = arith.addi %mul3A_286, %broadcast_in_dim3A_64 : vector<16xi32>
        %gather3A_288 = tpu.vector_load_idx %arg8[%add3A_264, %add3A_287] : memref<256x128xi32, #tpu.memory_space<vmem>>[vector<16xi32>, vector<16xi32>], vector<16xi32>,
        %ne3A_289 = arith.constant -1 : i32
        %ne3A_290 = vector.broadcast %ne3A_289 : i32 to vector<16xi32>
        %ne3A_291 = arith.cmpi ne, %gather3A, %ne3A_290 : vector<16xi32>
        %ne3A_292 = arith.constant -1 : i32
        %ne3A_293 = vector.broadcast %ne3A_292 : i32 to vector<16xi32>
        %ne3A_294 = arith.cmpi ne, %gather3A_288, %ne3A_293 : vector<16xi32>
        %and3A_295 = arith.andi %ne3A_291, %ne3A_294 : vector<16xi1>
        %eq3A_296 = arith.cmpi eq, %gather3A, %get3A_104 : vector<16xi32>
        %jit3A_297 = arith.constant 99 : i32
        %broadcast_in_dim3A_298 = vector.broadcast %jit3A_297 : i32 to vector<16xi32>
        %select_n3A_299 = arith.select %eq3A_296, %iota3A, %broadcast_in_dim3A_298 : vector<16xi1>, vector<16xi32>
        %reduce_min3A = arith.constant true
        %reduce_min3A_300 = vector.broadcast %reduce_min3A : i1 to vector<16xi1>
        %reduce_min3A_301 = arith.constant -2147483648 : i32
        %reduce_min3A_302 = vector.broadcast %reduce_min3A_301 : i32 to vector<16xi32>
        %reduce_min3A_303 = arith.xori %select_n3A_299, %reduce_min3A_302 : vector<16xi32>
        %reduce_min3A_304 = tpu.scan <min>, %reduce_min3A_303 masked %reduce_min3A_300 : vector<16xi32>, vector<16xi1> -> vector<16xi32>
        %reduce_min3A_305 = arith.xori %reduce_min3A_304, %reduce_min3A_302 : vector<16xi32>
        %reduce_min3A_306 = vector.extract %reduce_min3A_305[15] : i32 from vector<16xi32>
        %add3A_307 = vector.broadcast %reduce_min3A_306 : i32 to vector<16xi32>
        %add3A_308 = arith.addi %broadcast_in_dim3A_62, %add3A_307 : vector<16xi32>
        %lt3A_309 = arith.constant 99 : i32
        %lt3A_310 = vector.broadcast %lt3A_309 : i32 to vector<16xi32>
        %lt3A_311 = arith.cmpi slt, %add3A_308, %lt3A_310 : vector<16xi32>
        %convert_element_type3A_312 = arith.extui %lt3A_311 : vector<16xi1> to vector<16xi32>
        %lt3A_313 = arith.cmpi slt, %iota3A, %add3A_308 : vector<16xi32>
        %and3A_314 = arith.andi %and3A_295, %lt3A_313 : vector<16xi1>
        %all_reduce_population_count3A = tpu.all_reduce %and3A_314 {dim = 0 : i64, kind = #tpu.reduction_kind<sum>} : vector<16xi1> -> vector<16xi32>
        %sub3A_315 = arith.constant 1 : i32
        %sub3A_316 = vector.broadcast %sub3A_315 : i32 to vector<16xi32>
        %sub3A_317 = arith.subi %sub3A_316, %scan3A_243 : vector<16xi32>
        %mul3A_318 = arith.muli %sub3A_317, %convert_element_type3A_312 : vector<16xi32>
        %add3A_319 = arith.addi %scan3A_242, %all_reduce_population_count3A : vector<16xi32>
        %mul3A_320 = arith.muli %mul3A_318, %add3A_319 : vector<16xi32>
        %add3A_321 = arith.addi %scan3A_244, %mul3A_320 : vector<16xi32>
        %max3A = arith.maxsi %scan3A_243, %convert_element_type3A_312 : vector<16xi32>
        %all_reduce_population_count3A_322 = tpu.all_reduce %and3A_295 {dim = 0 : i64, kind = #tpu.reduction_kind<sum>} : vector<16xi1> -> vector<16xi32>
        %add3A_323 = arith.addi %scan3A_242, %all_reduce_population_count3A_322 : vector<16xi32>
        scf.yield %add3A_323, %max3A, %add3A_321 : vector<16xi32>, vector<16xi32>, vector<16xi32>
      }
      %scan3A_240 = arith.constant 256 : i32
      scf.yield %scan3A_239#2 : vector<16xi32>
    } else {
      scf.yield %broadcast_in_dim3A_62 : vector<16xi32>
    }
    %eq3A_128 = arith.constant 1 : i32
    %eq3A_129 = vector.broadcast %eq3A_128 : i32 to vector<16xi32>
    %eq3A_130 = arith.cmpi eq, %iota3A, %eq3A_129 : vector<16xi32>
    %convert_element_type3A_131 = arith.extui %eq3A_130 : vector<16xi1> to vector<16xi32>
    %mul3A_132 = arith.muli %add3A_117, %convert_element_type3A_131 : vector<16xi32>
    %add3A_133 = arith.addi %add3A_98, %mul3A_132 : vector<16xi32>
    %eq3A_134 = arith.constant 5 : i32
    %eq3A_135 = vector.broadcast %eq3A_134 : i32 to vector<16xi32>
    %eq3A_136 = arith.cmpi eq, %iota3A, %eq3A_135 : vector<16xi32>
    %convert_element_type3A_137 = arith.extui %eq3A_136 : vector<16xi1> to vector<16xi32>
    %mul3A_138 = arith.muli %cond3A_127, %convert_element_type3A_137 : vector<16xi32>
    %add3A_139 = arith.addi %add3A_133, %mul3A_138 : vector<16xi32>
    %mul3A_140 = arith.constant 4 : i32
    %mul3A_141 = arith.muli %add3A, %mul3A_140 : i32
    %add3A_142 = arith.constant 2 : i32
    %add3A_143 = arith.addi %mul3A_141, %add3A_142 : i32
    "tpu.region"() ({
      %run_scoped3A_235 = tpu.sem_alloc : memref<!tpu.dma_semaphore, #tpu.memory_space<semaphore_mem>>
      %dma_start3A_236 = arith.constant 0 : i32
      %dma_start3A_237 = tpu.memref_slice %arg4[%add3A_143, %dma_start3A_236] : memref<128x16xi32, #tpu.memory_space<hbm>> -> memref<1x16xi32, #tpu.memory_space<hbm>>
      %dma_start3A_238 = tpu.memref_squeeze %dma_start3A_237 : memref<1x16xi32, #tpu.memory_space<hbm>> -> memref<16xi32, #tpu.memory_space<hbm>>
      %dma_start3A_239 = arith.constant 0 : i32
      %dma_start3A_240 = tpu.memref_slice %arg4[%add3A_143, %dma_start3A_239] : memref<128x16xi32, #tpu.memory_space<hbm>> -> memref<1x16xi32, #tpu.memory_space<hbm>>
      %dma_start3A_241 = tpu.memref_squeeze %dma_start3A_240 : memref<1x16xi32, #tpu.memory_space<hbm>> -> memref<16xi32, #tpu.memory_space<hbm>>
      tpu.enqueue_dma source(%dma_start3A_241 : memref<16xi32, #tpu.memory_space<hbm>>) target(%arg9 : memref<16xi32, #tpu.memory_space<vmem>>) target_semaphore(%run_scoped3A_235 : memref<!tpu.dma_semaphore, #tpu.memory_space<semaphore_mem>>)
      %dma_wait3A_242 = arith.constant 0 : i32
      %dma_wait3A_243 = tpu.memref_slice %arg4[%add3A_143, %dma_wait3A_242] : memref<128x16xi32, #tpu.memory_space<hbm>> -> memref<1x16xi32, #tpu.memory_space<hbm>>
      %dma_wait3A_244 = tpu.memref_squeeze %dma_wait3A_243 : memref<1x16xi32, #tpu.memory_space<hbm>> -> memref<16xi32, #tpu.memory_space<hbm>>
      %dma_wait3A_245 = arith.constant 0 : i32
      %dma_wait3A_246 = tpu.memref_slice %arg4[%add3A_143, %dma_wait3A_245] : memref<128x16xi32, #tpu.memory_space<hbm>> -> memref<1x16xi32, #tpu.memory_space<hbm>>
      %dma_wait3A_247 = tpu.memref_squeeze %dma_wait3A_246 : memref<1x16xi32, #tpu.memory_space<hbm>> -> memref<16xi32, #tpu.memory_space<hbm>>
      tpu.wait_dma2 semaphore(%run_scoped3A_235 : memref<!tpu.dma_semaphore, #tpu.memory_space<semaphore_mem>>) src(%dma_wait3A_247 : memref<16xi32, #tpu.memory_space<hbm>>) dst(%arg9 : memref<16xi32, #tpu.memory_space<vmem>>)
      tpu.yield
    }) : () -> ()
    %get3A_144 = arith.constant 0 : index
    %get3A_145 = tpu.vector_load %arg9[%get3A_144] {strides = array<i32>} : memref<16xi32, #tpu.memory_space<vmem>>, vector<16xi32>,
    %scan3A_146 = arith.constant 0 : i32
    %scan3A_147 = arith.constant 256 : i32
    %scan3A_148 = arith.addi %scan3A_146, %scan3A_147 : i32
    %scan3A_149 = arith.constant 1 : i32
    %scan3A_150:3 = scf.for %scan3A_235 = %scan3A_146 to %scan3A_148 step %scan3A_149 iter_args(%scan3A_236 = %broadcast_in_dim3A_62, %scan3A_237 = %broadcast_in_dim3A_62, %scan3A_238 = %broadcast_in_dim3A_62) -> (vector<16xi32>, vector<16xi32>, vector<16xi32>)  : i32 {
      %jit3A = arith.constant 4 : i32
      %div3A = arith.divsi %scan3A_235, %jit3A : i32
      %sign3A = arith.constant 0 : i32
      %sign3A_239 = arith.cmpi sgt, %scan3A_235, %sign3A : i32
      %sign3A_240 = arith.extui %sign3A_239 : i1 to i32
      %sign3A_241 = arith.constant 0 : i32
      %sign3A_242 = arith.cmpi slt, %scan3A_235, %sign3A_241 : i32
      %sign3A_243 = arith.extui %sign3A_242 : i1 to i32
      %sign3A_244 = arith.subi %sign3A_240, %sign3A_243 : i32
      %sign3A_245 = arith.constant 0 : i32
      %sign3A_246 = arith.cmpi sgt, %jit3A, %sign3A_245 : i32
      %sign3A_247 = arith.extui %sign3A_246 : i1 to i32
      %sign3A_248 = arith.constant 0 : i32
      %sign3A_249 = arith.cmpi slt, %jit3A, %sign3A_248 : i32
      %sign3A_250 = arith.extui %sign3A_249 : i1 to i32
      %sign3A_251 = arith.subi %sign3A_247, %sign3A_250 : i32
      %ne3A = arith.cmpi ne, %sign3A_244, %sign3A_251 : i32
      %rem3A = arith.remsi %scan3A_235, %jit3A : i32
      %ne3A_252 = arith.constant 0 : i32
      %ne3A_253 = arith.cmpi ne, %rem3A, %ne3A_252 : i32
      %and3A = arith.andi %ne3A, %ne3A_253 : i1
      %sub3A = arith.constant 1 : i32
      %sub3A_254 = arith.subi %div3A, %sub3A : i32
      %select_n3A = arith.select %and3A, %sub3A_254, %div3A : i32
      %add3A_255 = arith.constant 128 : i32
      %add3A_256 = arith.addi %add3A_255, %select_n3A : i32
      %add3A_257 = vector.broadcast %add3A_256 : i32 to vector<16xi32>
      %add3A_258 = arith.addi %broadcast_in_dim3A_62, %add3A_257 : vector<16xi32>
      %jit3A_259 = arith.constant 4 : i32
      %eq3A_260 = arith.constant 0 : i32
      %eq3A_261 = arith.cmpi eq, %jit3A_259, %eq3A_260 : i32
      %jit3A_262 = arith.constant 1 : i32
      %select_n3A_263 = arith.select %eq3A_261, %jit3A_262, %jit3A_259 : i32
      %rem3A_264 = arith.remsi %scan3A_235, %select_n3A_263 : i32
      %ne3A_265 = arith.constant 0 : i32
      %ne3A_266 = arith.cmpi ne, %rem3A_264, %ne3A_265 : i32
      %lt3A = arith.constant 0 : i32
      %lt3A_267 = arith.cmpi slt, %rem3A_264, %lt3A : i32
      %lt3A_268 = arith.constant 0 : i32
      %lt3A_269 = arith.cmpi slt, %select_n3A_263, %lt3A_268 : i32
      %ne3A_270 = arith.xori %lt3A_267, %lt3A_269 : i1
      %and3A_271 = arith.andi %ne3A_270, %ne3A_266 : i1
      %add3A_272 = arith.addi %rem3A_264, %select_n3A_263 : i32
      %select_n3A_273 = arith.select %and3A_271, %add3A_272, %rem3A_264 : i32
      %mul3A_274 = arith.constant 16 : i32
      %mul3A_275 = arith.muli %select_n3A_273, %mul3A_274 : i32
      %add3A_276 = vector.broadcast %mul3A_275 : i32 to vector<16xi32>
      %add3A_277 = arith.addi %add3A_276, %iota3A : vector<16xi32>
      %mul3A_278 = arith.constant 2 : i32
      %mul3A_279 = vector.broadcast %mul3A_278 : i32 to vector<16xi32>
      %mul3A_280 = arith.muli %mul3A_279, %add3A_277 : vector<16xi32>
      %gather3A = tpu.vector_load_idx %arg8[%add3A_258, %mul3A_280] : memref<256x128xi32, #tpu.memory_space<vmem>>[vector<16xi32>, vector<16xi32>], vector<16xi32>,
      %add3A_281 = arith.addi %mul3A_280, %broadcast_in_dim3A_64 : vector<16xi32>
      %gather3A_282 = tpu.vector_load_idx %arg8[%add3A_258, %add3A_281] : memref<256x128xi32, #tpu.memory_space<vmem>>[vector<16xi32>, vector<16xi32>], vector<16xi32>,
      %ne3A_283 = arith.constant -1 : i32
      %ne3A_284 = vector.broadcast %ne3A_283 : i32 to vector<16xi32>
      %ne3A_285 = arith.cmpi ne, %gather3A, %ne3A_284 : vector<16xi32>
      %ne3A_286 = arith.constant -1 : i32
      %ne3A_287 = vector.broadcast %ne3A_286 : i32 to vector<16xi32>
      %ne3A_288 = arith.cmpi ne, %gather3A_282, %ne3A_287 : vector<16xi32>
      %and3A_289 = arith.andi %ne3A_285, %ne3A_288 : vector<16xi1>
      %convert_element_type3A_290 = arith.extui %and3A_289 : vector<16xi1> to vector<16xi32>
      %add3A_291 = arith.addi %scan3A_236, %convert_element_type3A_290 : vector<16xi32>
      %convert_element_type3A_292 = arith.extui %ne3A_285 : vector<16xi1> to vector<16xi32>
      %add3A_293 = arith.addi %scan3A_237, %convert_element_type3A_292 : vector<16xi32>
      %convert_element_type3A_294 = arith.extui %ne3A_288 : vector<16xi1> to vector<16xi32>
      %add3A_295 = arith.addi %add3A_293, %convert_element_type3A_294 : vector<16xi32>
      %eq3A_296 = arith.cmpi eq, %gather3A, %get3A_145 : vector<16xi32>
      %convert_element_type3A_297 = arith.extui %eq3A_296 : vector<16xi1> to vector<16xi32>
      %or3A = arith.ori %scan3A_238, %convert_element_type3A_297 : vector<16xi32>
      scf.yield %add3A_291, %add3A_295, %or3A : vector<16xi32>, vector<16xi32>, vector<16xi32>
    }
    %scan3A_151 = arith.constant 256 : i32
    %add3A_152 = arith.addi %add3A_111, %scan3A_150#1 : vector<16xi32>
    %reduce_sum3A_153 = arith.constant true
    %reduce_sum3A_154 = vector.broadcast %reduce_sum3A_153 : i1 to vector<16xi1>
    %reduce_sum3A_155 = tpu.scan <sum>, %scan3A_150#0 masked %reduce_sum3A_154 : vector<16xi32>, vector<16xi1> -> vector<16xi32>
    %reduce_sum3A_156 = vector.extract %reduce_sum3A_155[15] : i32 from vector<16xi32>
    %add3A_157 = vector.broadcast %reduce_sum3A_156 : i32 to vector<16xi32>
    %add3A_158 = arith.addi %broadcast_in_dim3A_62, %add3A_157 : vector<16xi32>
    %reduce_sum3A_159 = arith.constant true
    %reduce_sum3A_160 = vector.broadcast %reduce_sum3A_159 : i1 to vector<16xi1>
    %reduce_sum3A_161 = tpu.scan <sum>, %scan3A_150#2 masked %reduce_sum3A_160 : vector<16xi32>, vector<16xi1> -> vector<16xi32>
    %reduce_sum3A_162 = vector.extract %reduce_sum3A_161[15] : i32 from vector<16xi32>
    %gt3A_163 = arith.constant 0 : i32
    %gt3A_164 = arith.cmpi sgt, %reduce_sum3A_162, %gt3A_163 : i32
    %convert_element_type3A_165 = arith.extui %gt3A_164 : i1 to i32
    %cond3A_166 = arith.constant 0 : i32
    %cond3A_167 = arith.cmpi ne, %convert_element_type3A_165, %cond3A_166 : i32
    %cond3A_168 = scf.if %cond3A_167 -> (vector<16xi32>) {
      %scan3A_235 = arith.constant 0 : i32
      %scan3A_236 = arith.constant 256 : i32
      %scan3A_237 = arith.addi %scan3A_235, %scan3A_236 : i32
      %scan3A_238 = arith.constant 1 : i32
      %scan3A_239:3 = scf.for %scan3A_241 = %scan3A_235 to %scan3A_237 step %scan3A_238 iter_args(%scan3A_242 = %broadcast_in_dim3A_62, %scan3A_243 = %broadcast_in_dim3A_62, %scan3A_244 = %broadcast_in_dim3A_62) -> (vector<16xi32>, vector<16xi32>, vector<16xi32>)  : i32 {
        %jit3A = arith.constant 4 : i32
        %div3A = arith.divsi %scan3A_241, %jit3A : i32
        %sign3A = arith.constant 0 : i32
        %sign3A_245 = arith.cmpi sgt, %scan3A_241, %sign3A : i32
        %sign3A_246 = arith.extui %sign3A_245 : i1 to i32
        %sign3A_247 = arith.constant 0 : i32
        %sign3A_248 = arith.cmpi slt, %scan3A_241, %sign3A_247 : i32
        %sign3A_249 = arith.extui %sign3A_248 : i1 to i32
        %sign3A_250 = arith.subi %sign3A_246, %sign3A_249 : i32
        %sign3A_251 = arith.constant 0 : i32
        %sign3A_252 = arith.cmpi sgt, %jit3A, %sign3A_251 : i32
        %sign3A_253 = arith.extui %sign3A_252 : i1 to i32
        %sign3A_254 = arith.constant 0 : i32
        %sign3A_255 = arith.cmpi slt, %jit3A, %sign3A_254 : i32
        %sign3A_256 = arith.extui %sign3A_255 : i1 to i32
        %sign3A_257 = arith.subi %sign3A_253, %sign3A_256 : i32
        %ne3A = arith.cmpi ne, %sign3A_250, %sign3A_257 : i32
        %rem3A = arith.remsi %scan3A_241, %jit3A : i32
        %ne3A_258 = arith.constant 0 : i32
        %ne3A_259 = arith.cmpi ne, %rem3A, %ne3A_258 : i32
        %and3A = arith.andi %ne3A, %ne3A_259 : i1
        %sub3A = arith.constant 1 : i32
        %sub3A_260 = arith.subi %div3A, %sub3A : i32
        %select_n3A = arith.select %and3A, %sub3A_260, %div3A : i32
        %add3A_261 = arith.constant 128 : i32
        %add3A_262 = arith.addi %add3A_261, %select_n3A : i32
        %add3A_263 = vector.broadcast %add3A_262 : i32 to vector<16xi32>
        %add3A_264 = arith.addi %broadcast_in_dim3A_62, %add3A_263 : vector<16xi32>
        %jit3A_265 = arith.constant 4 : i32
        %eq3A_266 = arith.constant 0 : i32
        %eq3A_267 = arith.cmpi eq, %jit3A_265, %eq3A_266 : i32
        %jit3A_268 = arith.constant 1 : i32
        %select_n3A_269 = arith.select %eq3A_267, %jit3A_268, %jit3A_265 : i32
        %rem3A_270 = arith.remsi %scan3A_241, %select_n3A_269 : i32
        %ne3A_271 = arith.constant 0 : i32
        %ne3A_272 = arith.cmpi ne, %rem3A_270, %ne3A_271 : i32
        %lt3A = arith.constant 0 : i32
        %lt3A_273 = arith.cmpi slt, %rem3A_270, %lt3A : i32
        %lt3A_274 = arith.constant 0 : i32
        %lt3A_275 = arith.cmpi slt, %select_n3A_269, %lt3A_274 : i32
        %ne3A_276 = arith.xori %lt3A_273, %lt3A_275 : i1
        %and3A_277 = arith.andi %ne3A_276, %ne3A_272 : i1
        %add3A_278 = arith.addi %rem3A_270, %select_n3A_269 : i32
        %select_n3A_279 = arith.select %and3A_277, %add3A_278, %rem3A_270 : i32
        %mul3A_280 = arith.constant 16 : i32
        %mul3A_281 = arith.muli %select_n3A_279, %mul3A_280 : i32
        %add3A_282 = vector.broadcast %mul3A_281 : i32 to vector<16xi32>
        %add3A_283 = arith.addi %add3A_282, %iota3A : vector<16xi32>
        %mul3A_284 = arith.constant 2 : i32
        %mul3A_285 = vector.broadcast %mul3A_284 : i32 to vector<16xi32>
        %mul3A_286 = arith.muli %mul3A_285, %add3A_283 : vector<16xi32>
        %gather3A = tpu.vector_load_idx %arg8[%add3A_264, %mul3A_286] : memref<256x128xi32, #tpu.memory_space<vmem>>[vector<16xi32>, vector<16xi32>], vector<16xi32>,
        %add3A_287 = arith.addi %mul3A_286, %broadcast_in_dim3A_64 : vector<16xi32>
        %gather3A_288 = tpu.vector_load_idx %arg8[%add3A_264, %add3A_287] : memref<256x128xi32, #tpu.memory_space<vmem>>[vector<16xi32>, vector<16xi32>], vector<16xi32>,
        %ne3A_289 = arith.constant -1 : i32
        %ne3A_290 = vector.broadcast %ne3A_289 : i32 to vector<16xi32>
        %ne3A_291 = arith.cmpi ne, %gather3A, %ne3A_290 : vector<16xi32>
        %ne3A_292 = arith.constant -1 : i32
        %ne3A_293 = vector.broadcast %ne3A_292 : i32 to vector<16xi32>
        %ne3A_294 = arith.cmpi ne, %gather3A_288, %ne3A_293 : vector<16xi32>
        %and3A_295 = arith.andi %ne3A_291, %ne3A_294 : vector<16xi1>
        %eq3A_296 = arith.cmpi eq, %gather3A, %get3A_145 : vector<16xi32>
        %jit3A_297 = arith.constant 99 : i32
        %broadcast_in_dim3A_298 = vector.broadcast %jit3A_297 : i32 to vector<16xi32>
        %select_n3A_299 = arith.select %eq3A_296, %iota3A, %broadcast_in_dim3A_298 : vector<16xi1>, vector<16xi32>
        %reduce_min3A = arith.constant true
        %reduce_min3A_300 = vector.broadcast %reduce_min3A : i1 to vector<16xi1>
        %reduce_min3A_301 = arith.constant -2147483648 : i32
        %reduce_min3A_302 = vector.broadcast %reduce_min3A_301 : i32 to vector<16xi32>
        %reduce_min3A_303 = arith.xori %select_n3A_299, %reduce_min3A_302 : vector<16xi32>
        %reduce_min3A_304 = tpu.scan <min>, %reduce_min3A_303 masked %reduce_min3A_300 : vector<16xi32>, vector<16xi1> -> vector<16xi32>
        %reduce_min3A_305 = arith.xori %reduce_min3A_304, %reduce_min3A_302 : vector<16xi32>
        %reduce_min3A_306 = vector.extract %reduce_min3A_305[15] : i32 from vector<16xi32>
        %add3A_307 = vector.broadcast %reduce_min3A_306 : i32 to vector<16xi32>
        %add3A_308 = arith.addi %broadcast_in_dim3A_62, %add3A_307 : vector<16xi32>
        %lt3A_309 = arith.constant 99 : i32
        %lt3A_310 = vector.broadcast %lt3A_309 : i32 to vector<16xi32>
        %lt3A_311 = arith.cmpi slt, %add3A_308, %lt3A_310 : vector<16xi32>
        %convert_element_type3A_312 = arith.extui %lt3A_311 : vector<16xi1> to vector<16xi32>
        %lt3A_313 = arith.cmpi slt, %iota3A, %add3A_308 : vector<16xi32>
        %and3A_314 = arith.andi %and3A_295, %lt3A_313 : vector<16xi1>
        %all_reduce_population_count3A = tpu.all_reduce %and3A_314 {dim = 0 : i64, kind = #tpu.reduction_kind<sum>} : vector<16xi1> -> vector<16xi32>
        %sub3A_315 = arith.constant 1 : i32
        %sub3A_316 = vector.broadcast %sub3A_315 : i32 to vector<16xi32>
        %sub3A_317 = arith.subi %sub3A_316, %scan3A_243 : vector<16xi32>
        %mul3A_318 = arith.muli %sub3A_317, %convert_element_type3A_312 : vector<16xi32>
        %add3A_319 = arith.addi %scan3A_242, %all_reduce_population_count3A : vector<16xi32>
        %mul3A_320 = arith.muli %mul3A_318, %add3A_319 : vector<16xi32>
        %add3A_321 = arith.addi %scan3A_244, %mul3A_320 : vector<16xi32>
        %max3A = arith.maxsi %scan3A_243, %convert_element_type3A_312 : vector<16xi32>
        %all_reduce_population_count3A_322 = tpu.all_reduce %and3A_295 {dim = 0 : i64, kind = #tpu.reduction_kind<sum>} : vector<16xi1> -> vector<16xi32>
        %add3A_323 = arith.addi %scan3A_242, %all_reduce_population_count3A_322 : vector<16xi32>
        scf.yield %add3A_323, %max3A, %add3A_321 : vector<16xi32>, vector<16xi32>, vector<16xi32>
      }
      %scan3A_240 = arith.constant 256 : i32
      scf.yield %scan3A_239#2 : vector<16xi32>
    } else {
      scf.yield %broadcast_in_dim3A_62 : vector<16xi32>
    }
    %eq3A_169 = arith.constant 2 : i32
    %eq3A_170 = vector.broadcast %eq3A_169 : i32 to vector<16xi32>
    %eq3A_171 = arith.cmpi eq, %iota3A, %eq3A_170 : vector<16xi32>
    %convert_element_type3A_172 = arith.extui %eq3A_171 : vector<16xi1> to vector<16xi32>
    %mul3A_173 = arith.muli %add3A_158, %convert_element_type3A_172 : vector<16xi32>
    %add3A_174 = arith.addi %add3A_139, %mul3A_173 : vector<16xi32>
    %eq3A_175 = arith.constant 6 : i32
    %eq3A_176 = vector.broadcast %eq3A_175 : i32 to vector<16xi32>
    %eq3A_177 = arith.cmpi eq, %iota3A, %eq3A_176 : vector<16xi32>
    %convert_element_type3A_178 = arith.extui %eq3A_177 : vector<16xi1> to vector<16xi32>
    %mul3A_179 = arith.muli %cond3A_168, %convert_element_type3A_178 : vector<16xi32>
    %add3A_180 = arith.addi %add3A_174, %mul3A_179 : vector<16xi32>
    %mul3A_181 = arith.constant 4 : i32
    %mul3A_182 = arith.muli %add3A, %mul3A_181 : i32
    %add3A_183 = arith.constant 3 : i32
    %add3A_184 = arith.addi %mul3A_182, %add3A_183 : i32
    "tpu.region"() ({
      %run_scoped3A_235 = tpu.sem_alloc : memref<!tpu.dma_semaphore, #tpu.memory_space<semaphore_mem>>
      %dma_start3A_236 = arith.constant 0 : i32
      %dma_start3A_237 = tpu.memref_slice %arg4[%add3A_184, %dma_start3A_236] : memref<128x16xi32, #tpu.memory_space<hbm>> -> memref<1x16xi32, #tpu.memory_space<hbm>>
      %dma_start3A_238 = tpu.memref_squeeze %dma_start3A_237 : memref<1x16xi32, #tpu.memory_space<hbm>> -> memref<16xi32, #tpu.memory_space<hbm>>
      %dma_start3A_239 = arith.constant 0 : i32
      %dma_start3A_240 = tpu.memref_slice %arg4[%add3A_184, %dma_start3A_239] : memref<128x16xi32, #tpu.memory_space<hbm>> -> memref<1x16xi32, #tpu.memory_space<hbm>>
      %dma_start3A_241 = tpu.memref_squeeze %dma_start3A_240 : memref<1x16xi32, #tpu.memory_space<hbm>> -> memref<16xi32, #tpu.memory_space<hbm>>
      tpu.enqueue_dma source(%dma_start3A_241 : memref<16xi32, #tpu.memory_space<hbm>>) target(%arg9 : memref<16xi32, #tpu.memory_space<vmem>>) target_semaphore(%run_scoped3A_235 : memref<!tpu.dma_semaphore, #tpu.memory_space<semaphore_mem>>)
      %dma_wait3A_242 = arith.constant 0 : i32
      %dma_wait3A_243 = tpu.memref_slice %arg4[%add3A_184, %dma_wait3A_242] : memref<128x16xi32, #tpu.memory_space<hbm>> -> memref<1x16xi32, #tpu.memory_space<hbm>>
      %dma_wait3A_244 = tpu.memref_squeeze %dma_wait3A_243 : memref<1x16xi32, #tpu.memory_space<hbm>> -> memref<16xi32, #tpu.memory_space<hbm>>
      %dma_wait3A_245 = arith.constant 0 : i32
      %dma_wait3A_246 = tpu.memref_slice %arg4[%add3A_184, %dma_wait3A_245] : memref<128x16xi32, #tpu.memory_space<hbm>> -> memref<1x16xi32, #tpu.memory_space<hbm>>
      %dma_wait3A_247 = tpu.memref_squeeze %dma_wait3A_246 : memref<1x16xi32, #tpu.memory_space<hbm>> -> memref<16xi32, #tpu.memory_space<hbm>>
      tpu.wait_dma2 semaphore(%run_scoped3A_235 : memref<!tpu.dma_semaphore, #tpu.memory_space<semaphore_mem>>) src(%dma_wait3A_247 : memref<16xi32, #tpu.memory_space<hbm>>) dst(%arg9 : memref<16xi32, #tpu.memory_space<vmem>>)
      tpu.yield
    }) : () -> ()
    %get3A_185 = arith.constant 0 : index
    %get3A_186 = tpu.vector_load %arg9[%get3A_185] {strides = array<i32>} : memref<16xi32, #tpu.memory_space<vmem>>, vector<16xi32>,
    %scan3A_187 = arith.constant 0 : i32
    %scan3A_188 = arith.constant 256 : i32
    %scan3A_189 = arith.addi %scan3A_187, %scan3A_188 : i32
    %scan3A_190 = arith.constant 1 : i32
    %scan3A_191:3 = scf.for %scan3A_235 = %scan3A_187 to %scan3A_189 step %scan3A_190 iter_args(%scan3A_236 = %broadcast_in_dim3A_62, %scan3A_237 = %broadcast_in_dim3A_62, %scan3A_238 = %broadcast_in_dim3A_62) -> (vector<16xi32>, vector<16xi32>, vector<16xi32>)  : i32 {
      %jit3A = arith.constant 4 : i32
      %div3A = arith.divsi %scan3A_235, %jit3A : i32
      %sign3A = arith.constant 0 : i32
      %sign3A_239 = arith.cmpi sgt, %scan3A_235, %sign3A : i32
      %sign3A_240 = arith.extui %sign3A_239 : i1 to i32
      %sign3A_241 = arith.constant 0 : i32
      %sign3A_242 = arith.cmpi slt, %scan3A_235, %sign3A_241 : i32
      %sign3A_243 = arith.extui %sign3A_242 : i1 to i32
      %sign3A_244 = arith.subi %sign3A_240, %sign3A_243 : i32
      %sign3A_245 = arith.constant 0 : i32
      %sign3A_246 = arith.cmpi sgt, %jit3A, %sign3A_245 : i32
      %sign3A_247 = arith.extui %sign3A_246 : i1 to i32
      %sign3A_248 = arith.constant 0 : i32
      %sign3A_249 = arith.cmpi slt, %jit3A, %sign3A_248 : i32
      %sign3A_250 = arith.extui %sign3A_249 : i1 to i32
      %sign3A_251 = arith.subi %sign3A_247, %sign3A_250 : i32
      %ne3A = arith.cmpi ne, %sign3A_244, %sign3A_251 : i32
      %rem3A = arith.remsi %scan3A_235, %jit3A : i32
      %ne3A_252 = arith.constant 0 : i32
      %ne3A_253 = arith.cmpi ne, %rem3A, %ne3A_252 : i32
      %and3A = arith.andi %ne3A, %ne3A_253 : i1
      %sub3A = arith.constant 1 : i32
      %sub3A_254 = arith.subi %div3A, %sub3A : i32
      %select_n3A = arith.select %and3A, %sub3A_254, %div3A : i32
      %add3A_255 = arith.constant 192 : i32
      %add3A_256 = arith.addi %add3A_255, %select_n3A : i32
      %add3A_257 = vector.broadcast %add3A_256 : i32 to vector<16xi32>
      %add3A_258 = arith.addi %broadcast_in_dim3A_62, %add3A_257 : vector<16xi32>
      %jit3A_259 = arith.constant 4 : i32
      %eq3A_260 = arith.constant 0 : i32
      %eq3A_261 = arith.cmpi eq, %jit3A_259, %eq3A_260 : i32
      %jit3A_262 = arith.constant 1 : i32
      %select_n3A_263 = arith.select %eq3A_261, %jit3A_262, %jit3A_259 : i32
      %rem3A_264 = arith.remsi %scan3A_235, %select_n3A_263 : i32
      %ne3A_265 = arith.constant 0 : i32
      %ne3A_266 = arith.cmpi ne, %rem3A_264, %ne3A_265 : i32
      %lt3A = arith.constant 0 : i32
      %lt3A_267 = arith.cmpi slt, %rem3A_264, %lt3A : i32
      %lt3A_268 = arith.constant 0 : i32
      %lt3A_269 = arith.cmpi slt, %select_n3A_263, %lt3A_268 : i32
      %ne3A_270 = arith.xori %lt3A_267, %lt3A_269 : i1
      %and3A_271 = arith.andi %ne3A_270, %ne3A_266 : i1
      %add3A_272 = arith.addi %rem3A_264, %select_n3A_263 : i32
      %select_n3A_273 = arith.select %and3A_271, %add3A_272, %rem3A_264 : i32
      %mul3A_274 = arith.constant 16 : i32
      %mul3A_275 = arith.muli %select_n3A_273, %mul3A_274 : i32
      %add3A_276 = vector.broadcast %mul3A_275 : i32 to vector<16xi32>
      %add3A_277 = arith.addi %add3A_276, %iota3A : vector<16xi32>
      %mul3A_278 = arith.constant 2 : i32
      %mul3A_279 = vector.broadcast %mul3A_278 : i32 to vector<16xi32>
      %mul3A_280 = arith.muli %mul3A_279, %add3A_277 : vector<16xi32>
      %gather3A = tpu.vector_load_idx %arg8[%add3A_258, %mul3A_280] : memref<256x128xi32, #tpu.memory_space<vmem>>[vector<16xi32>, vector<16xi32>], vector<16xi32>,
      %add3A_281 = arith.addi %mul3A_280, %broadcast_in_dim3A_64 : vector<16xi32>
      %gather3A_282 = tpu.vector_load_idx %arg8[%add3A_258, %add3A_281] : memref<256x128xi32, #tpu.memory_space<vmem>>[vector<16xi32>, vector<16xi32>], vector<16xi32>,
      %ne3A_283 = arith.constant -1 : i32
      %ne3A_284 = vector.broadcast %ne3A_283 : i32 to vector<16xi32>
      %ne3A_285 = arith.cmpi ne, %gather3A, %ne3A_284 : vector<16xi32>
      %ne3A_286 = arith.constant -1 : i32
      %ne3A_287 = vector.broadcast %ne3A_286 : i32 to vector<16xi32>
      %ne3A_288 = arith.cmpi ne, %gather3A_282, %ne3A_287 : vector<16xi32>
      %and3A_289 = arith.andi %ne3A_285, %ne3A_288 : vector<16xi1>
      %convert_element_type3A_290 = arith.extui %and3A_289 : vector<16xi1> to vector<16xi32>
      %add3A_291 = arith.addi %scan3A_236, %convert_element_type3A_290 : vector<16xi32>
      %convert_element_type3A_292 = arith.extui %ne3A_285 : vector<16xi1> to vector<16xi32>
      %add3A_293 = arith.addi %scan3A_237, %convert_element_type3A_292 : vector<16xi32>
      %convert_element_type3A_294 = arith.extui %ne3A_288 : vector<16xi1> to vector<16xi32>
      %add3A_295 = arith.addi %add3A_293, %convert_element_type3A_294 : vector<16xi32>
      %eq3A_296 = arith.cmpi eq, %gather3A, %get3A_186 : vector<16xi32>
      %convert_element_type3A_297 = arith.extui %eq3A_296 : vector<16xi1> to vector<16xi32>
      %or3A = arith.ori %scan3A_238, %convert_element_type3A_297 : vector<16xi32>
      scf.yield %add3A_291, %add3A_295, %or3A : vector<16xi32>, vector<16xi32>, vector<16xi32>
    }
    %scan3A_192 = arith.constant 256 : i32
    %add3A_193 = arith.addi %add3A_152, %scan3A_191#1 : vector<16xi32>
    %reduce_sum3A_194 = arith.constant true
    %reduce_sum3A_195 = vector.broadcast %reduce_sum3A_194 : i1 to vector<16xi1>
    %reduce_sum3A_196 = tpu.scan <sum>, %scan3A_191#0 masked %reduce_sum3A_195 : vector<16xi32>, vector<16xi1> -> vector<16xi32>
    %reduce_sum3A_197 = vector.extract %reduce_sum3A_196[15] : i32 from vector<16xi32>
    %add3A_198 = vector.broadcast %reduce_sum3A_197 : i32 to vector<16xi32>
    %add3A_199 = arith.addi %broadcast_in_dim3A_62, %add3A_198 : vector<16xi32>
    %reduce_sum3A_200 = arith.constant true
    %reduce_sum3A_201 = vector.broadcast %reduce_sum3A_200 : i1 to vector<16xi1>
    %reduce_sum3A_202 = tpu.scan <sum>, %scan3A_191#2 masked %reduce_sum3A_201 : vector<16xi32>, vector<16xi1> -> vector<16xi32>
    %reduce_sum3A_203 = vector.extract %reduce_sum3A_202[15] : i32 from vector<16xi32>
    %gt3A_204 = arith.constant 0 : i32
    %gt3A_205 = arith.cmpi sgt, %reduce_sum3A_203, %gt3A_204 : i32
    %convert_element_type3A_206 = arith.extui %gt3A_205 : i1 to i32
    %cond3A_207 = arith.constant 0 : i32
    %cond3A_208 = arith.cmpi ne, %convert_element_type3A_206, %cond3A_207 : i32
    %cond3A_209 = scf.if %cond3A_208 -> (vector<16xi32>) {
      %scan3A_235 = arith.constant 0 : i32
      %scan3A_236 = arith.constant 256 : i32
      %scan3A_237 = arith.addi %scan3A_235, %scan3A_236 : i32
      %scan3A_238 = arith.constant 1 : i32
      %scan3A_239:3 = scf.for %scan3A_241 = %scan3A_235 to %scan3A_237 step %scan3A_238 iter_args(%scan3A_242 = %broadcast_in_dim3A_62, %scan3A_243 = %broadcast_in_dim3A_62, %scan3A_244 = %broadcast_in_dim3A_62) -> (vector<16xi32>, vector<16xi32>, vector<16xi32>)  : i32 {
        %jit3A = arith.constant 4 : i32
        %div3A = arith.divsi %scan3A_241, %jit3A : i32
        %sign3A = arith.constant 0 : i32
        %sign3A_245 = arith.cmpi sgt, %scan3A_241, %sign3A : i32
        %sign3A_246 = arith.extui %sign3A_245 : i1 to i32
        %sign3A_247 = arith.constant 0 : i32
        %sign3A_248 = arith.cmpi slt, %scan3A_241, %sign3A_247 : i32
        %sign3A_249 = arith.extui %sign3A_248 : i1 to i32
        %sign3A_250 = arith.subi %sign3A_246, %sign3A_249 : i32
        %sign3A_251 = arith.constant 0 : i32
        %sign3A_252 = arith.cmpi sgt, %jit3A, %sign3A_251 : i32
        %sign3A_253 = arith.extui %sign3A_252 : i1 to i32
        %sign3A_254 = arith.constant 0 : i32
        %sign3A_255 = arith.cmpi slt, %jit3A, %sign3A_254 : i32
        %sign3A_256 = arith.extui %sign3A_255 : i1 to i32
        %sign3A_257 = arith.subi %sign3A_253, %sign3A_256 : i32
        %ne3A = arith.cmpi ne, %sign3A_250, %sign3A_257 : i32
        %rem3A = arith.remsi %scan3A_241, %jit3A : i32
        %ne3A_258 = arith.constant 0 : i32
        %ne3A_259 = arith.cmpi ne, %rem3A, %ne3A_258 : i32
        %and3A = arith.andi %ne3A, %ne3A_259 : i1
        %sub3A = arith.constant 1 : i32
        %sub3A_260 = arith.subi %div3A, %sub3A : i32
        %select_n3A = arith.select %and3A, %sub3A_260, %div3A : i32
        %add3A_261 = arith.constant 192 : i32
        %add3A_262 = arith.addi %add3A_261, %select_n3A : i32
        %add3A_263 = vector.broadcast %add3A_262 : i32 to vector<16xi32>
        %add3A_264 = arith.addi %broadcast_in_dim3A_62, %add3A_263 : vector<16xi32>
        %jit3A_265 = arith.constant 4 : i32
        %eq3A_266 = arith.constant 0 : i32
        %eq3A_267 = arith.cmpi eq, %jit3A_265, %eq3A_266 : i32
        %jit3A_268 = arith.constant 1 : i32
        %select_n3A_269 = arith.select %eq3A_267, %jit3A_268, %jit3A_265 : i32
        %rem3A_270 = arith.remsi %scan3A_241, %select_n3A_269 : i32
        %ne3A_271 = arith.constant 0 : i32
        %ne3A_272 = arith.cmpi ne, %rem3A_270, %ne3A_271 : i32
        %lt3A = arith.constant 0 : i32
        %lt3A_273 = arith.cmpi slt, %rem3A_270, %lt3A : i32
        %lt3A_274 = arith.constant 0 : i32
        %lt3A_275 = arith.cmpi slt, %select_n3A_269, %lt3A_274 : i32
        %ne3A_276 = arith.xori %lt3A_273, %lt3A_275 : i1
        %and3A_277 = arith.andi %ne3A_276, %ne3A_272 : i1
        %add3A_278 = arith.addi %rem3A_270, %select_n3A_269 : i32
        %select_n3A_279 = arith.select %and3A_277, %add3A_278, %rem3A_270 : i32
        %mul3A_280 = arith.constant 16 : i32
        %mul3A_281 = arith.muli %select_n3A_279, %mul3A_280 : i32
        %add3A_282 = vector.broadcast %mul3A_281 : i32 to vector<16xi32>
        %add3A_283 = arith.addi %add3A_282, %iota3A : vector<16xi32>
        %mul3A_284 = arith.constant 2 : i32
        %mul3A_285 = vector.broadcast %mul3A_284 : i32 to vector<16xi32>
        %mul3A_286 = arith.muli %mul3A_285, %add3A_283 : vector<16xi32>
        %gather3A = tpu.vector_load_idx %arg8[%add3A_264, %mul3A_286] : memref<256x128xi32, #tpu.memory_space<vmem>>[vector<16xi32>, vector<16xi32>], vector<16xi32>,
        %add3A_287 = arith.addi %mul3A_286, %broadcast_in_dim3A_64 : vector<16xi32>
        %gather3A_288 = tpu.vector_load_idx %arg8[%add3A_264, %add3A_287] : memref<256x128xi32, #tpu.memory_space<vmem>>[vector<16xi32>, vector<16xi32>], vector<16xi32>,
        %ne3A_289 = arith.constant -1 : i32
        %ne3A_290 = vector.broadcast %ne3A_289 : i32 to vector<16xi32>
        %ne3A_291 = arith.cmpi ne, %gather3A, %ne3A_290 : vector<16xi32>
        %ne3A_292 = arith.constant -1 : i32
        %ne3A_293 = vector.broadcast %ne3A_292 : i32 to vector<16xi32>
        %ne3A_294 = arith.cmpi ne, %gather3A_288, %ne3A_293 : vector<16xi32>
        %and3A_295 = arith.andi %ne3A_291, %ne3A_294 : vector<16xi1>
        %eq3A_296 = arith.cmpi eq, %gather3A, %get3A_186 : vector<16xi32>
        %jit3A_297 = arith.constant 99 : i32
        %broadcast_in_dim3A_298 = vector.broadcast %jit3A_297 : i32 to vector<16xi32>
        %select_n3A_299 = arith.select %eq3A_296, %iota3A, %broadcast_in_dim3A_298 : vector<16xi1>, vector<16xi32>
        %reduce_min3A = arith.constant true
        %reduce_min3A_300 = vector.broadcast %reduce_min3A : i1 to vector<16xi1>
        %reduce_min3A_301 = arith.constant -2147483648 : i32
        %reduce_min3A_302 = vector.broadcast %reduce_min3A_301 : i32 to vector<16xi32>
        %reduce_min3A_303 = arith.xori %select_n3A_299, %reduce_min3A_302 : vector<16xi32>
        %reduce_min3A_304 = tpu.scan <min>, %reduce_min3A_303 masked %reduce_min3A_300 : vector<16xi32>, vector<16xi1> -> vector<16xi32>
        %reduce_min3A_305 = arith.xori %reduce_min3A_304, %reduce_min3A_302 : vector<16xi32>
        %reduce_min3A_306 = vector.extract %reduce_min3A_305[15] : i32 from vector<16xi32>
        %add3A_307 = vector.broadcast %reduce_min3A_306 : i32 to vector<16xi32>
        %add3A_308 = arith.addi %broadcast_in_dim3A_62, %add3A_307 : vector<16xi32>
        %lt3A_309 = arith.constant 99 : i32
        %lt3A_310 = vector.broadcast %lt3A_309 : i32 to vector<16xi32>
        %lt3A_311 = arith.cmpi slt, %add3A_308, %lt3A_310 : vector<16xi32>
        %convert_element_type3A_312 = arith.extui %lt3A_311 : vector<16xi1> to vector<16xi32>
        %lt3A_313 = arith.cmpi slt, %iota3A, %add3A_308 : vector<16xi32>
        %and3A_314 = arith.andi %and3A_295, %lt3A_313 : vector<16xi1>
        %all_reduce_population_count3A = tpu.all_reduce %and3A_314 {dim = 0 : i64, kind = #tpu.reduction_kind<sum>} : vector<16xi1> -> vector<16xi32>
        %sub3A_315 = arith.constant 1 : i32
        %sub3A_316 = vector.broadcast %sub3A_315 : i32 to vector<16xi32>
        %sub3A_317 = arith.subi %sub3A_316, %scan3A_243 : vector<16xi32>
        %mul3A_318 = arith.muli %sub3A_317, %convert_element_type3A_312 : vector<16xi32>
        %add3A_319 = arith.addi %scan3A_242, %all_reduce_population_count3A : vector<16xi32>
        %mul3A_320 = arith.muli %mul3A_318, %add3A_319 : vector<16xi32>
        %add3A_321 = arith.addi %scan3A_244, %mul3A_320 : vector<16xi32>
        %max3A = arith.maxsi %scan3A_243, %convert_element_type3A_312 : vector<16xi32>
        %all_reduce_population_count3A_322 = tpu.all_reduce %and3A_295 {dim = 0 : i64, kind = #tpu.reduction_kind<sum>} : vector<16xi1> -> vector<16xi32>
        %add3A_323 = arith.addi %scan3A_242, %all_reduce_population_count3A_322 : vector<16xi32>
        scf.yield %add3A_323, %max3A, %add3A_321 : vector<16xi32>, vector<16xi32>, vector<16xi32>
      }
      %scan3A_240 = arith.constant 256 : i32
      scf.yield %scan3A_239#2 : vector<16xi32>
    } else {
      scf.yield %broadcast_in_dim3A_62 : vector<16xi32>
    }
    %eq3A_210 = arith.constant 3 : i32
    %eq3A_211 = vector.broadcast %eq3A_210 : i32 to vector<16xi32>
    %eq3A_212 = arith.cmpi eq, %iota3A, %eq3A_211 : vector<16xi32>
    %convert_element_type3A_213 = arith.extui %eq3A_212 : vector<16xi1> to vector<16xi32>
    %mul3A_214 = arith.muli %add3A_199, %convert_element_type3A_213 : vector<16xi32>
    %add3A_215 = arith.addi %add3A_180, %mul3A_214 : vector<16xi32>
    %eq3A_216 = arith.constant 7 : i32
    %eq3A_217 = vector.broadcast %eq3A_216 : i32 to vector<16xi32>
    %eq3A_218 = arith.cmpi eq, %iota3A, %eq3A_217 : vector<16xi32>
    %convert_element_type3A_219 = arith.extui %eq3A_218 : vector<16xi1> to vector<16xi32>
    %mul3A_220 = arith.muli %cond3A_209, %convert_element_type3A_219 : vector<16xi32>
    %add3A_221 = arith.addi %add3A_215, %mul3A_220 : vector<16xi32>
    %reduce_sum3A_222 = arith.constant true
    %reduce_sum3A_223 = vector.broadcast %reduce_sum3A_222 : i1 to vector<16xi1>
    %reduce_sum3A_224 = tpu.scan <sum>, %add3A_193 masked %reduce_sum3A_223 : vector<16xi32>, vector<16xi1> -> vector<16xi32>
    %reduce_sum3A_225 = vector.extract %reduce_sum3A_224[15] : i32 from vector<16xi32>
    %add3A_226 = vector.broadcast %reduce_sum3A_225 : i32 to vector<16xi32>
    %add3A_227 = arith.addi %broadcast_in_dim3A_62, %add3A_226 : vector<16xi32>
    %eq3A_228 = arith.constant 8 : i32
    %eq3A_229 = vector.broadcast %eq3A_228 : i32 to vector<16xi32>
    %eq3A_230 = arith.cmpi eq, %iota3A, %eq3A_229 : vector<16xi32>
    %convert_element_type3A_231 = arith.extui %eq3A_230 : vector<16xi1> to vector<16xi32>
    %mul3A_232 = arith.muli %add3A_227, %convert_element_type3A_231 : vector<16xi32>
    %add3A_233 = arith.addi %add3A_221, %mul3A_232 : vector<16xi32>
    %swap3A = arith.constant 0 : index
    %swap3A_234 = tpu.vector_load %arg10[%swap3A] {strides = array<i32>} : memref<16xi32, #tpu.memory_space<vmem>>, vector<16xi32>,
    tpu.vector_store %arg10[%swap3A], %add3A_233 {strides = array<i32>} : memref<16xi32, #tpu.memory_space<vmem>>, vector<16xi32>,
    "tpu.region"() ({
      %run_scoped3A_235 = tpu.sem_alloc : memref<!tpu.dma_semaphore, #tpu.memory_space<semaphore_mem>>
      %dma_start3A_236 = arith.constant 0 : i32
      %dma_start3A_237 = tpu.memref_slice %arg6[%add3A, %dma_start3A_236] : memref<32x16xi32, #tpu.memory_space<hbm>> -> memref<1x16xi32, #tpu.memory_space<hbm>>
      %dma_start3A_238 = tpu.memref_squeeze %dma_start3A_237 : memref<1x16xi32, #tpu.memory_space<hbm>> -> memref<16xi32, #tpu.memory_space<hbm>>
      %dma_start3A_239 = arith.constant 0 : i32
      %dma_start3A_240 = tpu.memref_slice %arg6[%add3A, %dma_start3A_239] : memref<32x16xi32, #tpu.memory_space<hbm>> -> memref<1x16xi32, #tpu.memory_space<hbm>>
      %dma_start3A_241 = tpu.memref_squeeze %dma_start3A_240 : memref<1x16xi32, #tpu.memory_space<hbm>> -> memref<16xi32, #tpu.memory_space<hbm>>
      tpu.enqueue_dma source(%arg10 : memref<16xi32, #tpu.memory_space<vmem>>) target(%dma_start3A_241 : memref<16xi32, #tpu.memory_space<hbm>>) target_semaphore(%run_scoped3A_235 : memref<!tpu.dma_semaphore, #tpu.memory_space<semaphore_mem>>)
      %dma_wait3A_242 = arith.constant 0 : i32
      %dma_wait3A_243 = tpu.memref_slice %arg6[%add3A, %dma_wait3A_242] : memref<32x16xi32, #tpu.memory_space<hbm>> -> memref<1x16xi32, #tpu.memory_space<hbm>>
      %dma_wait3A_244 = tpu.memref_squeeze %dma_wait3A_243 : memref<1x16xi32, #tpu.memory_space<hbm>> -> memref<16xi32, #tpu.memory_space<hbm>>
      %dma_wait3A_245 = arith.constant 0 : i32
      %dma_wait3A_246 = tpu.memref_slice %arg6[%add3A, %dma_wait3A_245] : memref<32x16xi32, #tpu.memory_space<hbm>> -> memref<1x16xi32, #tpu.memory_space<hbm>>
      %dma_wait3A_247 = tpu.memref_squeeze %dma_wait3A_246 : memref<1x16xi32, #tpu.memory_space<hbm>> -> memref<16xi32, #tpu.memory_space<hbm>>
      tpu.wait_dma2 semaphore(%run_scoped3A_235 : memref<!tpu.dma_semaphore, #tpu.memory_space<semaphore_mem>>) src(%arg10 : memref<16xi32, #tpu.memory_space<vmem>>) dst(%dma_wait3A_247 : memref<16xi32, #tpu.memory_space<hbm>>)
      tpu.yield
    }) : () -> ()
    return
  }
}

#map = affine_map<(d0, d1) -> (0, 0)>
#map1 = affine_map<(d0, d1) -> (0)>
module attributes {stable_mosaic.version = 14 : i64} {
  func.func @k(%arg0: i32, %arg1: i32, %arg2: memref<131072x32xf32, #tpu.memory_space<hbm>>, %arg3: memref<8192xi32, #tpu.memory_space<hbm>>, %arg4: memref<8192x32xf32, #tpu.memory_space<hbm>>, %arg5: memref<2x128xi32, #tpu.memory_space<vmem>>, %arg6: memref<256x32xf32, #tpu.memory_space<vmem>>, %arg7: memref<!tpu.dma_semaphore, #tpu.memory_space<semaphore_mem>>) attributes {dimension_semantics = [#tpu.dimension_semantics<core_parallel>, #tpu.dimension_semantics<subcore_parallel>], iteration_bounds = array<i64: 2, 16>, scalar_prefetch = 0 : i64, scratch_operands = 3 : i64, tpu.core_type = #tpu.core_type<sc_vector_subcore>, window_params = [{transform_indices = #map}, {transform_indices = #map1}, {transform_indices = #map}]} {
    %mul3A = arith.constant 2 : i32
    %mul3A_0 = arith.muli %arg1, %mul3A : i32
    %add3A = arith.addi %mul3A_0, %arg0 : i32
    %mul3A_1 = arith.constant 256 : i32
    %mul3A_2 = arith.muli %add3A, %mul3A_1 : i32
    %add3A_3 = arith.constant 0 : i32
    %add3A_4 = arith.addi %mul3A_2, %add3A_3 : i32
    %run_scoped3A = arith.constant 0 : i32
    "tpu.region"() ({
      %run_scoped3A_46 = tpu.sem_alloc : memref<!tpu.dma_semaphore, #tpu.memory_space<semaphore_mem>>
      %dma_start3A_47 = arith.constant 0 : i32
      %dma_start3A_48 = tpu.memref_slice %arg5[%run_scoped3A, %dma_start3A_47] : memref<2x128xi32, #tpu.memory_space<vmem>> -> memref<1x128xi32, #tpu.memory_space<vmem>>
      %dma_start3A_49 = tpu.memref_squeeze %dma_start3A_48 : memref<1x128xi32, #tpu.memory_space<vmem>> -> memref<128xi32, #tpu.memory_space<vmem>>
      %dma_start3A_50 = tpu.memref_slice %arg3[%add3A_4] : memref<8192xi32, #tpu.memory_space<hbm>> -> memref<128xi32, #tpu.memory_space<hbm>>
      %dma_start3A_51 = arith.constant 0 : i32
      %dma_start3A_52 = tpu.memref_slice %arg5[%run_scoped3A, %dma_start3A_51] : memref<2x128xi32, #tpu.memory_space<vmem>> -> memref<1x128xi32, #tpu.memory_space<vmem>>
      %dma_start3A_53 = tpu.memref_squeeze %dma_start3A_52 : memref<1x128xi32, #tpu.memory_space<vmem>> -> memref<128xi32, #tpu.memory_space<vmem>>
      %dma_start3A_54 = tpu.memref_slice %arg3[%add3A_4] : memref<8192xi32, #tpu.memory_space<hbm>> -> memref<128xi32, #tpu.memory_space<hbm>>
      tpu.enqueue_dma source(%dma_start3A_54 : memref<128xi32, #tpu.memory_space<hbm>>) target(%dma_start3A_53 : memref<128xi32, #tpu.memory_space<vmem>>) target_semaphore(%run_scoped3A_46 : memref<!tpu.dma_semaphore, #tpu.memory_space<semaphore_mem>>)
      %dma_wait3A_55 = arith.constant 0 : i32
      %dma_wait3A_56 = tpu.memref_slice %arg5[%run_scoped3A, %dma_wait3A_55] : memref<2x128xi32, #tpu.memory_space<vmem>> -> memref<1x128xi32, #tpu.memory_space<vmem>>
      %dma_wait3A_57 = tpu.memref_squeeze %dma_wait3A_56 : memref<1x128xi32, #tpu.memory_space<vmem>> -> memref<128xi32, #tpu.memory_space<vmem>>
      %dma_wait3A_58 = tpu.memref_slice %arg3[%add3A_4] : memref<8192xi32, #tpu.memory_space<hbm>> -> memref<128xi32, #tpu.memory_space<hbm>>
      %dma_wait3A_59 = arith.constant 0 : i32
      %dma_wait3A_60 = tpu.memref_slice %arg5[%run_scoped3A, %dma_wait3A_59] : memref<2x128xi32, #tpu.memory_space<vmem>> -> memref<1x128xi32, #tpu.memory_space<vmem>>
      %dma_wait3A_61 = tpu.memref_squeeze %dma_wait3A_60 : memref<1x128xi32, #tpu.memory_space<vmem>> -> memref<128xi32, #tpu.memory_space<vmem>>
      %dma_wait3A_62 = tpu.memref_slice %arg3[%add3A_4] : memref<8192xi32, #tpu.memory_space<hbm>> -> memref<128xi32, #tpu.memory_space<hbm>>
      tpu.wait_dma2 semaphore(%run_scoped3A_46 : memref<!tpu.dma_semaphore, #tpu.memory_space<semaphore_mem>>) src(%dma_wait3A_62 : memref<128xi32, #tpu.memory_space<hbm>>) dst(%dma_wait3A_61 : memref<128xi32, #tpu.memory_space<vmem>>)
      tpu.yield
    }) : () -> ()
    %add3A_5 = arith.constant 128 : i32
    %add3A_6 = arith.addi %mul3A_2, %add3A_5 : i32
    %run_scoped3A_7 = arith.constant 1 : i32
    "tpu.region"() ({
      %run_scoped3A_46 = tpu.sem_alloc : memref<!tpu.dma_semaphore, #tpu.memory_space<semaphore_mem>>
      %dma_start3A_47 = arith.constant 0 : i32
      %dma_start3A_48 = tpu.memref_slice %arg5[%run_scoped3A_7, %dma_start3A_47] : memref<2x128xi32, #tpu.memory_space<vmem>> -> memref<1x128xi32, #tpu.memory_space<vmem>>
      %dma_start3A_49 = tpu.memref_squeeze %dma_start3A_48 : memref<1x128xi32, #tpu.memory_space<vmem>> -> memref<128xi32, #tpu.memory_space<vmem>>
      %dma_start3A_50 = tpu.memref_slice %arg3[%add3A_6] : memref<8192xi32, #tpu.memory_space<hbm>> -> memref<128xi32, #tpu.memory_space<hbm>>
      %dma_start3A_51 = arith.constant 0 : i32
      %dma_start3A_52 = tpu.memref_slice %arg5[%run_scoped3A_7, %dma_start3A_51] : memref<2x128xi32, #tpu.memory_space<vmem>> -> memref<1x128xi32, #tpu.memory_space<vmem>>
      %dma_start3A_53 = tpu.memref_squeeze %dma_start3A_52 : memref<1x128xi32, #tpu.memory_space<vmem>> -> memref<128xi32, #tpu.memory_space<vmem>>
      %dma_start3A_54 = tpu.memref_slice %arg3[%add3A_6] : memref<8192xi32, #tpu.memory_space<hbm>> -> memref<128xi32, #tpu.memory_space<hbm>>
      tpu.enqueue_dma source(%dma_start3A_54 : memref<128xi32, #tpu.memory_space<hbm>>) target(%dma_start3A_53 : memref<128xi32, #tpu.memory_space<vmem>>) target_semaphore(%run_scoped3A_46 : memref<!tpu.dma_semaphore, #tpu.memory_space<semaphore_mem>>)
      %dma_wait3A_55 = arith.constant 0 : i32
      %dma_wait3A_56 = tpu.memref_slice %arg5[%run_scoped3A_7, %dma_wait3A_55] : memref<2x128xi32, #tpu.memory_space<vmem>> -> memref<1x128xi32, #tpu.memory_space<vmem>>
      %dma_wait3A_57 = tpu.memref_squeeze %dma_wait3A_56 : memref<1x128xi32, #tpu.memory_space<vmem>> -> memref<128xi32, #tpu.memory_space<vmem>>
      %dma_wait3A_58 = tpu.memref_slice %arg3[%add3A_6] : memref<8192xi32, #tpu.memory_space<hbm>> -> memref<128xi32, #tpu.memory_space<hbm>>
      %dma_wait3A_59 = arith.constant 0 : i32
      %dma_wait3A_60 = tpu.memref_slice %arg5[%run_scoped3A_7, %dma_wait3A_59] : memref<2x128xi32, #tpu.memory_space<vmem>> -> memref<1x128xi32, #tpu.memory_space<vmem>>
      %dma_wait3A_61 = tpu.memref_squeeze %dma_wait3A_60 : memref<1x128xi32, #tpu.memory_space<vmem>> -> memref<128xi32, #tpu.memory_space<vmem>>
      %dma_wait3A_62 = tpu.memref_slice %arg3[%add3A_6] : memref<8192xi32, #tpu.memory_space<hbm>> -> memref<128xi32, #tpu.memory_space<hbm>>
      tpu.wait_dma2 semaphore(%run_scoped3A_46 : memref<!tpu.dma_semaphore, #tpu.memory_space<semaphore_mem>>) src(%dma_wait3A_62 : memref<128xi32, #tpu.memory_space<hbm>>) dst(%dma_wait3A_61 : memref<128xi32, #tpu.memory_space<vmem>>)
      tpu.yield
    }) : () -> ()
    %dma_start3A = arith.constant 0 : i32
    %dma_start3A_8 = arith.constant 0 : i32
    %dma_start3A_9 = arith.constant 0 : i32
    %dma_start3A_10 = tpu.memref_slice %arg6[%dma_start3A_8, %dma_start3A_9] : memref<256x32xf32, #tpu.memory_space<vmem>> -> memref<128x32xf32, #tpu.memory_space<vmem>>
    %dma_start3A_11 = arith.constant 0 : i32
    %dma_start3A_12 = tpu.memref_slice %arg5[%dma_start3A, %dma_start3A_11] : memref<2x128xi32, #tpu.memory_space<vmem>> -> memref<1x128xi32, #tpu.memory_space<vmem>>
    %dma_start3A_13 = tpu.memref_squeeze %dma_start3A_12 : memref<1x128xi32, #tpu.memory_space<vmem>> -> memref<128xi32, #tpu.memory_space<vmem>>
    %dma_start3A_14 = arith.constant 0 : i32
    %dma_start3A_15 = arith.constant 0 : i32
    %dma_start3A_16 = tpu.memref_slice %arg2[%dma_start3A_14, %dma_start3A_15] : memref<131072x32xf32, #tpu.memory_space<hbm>> -> memref<131072x32xf32, #tpu.memory_space<hbm>>
    tpu.enqueue_indirect_dma source(%dma_start3A_16 : memref<131072x32xf32, #tpu.memory_space<hbm>>) target(%dma_start3A_10 : memref<128x32xf32, #tpu.memory_space<vmem>>) offsets(%dma_start3A_13 : memref<128xi32, #tpu.memory_space<vmem>>) semaphore(%arg7 : memref<!tpu.dma_semaphore, #tpu.memory_space<semaphore_mem>>)
    %dma_start3A_17 = arith.constant 1 : i32
    %dma_start3A_18 = arith.constant 128 : i32
    %dma_start3A_19 = arith.constant 0 : i32
    %dma_start3A_20 = tpu.memref_slice %arg6[%dma_start3A_18, %dma_start3A_19] : memref<256x32xf32, #tpu.memory_space<vmem>> -> memref<128x32xf32, #tpu.memory_space<vmem>>
    %dma_start3A_21 = arith.constant 0 : i32
    %dma_start3A_22 = tpu.memref_slice %arg5[%dma_start3A_17, %dma_start3A_21] : memref<2x128xi32, #tpu.memory_space<vmem>> -> memref<1x128xi32, #tpu.memory_space<vmem>>
    %dma_start3A_23 = tpu.memref_squeeze %dma_start3A_22 : memref<1x128xi32, #tpu.memory_space<vmem>> -> memref<128xi32, #tpu.memory_space<vmem>>
    %dma_start3A_24 = arith.constant 0 : i32
    %dma_start3A_25 = arith.constant 0 : i32
    %dma_start3A_26 = tpu.memref_slice %arg2[%dma_start3A_24, %dma_start3A_25] : memref<131072x32xf32, #tpu.memory_space<hbm>> -> memref<131072x32xf32, #tpu.memory_space<hbm>>
    tpu.enqueue_indirect_dma source(%dma_start3A_26 : memref<131072x32xf32, #tpu.memory_space<hbm>>) target(%dma_start3A_20 : memref<128x32xf32, #tpu.memory_space<vmem>>) offsets(%dma_start3A_23 : memref<128xi32, #tpu.memory_space<vmem>>) semaphore(%arg7 : memref<!tpu.dma_semaphore, #tpu.memory_space<semaphore_mem>>)
    %dma_wait3A = arith.constant 0 : i32
    %dma_wait3A_27 = arith.constant 0 : i32
    %dma_wait3A_28 = arith.constant 0 : i32
    %dma_wait3A_29 = tpu.memref_slice %arg6[%dma_wait3A_27, %dma_wait3A_28] : memref<256x32xf32, #tpu.memory_space<vmem>> -> memref<128x32xf32, #tpu.memory_space<vmem>>
    %dma_wait3A_30 = arith.constant 0 : i32
    %dma_wait3A_31 = tpu.memref_slice %arg5[%dma_wait3A, %dma_wait3A_30] : memref<2x128xi32, #tpu.memory_space<vmem>> -> memref<1x128xi32, #tpu.memory_space<vmem>>
    %dma_wait3A_32 = tpu.memref_squeeze %dma_wait3A_31 : memref<1x128xi32, #tpu.memory_space<vmem>> -> memref<128xi32, #tpu.memory_space<vmem>>
    %dma_wait3A_33 = arith.constant 0 : i32
    %dma_wait3A_34 = arith.constant 0 : i32
    %dma_wait3A_35 = tpu.memref_slice %arg2[%dma_wait3A_33, %dma_wait3A_34] : memref<131072x32xf32, #tpu.memory_space<hbm>> -> memref<131072x32xf32, #tpu.memory_space<hbm>>
    tpu.wait_indirect_dma semaphore(%arg7 : memref<!tpu.dma_semaphore, #tpu.memory_space<semaphore_mem>>) src(%dma_wait3A_35 : memref<131072x32xf32, #tpu.memory_space<hbm>>) dst(%dma_wait3A_29 : memref<128x32xf32, #tpu.memory_space<vmem>>)
    %dma_wait3A_36 = arith.constant 1 : i32
    %dma_wait3A_37 = arith.constant 128 : i32
    %dma_wait3A_38 = arith.constant 0 : i32
    %dma_wait3A_39 = tpu.memref_slice %arg6[%dma_wait3A_37, %dma_wait3A_38] : memref<256x32xf32, #tpu.memory_space<vmem>> -> memref<128x32xf32, #tpu.memory_space<vmem>>
    %dma_wait3A_40 = arith.constant 0 : i32
    %dma_wait3A_41 = tpu.memref_slice %arg5[%dma_wait3A_36, %dma_wait3A_40] : memref<2x128xi32, #tpu.memory_space<vmem>> -> memref<1x128xi32, #tpu.memory_space<vmem>>
    %dma_wait3A_42 = tpu.memref_squeeze %dma_wait3A_41 : memref<1x128xi32, #tpu.memory_space<vmem>> -> memref<128xi32, #tpu.memory_space<vmem>>
    %dma_wait3A_43 = arith.constant 0 : i32
    %dma_wait3A_44 = arith.constant 0 : i32
    %dma_wait3A_45 = tpu.memref_slice %arg2[%dma_wait3A_43, %dma_wait3A_44] : memref<131072x32xf32, #tpu.memory_space<hbm>> -> memref<131072x32xf32, #tpu.memory_space<hbm>>
    tpu.wait_indirect_dma semaphore(%arg7 : memref<!tpu.dma_semaphore, #tpu.memory_space<semaphore_mem>>) src(%dma_wait3A_45 : memref<131072x32xf32, #tpu.memory_space<hbm>>) dst(%dma_wait3A_39 : memref<128x32xf32, #tpu.memory_space<vmem>>)
    "tpu.region"() ({
      %run_scoped3A_46 = tpu.sem_alloc : memref<!tpu.dma_semaphore, #tpu.memory_space<semaphore_mem>>
      %dma_start3A_47 = arith.constant 0 : i32
      %dma_start3A_48 = tpu.memref_slice %arg4[%mul3A_2, %dma_start3A_47] : memref<8192x32xf32, #tpu.memory_space<hbm>> -> memref<256x32xf32, #tpu.memory_space<hbm>>
      %dma_start3A_49 = arith.constant 0 : i32
      %dma_start3A_50 = tpu.memref_slice %arg4[%mul3A_2, %dma_start3A_49] : memref<8192x32xf32, #tpu.memory_space<hbm>> -> memref<256x32xf32, #tpu.memory_space<hbm>>
      tpu.enqueue_dma source(%arg6 : memref<256x32xf32, #tpu.memory_space<vmem>>) target(%dma_start3A_50 : memref<256x32xf32, #tpu.memory_space<hbm>>) target_semaphore(%run_scoped3A_46 : memref<!tpu.dma_semaphore, #tpu.memory_space<semaphore_mem>>)
      %dma_wait3A_51 = arith.constant 0 : i32
      %dma_wait3A_52 = tpu.memref_slice %arg4[%mul3A_2, %dma_wait3A_51] : memref<8192x32xf32, #tpu.memory_space<hbm>> -> memref<256x32xf32, #tpu.memory_space<hbm>>
      %dma_wait3A_53 = arith.constant 0 : i32
      %dma_wait3A_54 = tpu.memref_slice %arg4[%mul3A_2, %dma_wait3A_53] : memref<8192x32xf32, #tpu.memory_space<hbm>> -> memref<256x32xf32, #tpu.memory_space<hbm>>
      tpu.wait_dma2 semaphore(%run_scoped3A_46 : memref<!tpu.dma_semaphore, #tpu.memory_space<semaphore_mem>>) src(%arg6 : memref<256x32xf32, #tpu.memory_space<vmem>>) dst(%dma_wait3A_54 : memref<256x32xf32, #tpu.memory_space<hbm>>)
      tpu.yield
    }) : () -> ()
    return
  }
}

module attributes {stable_mosaic.version = 14 : i64} {
  func.func @_prob_body(%arg0: i32, %arg1: memref<128x128xf32, #tpu.memory_space<vmem>>, %arg2: memref<512x128xf32, #tpu.memory_space<vmem>>, %arg3: memref<128x1xf32, #tpu.memory_space<vmem>>, %arg4: memref<1x512xf32, #tpu.memory_space<vmem>>, %arg5: memref<128x512xf32, #tpu.memory_space<vmem>>, %arg6: memref<1x128x16xf32, #tpu.memory_space<vmem>>) attributes {dimension_semantics = [#tpu.dimension_semantics<arbitrary>], iteration_bounds = array<i64: 64>, scalar_prefetch = 0 : i64, scratch_operands = 0 : i64, tpu.core_type = #tpu.core_type<tc>, window_params = [{pipeline_mode = #tpu.pipeline_mode<synchronous>, transform_indices = @transform_0, window_bounds = array<i64: 128, 128>}, {transform_indices = @transform_1, window_bounds = array<i64: 512, 128>}, {pipeline_mode = #tpu.pipeline_mode<synchronous>, transform_indices = @transform_2, window_bounds = array<i64: 128, 1>}, {transform_indices = @transform_3, window_bounds = array<i64: 1, 512>}, {transform_indices = @transform_4, window_bounds = array<i64: 128, 512>}, {transform_indices = @transform_5, window_bounds = array<i64: 1, 128, 16>}]} {
    %get3A = arith.constant 0 : index
    %get3A_0 = arith.constant 0 : index
    %get3A_1 = vector.load %arg1[%get3A, %get3A_0] : memref<128x128xf32, #tpu.memory_space<vmem>>, vector<128x128xf32>
    %get3A_2 = arith.constant 0 : index
    %get3A_3 = arith.constant 0 : index
    %get3A_4 = vector.load %arg2[%get3A_2, %get3A_3] : memref<512x128xf32, #tpu.memory_space<vmem>>, vector<512x128xf32>
    %dot_general3A = arith.constant dense<0.000000e+00> : vector<128x512xf32>
    %dot_general3A_5 = tpu.matmul %get3A_1, %get3A_4, %dot_general3A {dimension_numbers = #tpu.dot_dimension_numbers<[1], [1], [0], [0], [0, 0, 1, 0], [], []>, transpose_lhs_hint = false} : vector<128x128xf32>, vector<512x128xf32>, vector<128x512xf32> -> vector<128x512xf32>
    %get3A_6 = arith.constant 0 : index
    %get3A_7 = arith.constant 0 : index
    %get3A_8 = vector.load %arg3[%get3A_6, %get3A_7] : memref<128x1xf32, #tpu.memory_space<vmem>>, vector<128x1xf32>
    %get3A_9 = arith.constant 0 : index
    %get3A_10 = arith.constant 0 : index
    %get3A_11 = vector.load %arg4[%get3A_9, %get3A_10] : memref<1x512xf32, #tpu.memory_space<vmem>>, vector<1x512xf32>
    %mul3A = vector.broadcast %get3A_8 : vector<128x1xf32> to vector<128x512xf32>
    %mul3A_12 = vector.broadcast %get3A_11 : vector<1x512xf32> to vector<128x512xf32>
    %mul3A_13 = arith.mulf %mul3A, %mul3A_12 : vector<128x512xf32>
    %max3A = arith.constant 9.99999997E-7 : f32
    %max3A_14 = vector.broadcast %max3A : f32 to vector<128x512xf32>
    %max3A_15 = arith.maximumf %mul3A_13, %max3A_14 : vector<128x512xf32>
    %div3A = arith.divf %dot_general3A_5, %max3A_15 : vector<128x512xf32>
    %swap3A = arith.constant 0 : index
    %swap3A_16 = arith.constant 0 : index
    %swap3A_17 = vector.load %arg5[%swap3A, %swap3A_16] : memref<128x512xf32, #tpu.memory_space<vmem>>, vector<128x512xf32>
    tpu.vector_store %arg5[%swap3A, %swap3A_16], %div3A {strides = array<i32>} : memref<128x512xf32, #tpu.memory_space<vmem>>, vector<128x512xf32>,
    %slice3A = vector.extract_strided_slice %div3A {offsets = [0, 0], sizes = [128, 32], strides = [1, 1]} : vector<128x512xf32> to vector<128x32xf32>
    %reduce_max3A = arith.constant dense<0xFF800000> : vector<128xf32>
    %reduce_max3A_18 = vector.multi_reduction <maximumf>, %slice3A, %reduce_max3A [1] : vector<128x32xf32> to vector<128xf32>
    %broadcast_in_dim3A = vector.shape_cast %reduce_max3A_18 : vector<128xf32> to vector<128x1xf32>
    %swap3A_19 = arith.constant 0 : index
    %swap3A_20 = arith.constant 0 : index
    %swap3A_21 = arith.constant 0 : index
    %swap3A_22 = vector.load %arg6[%swap3A_19, %swap3A_20, %swap3A_21] : memref<1x128x16xf32, #tpu.memory_space<vmem>>, vector<1x128x1xf32>
    %swap3A_23 = vector.shape_cast %swap3A_22 : vector<1x128x1xf32> to vector<128x1xf32>
    %swap3A_24 = vector.shape_cast %broadcast_in_dim3A : vector<128x1xf32> to vector<1x128x1xf32>
    tpu.vector_store %arg6[%swap3A_19, %swap3A_20, %swap3A_21], %swap3A_24 {strides = array<i32>} : memref<1x128x16xf32, #tpu.memory_space<vmem>>, vector<1x128x1xf32>,
    %slice3A_25 = vector.extract_strided_slice %div3A {offsets = [0, 32], sizes = [128, 32], strides = [1, 1]} : vector<128x512xf32> to vector<128x32xf32>
    %reduce_max3A_26 = arith.constant dense<0xFF800000> : vector<128xf32>
    %reduce_max3A_27 = vector.multi_reduction <maximumf>, %slice3A_25, %reduce_max3A_26 [1] : vector<128x32xf32> to vector<128xf32>
    %broadcast_in_dim3A_28 = vector.shape_cast %reduce_max3A_27 : vector<128xf32> to vector<128x1xf32>
    %swap3A_29 = arith.constant 0 : index
    %swap3A_30 = arith.constant 0 : index
    %swap3A_31 = arith.constant 1 : index
    %swap3A_32 = vector.load %arg6[%swap3A_29, %swap3A_30, %swap3A_31] : memref<1x128x16xf32, #tpu.memory_space<vmem>>, vector<1x128x1xf32>
    %swap3A_33 = vector.shape_cast %swap3A_32 : vector<1x128x1xf32> to vector<128x1xf32>
    %swap3A_34 = vector.shape_cast %broadcast_in_dim3A_28 : vector<128x1xf32> to vector<1x128x1xf32>
    tpu.vector_store %arg6[%swap3A_29, %swap3A_30, %swap3A_31], %swap3A_34 {strides = array<i32>} : memref<1x128x16xf32, #tpu.memory_space<vmem>>, vector<1x128x1xf32>,
    %slice3A_35 = vector.extract_strided_slice %div3A {offsets = [0, 64], sizes = [128, 32], strides = [1, 1]} : vector<128x512xf32> to vector<128x32xf32>
    %reduce_max3A_36 = arith.constant dense<0xFF800000> : vector<128xf32>
    %reduce_max3A_37 = vector.multi_reduction <maximumf>, %slice3A_35, %reduce_max3A_36 [1] : vector<128x32xf32> to vector<128xf32>
    %broadcast_in_dim3A_38 = vector.shape_cast %reduce_max3A_37 : vector<128xf32> to vector<128x1xf32>
    %swap3A_39 = arith.constant 0 : index
    %swap3A_40 = arith.constant 0 : index
    %swap3A_41 = arith.constant 2 : index
    %swap3A_42 = vector.load %arg6[%swap3A_39, %swap3A_40, %swap3A_41] : memref<1x128x16xf32, #tpu.memory_space<vmem>>, vector<1x128x1xf32>
    %swap3A_43 = vector.shape_cast %swap3A_42 : vector<1x128x1xf32> to vector<128x1xf32>
    %swap3A_44 = vector.shape_cast %broadcast_in_dim3A_38 : vector<128x1xf32> to vector<1x128x1xf32>
    tpu.vector_store %arg6[%swap3A_39, %swap3A_40, %swap3A_41], %swap3A_44 {strides = array<i32>} : memref<1x128x16xf32, #tpu.memory_space<vmem>>, vector<1x128x1xf32>,
    %slice3A_45 = vector.extract_strided_slice %div3A {offsets = [0, 96], sizes = [128, 32], strides = [1, 1]} : vector<128x512xf32> to vector<128x32xf32>
    %reduce_max3A_46 = arith.constant dense<0xFF800000> : vector<128xf32>
    %reduce_max3A_47 = vector.multi_reduction <maximumf>, %slice3A_45, %reduce_max3A_46 [1] : vector<128x32xf32> to vector<128xf32>
    %broadcast_in_dim3A_48 = vector.shape_cast %reduce_max3A_47 : vector<128xf32> to vector<128x1xf32>
    %swap3A_49 = arith.constant 0 : index
    %swap3A_50 = arith.constant 0 : index
    %swap3A_51 = arith.constant 3 : index
    %swap3A_52 = vector.load %arg6[%swap3A_49, %swap3A_50, %swap3A_51] : memref<1x128x16xf32, #tpu.memory_space<vmem>>, vector<1x128x1xf32>
    %swap3A_53 = vector.shape_cast %swap3A_52 : vector<1x128x1xf32> to vector<128x1xf32>
    %swap3A_54 = vector.shape_cast %broadcast_in_dim3A_48 : vector<128x1xf32> to vector<1x128x1xf32>
    tpu.vector_store %arg6[%swap3A_49, %swap3A_50, %swap3A_51], %swap3A_54 {strides = array<i32>} : memref<1x128x16xf32, #tpu.memory_space<vmem>>, vector<1x128x1xf32>,
    %slice3A_55 = vector.extract_strided_slice %div3A {offsets = [0, 128], sizes = [128, 32], strides = [1, 1]} : vector<128x512xf32> to vector<128x32xf32>
    %reduce_max3A_56 = arith.constant dense<0xFF800000> : vector<128xf32>
    %reduce_max3A_57 = vector.multi_reduction <maximumf>, %slice3A_55, %reduce_max3A_56 [1] : vector<128x32xf32> to vector<128xf32>
    %broadcast_in_dim3A_58 = vector.shape_cast %reduce_max3A_57 : vector<128xf32> to vector<128x1xf32>
    %swap3A_59 = arith.constant 0 : index
    %swap3A_60 = arith.constant 0 : index
    %swap3A_61 = arith.constant 4 : index
    %swap3A_62 = vector.load %arg6[%swap3A_59, %swap3A_60, %swap3A_61] : memref<1x128x16xf32, #tpu.memory_space<vmem>>, vector<1x128x1xf32>
    %swap3A_63 = vector.shape_cast %swap3A_62 : vector<1x128x1xf32> to vector<128x1xf32>
    %swap3A_64 = vector.shape_cast %broadcast_in_dim3A_58 : vector<128x1xf32> to vector<1x128x1xf32>
    tpu.vector_store %arg6[%swap3A_59, %swap3A_60, %swap3A_61], %swap3A_64 {strides = array<i32>} : memref<1x128x16xf32, #tpu.memory_space<vmem>>, vector<1x128x1xf32>,
    %slice3A_65 = vector.extract_strided_slice %div3A {offsets = [0, 160], sizes = [128, 32], strides = [1, 1]} : vector<128x512xf32> to vector<128x32xf32>
    %reduce_max3A_66 = arith.constant dense<0xFF800000> : vector<128xf32>
    %reduce_max3A_67 = vector.multi_reduction <maximumf>, %slice3A_65, %reduce_max3A_66 [1] : vector<128x32xf32> to vector<128xf32>
    %broadcast_in_dim3A_68 = vector.shape_cast %reduce_max3A_67 : vector<128xf32> to vector<128x1xf32>
    %swap3A_69 = arith.constant 0 : index
    %swap3A_70 = arith.constant 0 : index
    %swap3A_71 = arith.constant 5 : index
    %swap3A_72 = vector.load %arg6[%swap3A_69, %swap3A_70, %swap3A_71] : memref<1x128x16xf32, #tpu.memory_space<vmem>>, vector<1x128x1xf32>
    %swap3A_73 = vector.shape_cast %swap3A_72 : vector<1x128x1xf32> to vector<128x1xf32>
    %swap3A_74 = vector.shape_cast %broadcast_in_dim3A_68 : vector<128x1xf32> to vector<1x128x1xf32>
    tpu.vector_store %arg6[%swap3A_69, %swap3A_70, %swap3A_71], %swap3A_74 {strides = array<i32>} : memref<1x128x16xf32, #tpu.memory_space<vmem>>, vector<1x128x1xf32>,
    %slice3A_75 = vector.extract_strided_slice %div3A {offsets = [0, 192], sizes = [128, 32], strides = [1, 1]} : vector<128x512xf32> to vector<128x32xf32>
    %reduce_max3A_76 = arith.constant dense<0xFF800000> : vector<128xf32>
    %reduce_max3A_77 = vector.multi_reduction <maximumf>, %slice3A_75, %reduce_max3A_76 [1] : vector<128x32xf32> to vector<128xf32>
    %broadcast_in_dim3A_78 = vector.shape_cast %reduce_max3A_77 : vector<128xf32> to vector<128x1xf32>
    %swap3A_79 = arith.constant 0 : index
    %swap3A_80 = arith.constant 0 : index
    %swap3A_81 = arith.constant 6 : index
    %swap3A_82 = vector.load %arg6[%swap3A_79, %swap3A_80, %swap3A_81] : memref<1x128x16xf32, #tpu.memory_space<vmem>>, vector<1x128x1xf32>
    %swap3A_83 = vector.shape_cast %swap3A_82 : vector<1x128x1xf32> to vector<128x1xf32>
    %swap3A_84 = vector.shape_cast %broadcast_in_dim3A_78 : vector<128x1xf32> to vector<1x128x1xf32>
    tpu.vector_store %arg6[%swap3A_79, %swap3A_80, %swap3A_81], %swap3A_84 {strides = array<i32>} : memref<1x128x16xf32, #tpu.memory_space<vmem>>, vector<1x128x1xf32>,
    %slice3A_85 = vector.extract_strided_slice %div3A {offsets = [0, 224], sizes = [128, 32], strides = [1, 1]} : vector<128x512xf32> to vector<128x32xf32>
    %reduce_max3A_86 = arith.constant dense<0xFF800000> : vector<128xf32>
    %reduce_max3A_87 = vector.multi_reduction <maximumf>, %slice3A_85, %reduce_max3A_86 [1] : vector<128x32xf32> to vector<128xf32>
    %broadcast_in_dim3A_88 = vector.shape_cast %reduce_max3A_87 : vector<128xf32> to vector<128x1xf32>
    %swap3A_89 = arith.constant 0 : index
    %swap3A_90 = arith.constant 0 : index
    %swap3A_91 = arith.constant 7 : index
    %swap3A_92 = vector.load %arg6[%swap3A_89, %swap3A_90, %swap3A_91] : memref<1x128x16xf32, #tpu.memory_space<vmem>>, vector<1x128x1xf32>
    %swap3A_93 = vector.shape_cast %swap3A_92 : vector<1x128x1xf32> to vector<128x1xf32>
    %swap3A_94 = vector.shape_cast %broadcast_in_dim3A_88 : vector<128x1xf32> to vector<1x128x1xf32>
    tpu.vector_store %arg6[%swap3A_89, %swap3A_90, %swap3A_91], %swap3A_94 {strides = array<i32>} : memref<1x128x16xf32, #tpu.memory_space<vmem>>, vector<1x128x1xf32>,
    %slice3A_95 = vector.extract_strided_slice %div3A {offsets = [0, 256], sizes = [128, 32], strides = [1, 1]} : vector<128x512xf32> to vector<128x32xf32>
    %reduce_max3A_96 = arith.constant dense<0xFF800000> : vector<128xf32>
    %reduce_max3A_97 = vector.multi_reduction <maximumf>, %slice3A_95, %reduce_max3A_96 [1] : vector<128x32xf32> to vector<128xf32>
    %broadcast_in_dim3A_98 = vector.shape_cast %reduce_max3A_97 : vector<128xf32> to vector<128x1xf32>
    %swap3A_99 = arith.constant 0 : index
    %swap3A_100 = arith.constant 0 : index
    %swap3A_101 = arith.constant 8 : index
    %swap3A_102 = vector.load %arg6[%swap3A_99, %swap3A_100, %swap3A_101] : memref<1x128x16xf32, #tpu.memory_space<vmem>>, vector<1x128x1xf32>
    %swap3A_103 = vector.shape_cast %swap3A_102 : vector<1x128x1xf32> to vector<128x1xf32>
    %swap3A_104 = vector.shape_cast %broadcast_in_dim3A_98 : vector<128x1xf32> to vector<1x128x1xf32>
    tpu.vector_store %arg6[%swap3A_99, %swap3A_100, %swap3A_101], %swap3A_104 {strides = array<i32>} : memref<1x128x16xf32, #tpu.memory_space<vmem>>, vector<1x128x1xf32>,
    %slice3A_105 = vector.extract_strided_slice %div3A {offsets = [0, 288], sizes = [128, 32], strides = [1, 1]} : vector<128x512xf32> to vector<128x32xf32>
    %reduce_max3A_106 = arith.constant dense<0xFF800000> : vector<128xf32>
    %reduce_max3A_107 = vector.multi_reduction <maximumf>, %slice3A_105, %reduce_max3A_106 [1] : vector<128x32xf32> to vector<128xf32>
    %broadcast_in_dim3A_108 = vector.shape_cast %reduce_max3A_107 : vector<128xf32> to vector<128x1xf32>
    %swap3A_109 = arith.constant 0 : index
    %swap3A_110 = arith.constant 0 : index
    %swap3A_111 = arith.constant 9 : index
    %swap3A_112 = vector.load %arg6[%swap3A_109, %swap3A_110, %swap3A_111] : memref<1x128x16xf32, #tpu.memory_space<vmem>>, vector<1x128x1xf32>
    %swap3A_113 = vector.shape_cast %swap3A_112 : vector<1x128x1xf32> to vector<128x1xf32>
    %swap3A_114 = vector.shape_cast %broadcast_in_dim3A_108 : vector<128x1xf32> to vector<1x128x1xf32>
    tpu.vector_store %arg6[%swap3A_109, %swap3A_110, %swap3A_111], %swap3A_114 {strides = array<i32>} : memref<1x128x16xf32, #tpu.memory_space<vmem>>, vector<1x128x1xf32>,
    %slice3A_115 = vector.extract_strided_slice %div3A {offsets = [0, 320], sizes = [128, 32], strides = [1, 1]} : vector<128x512xf32> to vector<128x32xf32>
    %reduce_max3A_116 = arith.constant dense<0xFF800000> : vector<128xf32>
    %reduce_max3A_117 = vector.multi_reduction <maximumf>, %slice3A_115, %reduce_max3A_116 [1] : vector<128x32xf32> to vector<128xf32>
    %broadcast_in_dim3A_118 = vector.shape_cast %reduce_max3A_117 : vector<128xf32> to vector<128x1xf32>
    %swap3A_119 = arith.constant 0 : index
    %swap3A_120 = arith.constant 0 : index
    %swap3A_121 = arith.constant 10 : index
    %swap3A_122 = vector.load %arg6[%swap3A_119, %swap3A_120, %swap3A_121] : memref<1x128x16xf32, #tpu.memory_space<vmem>>, vector<1x128x1xf32>
    %swap3A_123 = vector.shape_cast %swap3A_122 : vector<1x128x1xf32> to vector<128x1xf32>
    %swap3A_124 = vector.shape_cast %broadcast_in_dim3A_118 : vector<128x1xf32> to vector<1x128x1xf32>
    tpu.vector_store %arg6[%swap3A_119, %swap3A_120, %swap3A_121], %swap3A_124 {strides = array<i32>} : memref<1x128x16xf32, #tpu.memory_space<vmem>>, vector<1x128x1xf32>,
    %slice3A_125 = vector.extract_strided_slice %div3A {offsets = [0, 352], sizes = [128, 32], strides = [1, 1]} : vector<128x512xf32> to vector<128x32xf32>
    %reduce_max3A_126 = arith.constant dense<0xFF800000> : vector<128xf32>
    %reduce_max3A_127 = vector.multi_reduction <maximumf>, %slice3A_125, %reduce_max3A_126 [1] : vector<128x32xf32> to vector<128xf32>
    %broadcast_in_dim3A_128 = vector.shape_cast %reduce_max3A_127 : vector<128xf32> to vector<128x1xf32>
    %swap3A_129 = arith.constant 0 : index
    %swap3A_130 = arith.constant 0 : index
    %swap3A_131 = arith.constant 11 : index
    %swap3A_132 = vector.load %arg6[%swap3A_129, %swap3A_130, %swap3A_131] : memref<1x128x16xf32, #tpu.memory_space<vmem>>, vector<1x128x1xf32>
    %swap3A_133 = vector.shape_cast %swap3A_132 : vector<1x128x1xf32> to vector<128x1xf32>
    %swap3A_134 = vector.shape_cast %broadcast_in_dim3A_128 : vector<128x1xf32> to vector<1x128x1xf32>
    tpu.vector_store %arg6[%swap3A_129, %swap3A_130, %swap3A_131], %swap3A_134 {strides = array<i32>} : memref<1x128x16xf32, #tpu.memory_space<vmem>>, vector<1x128x1xf32>,
    %slice3A_135 = vector.extract_strided_slice %div3A {offsets = [0, 384], sizes = [128, 32], strides = [1, 1]} : vector<128x512xf32> to vector<128x32xf32>
    %reduce_max3A_136 = arith.constant dense<0xFF800000> : vector<128xf32>
    %reduce_max3A_137 = vector.multi_reduction <maximumf>, %slice3A_135, %reduce_max3A_136 [1] : vector<128x32xf32> to vector<128xf32>
    %broadcast_in_dim3A_138 = vector.shape_cast %reduce_max3A_137 : vector<128xf32> to vector<128x1xf32>
    %swap3A_139 = arith.constant 0 : index
    %swap3A_140 = arith.constant 0 : index
    %swap3A_141 = arith.constant 12 : index
    %swap3A_142 = vector.load %arg6[%swap3A_139, %swap3A_140, %swap3A_141] : memref<1x128x16xf32, #tpu.memory_space<vmem>>, vector<1x128x1xf32>
    %swap3A_143 = vector.shape_cast %swap3A_142 : vector<1x128x1xf32> to vector<128x1xf32>
    %swap3A_144 = vector.shape_cast %broadcast_in_dim3A_138 : vector<128x1xf32> to vector<1x128x1xf32>
    tpu.vector_store %arg6[%swap3A_139, %swap3A_140, %swap3A_141], %swap3A_144 {strides = array<i32>} : memref<1x128x16xf32, #tpu.memory_space<vmem>>, vector<1x128x1xf32>,
    %slice3A_145 = vector.extract_strided_slice %div3A {offsets = [0, 416], sizes = [128, 32], strides = [1, 1]} : vector<128x512xf32> to vector<128x32xf32>
    %reduce_max3A_146 = arith.constant dense<0xFF800000> : vector<128xf32>
    %reduce_max3A_147 = vector.multi_reduction <maximumf>, %slice3A_145, %reduce_max3A_146 [1] : vector<128x32xf32> to vector<128xf32>
    %broadcast_in_dim3A_148 = vector.shape_cast %reduce_max3A_147 : vector<128xf32> to vector<128x1xf32>
    %swap3A_149 = arith.constant 0 : index
    %swap3A_150 = arith.constant 0 : index
    %swap3A_151 = arith.constant 13 : index
    %swap3A_152 = vector.load %arg6[%swap3A_149, %swap3A_150, %swap3A_151] : memref<1x128x16xf32, #tpu.memory_space<vmem>>, vector<1x128x1xf32>
    %swap3A_153 = vector.shape_cast %swap3A_152 : vector<1x128x1xf32> to vector<128x1xf32>
    %swap3A_154 = vector.shape_cast %broadcast_in_dim3A_148 : vector<128x1xf32> to vector<1x128x1xf32>
    tpu.vector_store %arg6[%swap3A_149, %swap3A_150, %swap3A_151], %swap3A_154 {strides = array<i32>} : memref<1x128x16xf32, #tpu.memory_space<vmem>>, vector<1x128x1xf32>,
    %slice3A_155 = vector.extract_strided_slice %div3A {offsets = [0, 448], sizes = [128, 32], strides = [1, 1]} : vector<128x512xf32> to vector<128x32xf32>
    %reduce_max3A_156 = arith.constant dense<0xFF800000> : vector<128xf32>
    %reduce_max3A_157 = vector.multi_reduction <maximumf>, %slice3A_155, %reduce_max3A_156 [1] : vector<128x32xf32> to vector<128xf32>
    %broadcast_in_dim3A_158 = vector.shape_cast %reduce_max3A_157 : vector<128xf32> to vector<128x1xf32>
    %swap3A_159 = arith.constant 0 : index
    %swap3A_160 = arith.constant 0 : index
    %swap3A_161 = arith.constant 14 : index
    %swap3A_162 = vector.load %arg6[%swap3A_159, %swap3A_160, %swap3A_161] : memref<1x128x16xf32, #tpu.memory_space<vmem>>, vector<1x128x1xf32>
    %swap3A_163 = vector.shape_cast %swap3A_162 : vector<1x128x1xf32> to vector<128x1xf32>
    %swap3A_164 = vector.shape_cast %broadcast_in_dim3A_158 : vector<128x1xf32> to vector<1x128x1xf32>
    tpu.vector_store %arg6[%swap3A_159, %swap3A_160, %swap3A_161], %swap3A_164 {strides = array<i32>} : memref<1x128x16xf32, #tpu.memory_space<vmem>>, vector<1x128x1xf32>,
    %slice3A_165 = vector.extract_strided_slice %div3A {offsets = [0, 480], sizes = [128, 32], strides = [1, 1]} : vector<128x512xf32> to vector<128x32xf32>
    %reduce_max3A_166 = arith.constant dense<0xFF800000> : vector<128xf32>
    %reduce_max3A_167 = vector.multi_reduction <maximumf>, %slice3A_165, %reduce_max3A_166 [1] : vector<128x32xf32> to vector<128xf32>
    %broadcast_in_dim3A_168 = vector.shape_cast %reduce_max3A_167 : vector<128xf32> to vector<128x1xf32>
    %swap3A_169 = arith.constant 0 : index
    %swap3A_170 = arith.constant 0 : index
    %swap3A_171 = arith.constant 15 : index
    %swap3A_172 = vector.load %arg6[%swap3A_169, %swap3A_170, %swap3A_171] : memref<1x128x16xf32, #tpu.memory_space<vmem>>, vector<1x128x1xf32>
    %swap3A_173 = vector.shape_cast %swap3A_172 : vector<1x128x1xf32> to vector<128x1xf32>
    %swap3A_174 = vector.shape_cast %broadcast_in_dim3A_168 : vector<128x1xf32> to vector<1x128x1xf32>
    tpu.vector_store %arg6[%swap3A_169, %swap3A_170, %swap3A_171], %swap3A_174 {strides = array<i32>} : memref<1x128x16xf32, #tpu.memory_space<vmem>>, vector<1x128x1xf32>,
    return
  }
  func.func @transform_0(%arg0: i32) -> (i32, i32) {
    %c0_i32 = arith.constant 0 : i32
    %c0_i32_0 = arith.constant 0 : i32
    %c0_i32_1 = arith.constant 0 : i32
    return %c0_i32, %c0_i32_0 : i32, i32
  }
  func.func @transform_1(%arg0: i32) -> (i32, i32) {
    %c0_i32 = arith.constant 0 : i32
    %c0_i32_0 = arith.constant 0 : i32
    return %arg0, %c0_i32 : i32, i32
  }
  func.func @transform_2(%arg0: i32) -> (i32, i32) {
    %c0_i32 = arith.constant 0 : i32
    %c0_i32_0 = arith.constant 0 : i32
    %c0_i32_1 = arith.constant 0 : i32
    return %c0_i32, %c0_i32_0 : i32, i32
  }
  func.func @transform_3(%arg0: i32) -> (i32, i32) {
    %c0_i32 = arith.constant 0 : i32
    %c0_i32_0 = arith.constant 0 : i32
    return %c0_i32, %arg0 : i32, i32
  }
  func.func @transform_4(%arg0: i32) -> (i32, i32) {
    %c0_i32 = arith.constant 0 : i32
    %c0_i32_0 = arith.constant 0 : i32
    return %c0_i32, %arg0 : i32, i32
  }
  func.func @transform_5(%arg0: i32) -> (i32, i32, i32) {
    %c0_i32 = arith.constant 0 : i32
    %c0_i32_0 = arith.constant 0 : i32
    %c0_i32_1 = arith.constant 0 : i32
    return %arg0, %c0_i32, %c0_i32_0 : i32, i32, i32
  }
}

module attributes {stable_mosaic.version = 14 : i64} {
  func.func @_topblk_body(%arg0: memref<128x1024xf32, #tpu.memory_space<vmem>>, %arg1: memref<128x64xi32, #tpu.memory_space<vmem>>, %arg2: memref<128x1024xf32, #tpu.memory_space<vmem>>) attributes {dimension_semantics = [], scalar_prefetch = 0 : i64, scratch_operands = 1 : i64, tpu.core_type = #tpu.core_type<tc>} {
    %get3A = arith.constant 0 : index
    %get3A_0 = arith.constant 0 : index
    %get3A_1 = vector.load %arg0[%get3A, %get3A_0] : memref<128x1024xf32, #tpu.memory_space<vmem>>, vector<128x1024xf32>
    %swap3A = arith.constant 0 : index
    %swap3A_2 = arith.constant 0 : index
    %swap3A_3 = vector.load %arg2[%swap3A, %swap3A_2] : memref<128x1024xf32, #tpu.memory_space<vmem>>, vector<128x1024xf32>
    tpu.vector_store %arg2[%swap3A, %swap3A_2], %get3A_1 {strides = array<i32>} : memref<128x1024xf32, #tpu.memory_space<vmem>>, vector<128x1024xf32>,
    %iota3A = tpu.iota {dimensions = array<i32: 1>} : vector<128x1024xi32>
    %iota3A_4 = tpu.iota {dimensions = array<i32: 1>} : vector<128x64xi32>
    %broadcast_in_dim3A = arith.constant 0 : i32
    %broadcast_in_dim3A_5 = vector.broadcast %broadcast_in_dim3A : i32 to vector<128x64xi32>
    %scan3A = arith.constant 0 : i32
    %scan3A_6 = arith.constant 64 : i32
    %scan3A_7 = arith.addi %scan3A, %scan3A_6 : i32
    %scan3A_8 = arith.constant 1 : i32
    %scan3A_9 = scf.for %scan3A_14 = %scan3A to %scan3A_7 step %scan3A_8 iter_args(%scan3A_15 = %broadcast_in_dim3A_5) -> (vector<128x64xi32>)  : i32 {
      %get3A_16 = arith.constant 0 : index
      %get3A_17 = arith.constant 0 : index
      %get3A_18 = vector.load %arg2[%get3A_16, %get3A_17] : memref<128x1024xf32, #tpu.memory_space<vmem>>, vector<128x1024xf32>
      %reduce_max3A = arith.constant dense<0xFF800000> : vector<128xf32>
      %reduce_max3A_19 = vector.multi_reduction <maximumf>, %get3A_18, %reduce_max3A [1] : vector<128x1024xf32> to vector<128xf32>
      %broadcast_in_dim3A_20 = vector.shape_cast %reduce_max3A_19 : vector<128xf32> to vector<128x1xf32>
      %eq3A = vector.broadcast %broadcast_in_dim3A_20 : vector<128x1xf32> to vector<128x1024xf32>
      %eq3A_21 = arith.cmpf oeq, %get3A_18, %eq3A : vector<128x1024xf32>
      %jit3A = arith.constant 2147483647 : i32
      %broadcast_in_dim3A_22 = vector.broadcast %jit3A : i32 to vector<128x1024xi32>
      %select_n3A = arith.select %eq3A_21, %iota3A, %broadcast_in_dim3A_22 : vector<128x1024xi1>, vector<128x1024xi32>
      %reduce_min3A = arith.constant dense<2147483647> : vector<128xi32>
      %reduce_min3A_23 = vector.multi_reduction <minsi>, %select_n3A, %reduce_min3A [1] : vector<128x1024xi32> to vector<128xi32>
      %broadcast_in_dim3A_24 = vector.shape_cast %reduce_min3A_23 : vector<128xi32> to vector<128x1xi32>
      %eq3A_25 = vector.broadcast %broadcast_in_dim3A_24 : vector<128x1xi32> to vector<128x1024xi32>
      %eq3A_26 = arith.cmpi eq, %select_n3A, %eq3A_25 : vector<128x1024xi32>
      %jit3A_27 = arith.constant -3.000000e+38 : f32
      %broadcast_in_dim3A_28 = vector.broadcast %jit3A_27 : f32 to vector<128x1024xf32>
      %select_n3A_29 = arith.select %eq3A_26, %broadcast_in_dim3A_28, %get3A_18 : vector<128x1024xi1>, vector<128x1024xf32>
      %swap3A_30 = arith.constant 0 : index
      %swap3A_31 = arith.constant 0 : index
      %swap3A_32 = vector.load %arg2[%swap3A_30, %swap3A_31] : memref<128x1024xf32, #tpu.memory_space<vmem>>, vector<128x1024xf32>
      tpu.vector_store %arg2[%swap3A_30, %swap3A_31], %select_n3A_29 {strides = array<i32>} : memref<128x1024xf32, #tpu.memory_space<vmem>>, vector<128x1024xf32>,
      %eq3A_33 = vector.broadcast %scan3A_14 : i32 to vector<128x64xi32>
      %eq3A_34 = arith.cmpi eq, %iota3A_4, %eq3A_33 : vector<128x64xi32>
      %convert_element_type3A = arith.extui %eq3A_34 : vector<128x64xi1> to vector<128x64xi32>
      %mul3A = vector.broadcast %broadcast_in_dim3A_24 : vector<128x1xi32> to vector<128x64xi32>
      %mul3A_35 = arith.muli %mul3A, %convert_element_type3A : vector<128x64xi32>
      %add3A = arith.addi %scan3A_15, %mul3A_35 : vector<128x64xi32>
      scf.yield %add3A : vector<128x64xi32>
    }
    %scan3A_10 = arith.constant 64 : i32
    %swap3A_11 = arith.constant 0 : index
    %swap3A_12 = arith.constant 0 : index
    %swap3A_13 = vector.load %arg1[%swap3A_11, %swap3A_12] : memref<128x64xi32, #tpu.memory_space<vmem>>, vector<128x64xi32>
    tpu.vector_store %arg1[%swap3A_11, %swap3A_12], %scan3A_9 {strides = array<i32>} : memref<128x64xi32, #tpu.memory_space<vmem>>, vector<128x64xi32>,
    return
  }
}

module attributes {stable_mosaic.version = 14 : i64} {
  func.func @_topk_body(%arg0: memref<128x2048xf32, #tpu.memory_space<vmem>>, %arg1: memref<128x2048xi32, #tpu.memory_space<vmem>>, %arg2: memref<128x1xi32, #tpu.memory_space<vmem>>, %arg3: memref<128x64xi32, #tpu.memory_space<vmem>>, %arg4: memref<128x2048xf32, #tpu.memory_space<vmem>>) attributes {dimension_semantics = [], scalar_prefetch = 0 : i64, scratch_operands = 1 : i64, tpu.core_type = #tpu.core_type<tc>} {
    %get3A = arith.constant 0 : index
    %get3A_0 = arith.constant 0 : index
    %get3A_1 = vector.load %arg0[%get3A, %get3A_0] : memref<128x2048xf32, #tpu.memory_space<vmem>>, vector<128x2048xf32>
    %swap3A = arith.constant 0 : index
    %swap3A_2 = arith.constant 0 : index
    %swap3A_3 = vector.load %arg4[%swap3A, %swap3A_2] : memref<128x2048xf32, #tpu.memory_space<vmem>>, vector<128x2048xf32>
    tpu.vector_store %arg4[%swap3A, %swap3A_2], %get3A_1 {strides = array<i32>} : memref<128x2048xf32, #tpu.memory_space<vmem>>, vector<128x2048xf32>,
    %get3A_4 = arith.constant 0 : index
    %get3A_5 = arith.constant 0 : index
    %get3A_6 = vector.load %arg1[%get3A_4, %get3A_5] : memref<128x2048xi32, #tpu.memory_space<vmem>>, vector<128x2048xi32>
    %get3A_7 = arith.constant 0 : index
    %get3A_8 = arith.constant 0 : index
    %get3A_9 = vector.load %arg2[%get3A_7, %get3A_8] : memref<128x1xi32, #tpu.memory_space<vmem>>, vector<128x1xi32>
    %iota3A = tpu.iota {dimensions = array<i32: 1>} : vector<128x64xi32>
    %broadcast_in_dim3A = arith.constant 0 : i32
    %broadcast_in_dim3A_10 = vector.broadcast %broadcast_in_dim3A : i32 to vector<128x64xi32>
    %broadcast_in_dim3A_11 = arith.constant 0 : i32
    %broadcast_in_dim3A_12 = vector.broadcast %broadcast_in_dim3A_11 : i32 to vector<128x1xi32>
    %scan3A = arith.constant 0 : i32
    %scan3A_13 = arith.constant 64 : i32
    %scan3A_14 = arith.addi %scan3A, %scan3A_13 : i32
    %scan3A_15 = arith.constant 1 : i32
    %scan3A_16:2 = scf.for %scan3A_28 = %scan3A to %scan3A_14 step %scan3A_15 iter_args(%scan3A_29 = %broadcast_in_dim3A_10, %scan3A_30 = %broadcast_in_dim3A_12) -> (vector<128x64xi32>, vector<128x1xi32>)  : i32 {
      %get3A_31 = arith.constant 0 : index
      %get3A_32 = arith.constant 0 : index
      %get3A_33 = vector.load %arg4[%get3A_31, %get3A_32] : memref<128x2048xf32, #tpu.memory_space<vmem>>, vector<128x2048xf32>
      %reduce_max3A = arith.constant dense<0xFF800000> : vector<128xf32>
      %reduce_max3A_34 = vector.multi_reduction <maximumf>, %get3A_33, %reduce_max3A [1] : vector<128x2048xf32> to vector<128xf32>
      %broadcast_in_dim3A_35 = vector.shape_cast %reduce_max3A_34 : vector<128xf32> to vector<128x1xf32>
      %eq3A_36 = vector.broadcast %broadcast_in_dim3A_35 : vector<128x1xf32> to vector<128x2048xf32>
      %eq3A_37 = arith.cmpf oeq, %get3A_33, %eq3A_36 : vector<128x2048xf32>
      %jit3A = arith.constant 2147483647 : i32
      %broadcast_in_dim3A_38 = vector.broadcast %jit3A : i32 to vector<128x2048xi32>
      %select_n3A_39 = arith.select %eq3A_37, %get3A_6, %broadcast_in_dim3A_38 : vector<128x2048xi1>, vector<128x2048xi32>
      %reduce_min3A = arith.constant dense<2147483647> : vector<128xi32>
      %reduce_min3A_40 = vector.multi_reduction <minsi>, %select_n3A_39, %reduce_min3A [1] : vector<128x2048xi32> to vector<128xi32>
      %broadcast_in_dim3A_41 = vector.shape_cast %reduce_min3A_40 : vector<128xi32> to vector<128x1xi32>
      %eq3A_42 = vector.broadcast %broadcast_in_dim3A_41 : vector<128x1xi32> to vector<128x2048xi32>
      %eq3A_43 = arith.cmpi eq, %select_n3A_39, %eq3A_42 : vector<128x2048xi32>
      %jit3A_44 = arith.constant -3.000000e+38 : f32
      %broadcast_in_dim3A_45 = vector.broadcast %jit3A_44 : f32 to vector<128x2048xf32>
      %select_n3A_46 = arith.select %eq3A_43, %broadcast_in_dim3A_45, %get3A_33 : vector<128x2048xi1>, vector<128x2048xf32>
      %swap3A_47 = arith.constant 0 : index
      %swap3A_48 = arith.constant 0 : index
      %swap3A_49 = vector.load %arg4[%swap3A_47, %swap3A_48] : memref<128x2048xf32, #tpu.memory_space<vmem>>, vector<128x2048xf32>
      tpu.vector_store %arg4[%swap3A_47, %swap3A_48], %select_n3A_46 {strides = array<i32>} : memref<128x2048xf32, #tpu.memory_space<vmem>>, vector<128x2048xf32>,
      %eq3A_50 = vector.broadcast %scan3A_28 : i32 to vector<128x64xi32>
      %eq3A_51 = arith.cmpi eq, %iota3A, %eq3A_50 : vector<128x64xi32>
      %convert_element_type3A = arith.extui %eq3A_51 : vector<128x64xi1> to vector<128x64xi32>
      %mul3A = vector.broadcast %broadcast_in_dim3A_41 : vector<128x1xi32> to vector<128x64xi32>
      %mul3A_52 = arith.muli %mul3A, %convert_element_type3A : vector<128x64xi32>
      %add3A = arith.addi %scan3A_29, %mul3A_52 : vector<128x64xi32>
      %eq3A_53 = arith.cmpi eq, %broadcast_in_dim3A_41, %get3A_9 : vector<128x1xi32>
      %convert_element_type3A_54 = arith.extui %eq3A_53 : vector<128x1xi1> to vector<128x1xi32>
      %max3A = arith.maxsi %scan3A_30, %convert_element_type3A_54 : vector<128x1xi32>
      scf.yield %add3A, %max3A : vector<128x64xi32>, vector<128x1xi32>
    }
    %scan3A_17 = arith.constant 64 : i32
    %gt3A = arith.constant 0 : i32
    %gt3A_18 = vector.broadcast %gt3A : i32 to vector<128x1xi32>
    %gt3A_19 = arith.cmpi sgt, %scan3A_16#1, %gt3A_18 : vector<128x1xi32>
    %slice3A = vector.extract_strided_slice %scan3A_16#0 {offsets = [0, 63], sizes = [128, 1], strides = [1, 1]} : vector<128x64xi32> to vector<128x1xi32>
    %select_n3A = arith.select %gt3A_19, %slice3A, %get3A_9 : vector<128x1xi1>, vector<128x1xi32>
    %eq3A = arith.constant 63 : i32
    %eq3A_20 = vector.broadcast %eq3A : i32 to vector<128x64xi32>
    %eq3A_21 = arith.cmpi eq, %iota3A, %eq3A_20 : vector<128x64xi32>
    %broadcast_in_dim3A_22 = vector.shape_cast %select_n3A : vector<128x1xi32> to vector<128x1xi32>
    %broadcast_in_dim3A_23 = vector.broadcast %broadcast_in_dim3A_22 : vector<128x1xi32> to vector<128x64xi32>
    %select_n3A_24 = arith.select %eq3A_21, %broadcast_in_dim3A_23, %scan3A_16#0 : vector<128x64xi1>, vector<128x64xi32>
    %swap3A_25 = arith.constant 0 : index
    %swap3A_26 = arith.constant 0 : index
    %swap3A_27 = vector.load %arg3[%swap3A_25, %swap3A_26] : memref<128x64xi32, #tpu.memory_space<vmem>>, vector<128x64xi32>
    tpu.vector_store %arg3[%swap3A_25, %swap3A_26], %select_n3A_24 {strides = array<i32>} : memref<128x64xi32, #tpu.memory_space<vmem>>, vector<128x64xi32>,
    return
  }
}

</mosaic_0001>

<sc_bundles>
// kernel: kernel.10.cloned.1.call-start
scs
__scs_entry_jumppad:
0x0: {  	(pc) =	sbr.rel $0x88, $3  }
0x1: {  	(tag) =	ssettag $0x0;
	lr =	simm.s32 $0x1  }
0x2: {  	[smem:$0x3F9C] =	sst lr;
	_ =	strace $0xD0000000  }
0x3: {  	_ = 	snop  }
0x4: {  	_ = 	snop  }
0x5: {  	_ = 	snop  }
0x6: {  	_ = 	snop  }
0x7: {  	_ = 	snop  }
__scs_overlays_trampoline_lowered:
0x8: {  	[smem:$0x3FAB] =	sst s0  }
0x9: {  	[smem:$0x3FAC] =	sst s1  }
0xa: {  	[smem:$0x3FAD] =	sst s2  }
0xb: {  	[smem:$0x3FAE] =	sst s3  }
0xc: {  	[smem:$0x3FAF] =	sst s4  }
0xd: {  	[smem:$0x3FB0] =	sst s5  }
0xe: {  	[smem:$0x3FB1] =	sst s6  }
0xf: {  	[smem:$0x3FB2] =	sst s7  }
0x10: {  	[smem:$0x3FB3] =	sst s8  }
0x11: {  	[smem:$0x3FB4] =	sst s9;
	s0 =	simm.s32 @!p0 $0x0  }
0x12: {  	s1 =	sld [smem:$0x3F9A];
	s0 =	simm.s32 @p0 $0x1  }
0x13: {  	[smem:$0x3FB5] =	sst s0;
	s0 =	simm.s32 @!p1 $0x0  }
0x14: {  	s2 =	sld [smem:$0x3F99];
	s0 =	simm.s32 @p1 $0x1  }
0x15: {  	[smem:$0x3FB6] =	sst s0;
	s0 =	simm.s32 @!p2 $0x0  }
0x16: {  	s3 =	sld [smem:$0x3FDB];
	s0 =	simm.s32 @p2 $0x1  }
0x17: {  	s4 =	simm.s32 $0x1BF5;
	[smem:$0x3FB8] =	sst s0  }
0x18: {  	s0 =	sld [smem:$0x3F9B];
	_ =	swait.ge [sflag:s4], $0x0  }
0x19: {  	s7 =	sld [smem:$0x3F9C]  }
0x1a: {  	s8 =	sadd.s32 $0xFFFFE003, lr  }
0x1b: {  	s9 =	sadd.s32 $0xFFFFFEF7, lr;
	s5 =	simm.s32 $0xFFFFFFFF;
	p2 =	slt.u32 s8, $0xFFFFF086  }
0x1c: {  	p1 =	slt.u32 s9, $0xF7A;
	s5 =	simm.s32 @!p2 $0x0  }
0x1d: {  	s5 =	simm.s32 @p1 $0x1;
	p0 =	seq.s32 s7, s2  }
0x1e: {  	s7 =	smul.u32 @!p0 $0xF7A, s2;
	p2 =	seq.s32 @!p0 s5, $0x0  }
0x1f: {  	s9 =	smul.u32 $0xF7A, s1;
	s8 =	simm.s32 @!p0 $0x1BF5;
	p2 =	por !p2, p0  }
0x20: {  	[sflag:s8] =	ssyncset.s32 @!p0 $0xFFFFF086;
	s6 =	sadd.s32 @!p0 s3, s7;
	s7 =	simm.s32 @!p0 $0x108  }
0x21: {  	s3 =	sadd.s32 s3, s9;
	s6 =	sadd.s32 @!p0 $0x88, s6;
	s7 =	simm.s32 @p2 $0x1082  }
0x22: {  	[simem:s7], [sflag:s8] =	dma.local @!p0 [hbm:s6], $0xF7A  }
0x23: {  	s9 =	sor.u32 $0xD0000000, s2;
	s6 =	simm.s32 $0x108;
	_ =	swait.ge @!p0 [sflag:s8], $0x0  }
0x24: {  	s3 =	sadd.s32 $0x88, s3;
	s6 =	simm.s32 @!p1 $0x1082;
	[sflag:s4] =	ssyncset.s32 $0xFFFFF086  }
0x25: {  	[simem:s6], [sflag:s4] =	dma.local [hbm:s3], $0xF7A  }
0x26: {  	[smem:$0x3F9C] =	sst s1;
	(tag) =	ssettag s2;
	_ =	strace s9  }
0x27: {  	s1 =	sld [smem:$0x3FAC]  }
0x28: {  	s2 =	sld [smem:$0x3FAD]  }
0x29: {  	s4 =	sld [smem:$0x3FAF]  }
0x2a: {  	p0 =	seq.s32 s5, $0x0;
	s5 =	sld [smem:$0x3FB0]  }
0x2b: {  	s6 =	sld [smem:$0x3FB1]  }
0x2c: {  	s7 =	sld [smem:$0x3FB2]  }
0x2d: {  	s3 =	simm.s32 $0x108;
	s8 =	sld [smem:$0x3FB3]  }
0x2e: {  	s3 =	simm.s32 @!p0 $0x1082;
	s9 =	sld [smem:$0x3FB4]  }
0x2f: {  	lr =	sadd.s32 s0, s3;
	s0 =	sld [smem:$0x3FAB]  }
0x30: {  	s3 =	sld [smem:$0x3FAE]  }
0x31: {  	[smem:$0x3FB7] =	sst s10  }
0x32: {  	s10 =	sld [smem:$0x3FB5];
	_ =	sdelay $0x3  }
0x33: {  	p0 =	seq.s32 s10, $0x1;
	s10 =	sld [smem:$0x3FB7];
	_ =	sdelay $0x3  }
0x34: {  	[smem:$0x3FB7] =	sst s10  }
0x35: {  	s10 =	sld [smem:$0x3FB6];
	_ =	sdelay $0x3  }
0x36: {  	p1 =	seq.s32 s10, $0x1;
	s10 =	sld [smem:$0x3FB7];
	_ =	sdelay $0x3  }
0x37: {  	[smem:$0x3FB7] =	sst s10  }
0x38: {  	s10 =	sld [smem:$0x3FB8]  }
0x39: {  	_ = 	snop;
	(pc) =	sbr.ind lr, $3  }
0x3a: {  	_ = 	snop  }
0x3b: {  	_ = 	snop  }
0x3c: {  	p2 =	seq.s32 s10, $0x1;
	s10 =	sld [smem:$0x3FB7]  }
0x3d: {  	_ =	shalt  }
0x3e: {  	_ =	shalt  }
0x3f: {  	_ =	shalt  }
0x40: {  	_ =	shalt  }
0x41: {  	_ =	shalt  }
0x42: {  	_ =	shalt  }
0x43: {  	_ =	shalt  }
0x44: {  	_ =	shalt  }
0x45: {  	_ =	shalt  }
0x46: {  	_ =	shalt  }
0x47: {  	_ =	shalt  }
0x48: {  	_ =	shalt  }
0x49: {  	_ =	shalt  }
0x4a: {  	_ =	shalt  }
0x4b: {  	_ =	shalt  }
0x4c: {  	_ =	shalt  }
0x4d: {  	_ =	shalt  }
0x4e: {  	_ =	shalt  }
0x4f: {  	_ =	shalt  }
0x50: {  	_ =	shalt  }
0x51: {  	_ =	shalt  }
0x52: {  	_ =	shalt  }
0x53: {  	_ =	shalt  }
0x54: {  	_ =	shalt  }
0x55: {  	_ =	shalt  }
0x56: {  	_ =	shalt  }
0x57: {  	_ =	shalt  }
0x58: {  	_ =	shalt  }
0x59: {  	_ =	shalt  }
0x5a: {  	_ =	shalt  }
0x5b: {  	_ =	shalt  }
0x5c: {  	_ =	shalt  }
0x5d: {  	_ =	shalt  }
0x5e: {  	_ =	shalt  }
0x5f: {  	_ =	shalt  }
0x60: {  	_ =	shalt  }
0x61: {  	_ =	shalt  }
0x62: {  	_ =	shalt  }
0x63: {  	_ =	shalt  }
0x64: {  	_ =	shalt  }
0x65: {  	_ =	shalt  }
0x66: {  	_ =	shalt  }
0x67: {  	_ =	shalt  }
0x68: {  	_ =	shalt  }
0x69: {  	_ =	shalt  }
0x6a: {  	_ =	shalt  }
0x6b: {  	_ =	shalt  }
0x6c: {  	_ =	shalt  }
0x6d: {  	_ =	shalt  }
0x6e: {  	_ =	shalt  }
0x6f: {  	_ =	shalt  }
0x70: {  	_ =	shalt  }
0x71: {  	_ =	shalt  }
0x72: {  	_ =	shalt  }
0x73: {  	_ =	shalt  }
0x74: {  	_ =	shalt  }
0x75: {  	_ =	shalt  }
0x76: {  	_ =	shalt  }
0x77: {  	_ =	shalt  }
0x78: {  	_ =	shalt  }
0x79: {  	_ =	shalt  }
0x7a: {  	_ =	shalt  }
0x7b: {  	_ =	shalt  }
0x7c: {  	_ =	shalt  }
0x7d: {  	_ =	shalt  }
0x7e: {  	_ =	shalt  }
0x7f: {  	_ =	shalt  }
0x80: {  	_ =	shalt  }
0x81: {  	_ =	shalt  }
0x82: {  	_ =	shalt  }
0x83: {  	_ =	shalt  }
0x84: {  	_ =	shalt  }
0x85: {  	_ =	shalt  }
0x86: {  	_ =	shalt  }
0x87: {  	_ =	shalt  }
.Lfunc_end0:
.L_simem_size_0:
called_computation.1_lowered:
.L_overlay_start_0:
0x88: {  	s2 =	sld [smem:$0x3FD9]  }
0x89: {  	s3 =	sld [smem:$0x3FFE];
	_ =	sdelay $0x1  }
0x8a: {  	s1 =	srdreg.scid  }
0x8b: {  	s0 =	sand.u32 $0x1, s1  }
0x8c: {  	s14 =	sshll.u32 s0, $0xA;
	s2 =	sadd.s32 s3, s2  }
0x8d: {  	s2 =	sadd.s32 s2, s14  }
0x8e: {  	[smem:$0x3FC3] =	sst s2  }
0x8f: {  	_ = 	snop  }
0x90: {  	s2 =	sld [smem:$0x3FD0];
	_ =	sdelay $0x2  }
0x91: {  	s15 =	simm.s32 $0xA;
	s4 =	simm.s32 $0x10  }
0x92: {  	[smem:s4], [sflag:s15] =	dma.local [hbm:s2], $0x1  }
0x93: {  	_ =	swait.eq [sflag:s15], $0x1  }
0x94: {  	[sflag:s15] =	ssyncset.done $0x0  }
0x95: {  	[sflag:s15] =	ssyncadd.s32 $0xFFFFFFFF  }
0x96: {  	s16 =	sld [smem:$0x11];
	(tm) =	ssettm $0x1  }
0x97: {  	s17 =	sld [smem:$0x3FFB];
	_ =	sdelay $0x3  }
0x98: {  	_ =	strace s17  }
0x99: {  	s3 =	sld [smem:$0x3FFC];
	_ =	sdelay $0x3  }
0x9a: {  	_ =	strace s3  }
0x9b: {  	s3 =	sld [smem:$0x3FFD];
	_ =	sdelay $0x3  }
0x9c: {  	_ =	strace s3  }
0x9d: {  	_ =	strace $0x8FFFFFFF  }
0x9e: {  	s18 =	sld [smem:$0x3FDB];
	_ =	sdelay $0x1  }
0x9f: {  	s19 =	simm.s32 $_scs_section_size  }
0xa0: {  	s5 =	simm.s32 $_size__tile_overlayer_lowered;
	s6 =	simm.s32 $_tile_overlayer_lowered  }
0xa1: {  	s22 =	simm.s32 $0x1BFF;
	s21 =	sshll.u32 s6, $0x1;
	s3 =	sadd.s32 s19, s18  }
0xa2: {  	s7 =	simm.s32 $0x0;
	s20 =	sshll.u32 s5, $0x1;
	s5 =	sadd.s32 s21, s3  }
0xa3: {  	[timem:s7], [sflag:s22] =	dma.local [hbm:s5], s20  }
0xa4: {  	_ =	swait.ge [sflag:s22], s20  }
0xa5: {  	s4 =	ssub.s32 $0x0, s20;
	[sflag:s22] =	ssyncset.done $0x0  }
0xa6: {  	[sflag:s22] =	ssyncadd.s32 s4;
	_ =	sdelay $0x1  }
0xa7: {  	s23 =	simm.s32 $0x1B8B  }
0xa8: {  	_ =	swait.ge [sflag:s23], $0x1  }
0xa9: {  	[sflag:s23] =	ssyncset.done $0x0  }
0xaa: {  	s25 =	simm.s32 $0x1B8E;
	s24 =	sld [smem:$0x3FFE];
	[sflag:s23] =	ssyncadd.s32 $0xFFFFFFFF  }
0xab: {  	s26 =	simm.s32 $execute0_lowered;
	[smem:$0x3FD2] =	sst s25  }
0xac: {  	s5 =	sshll.u32 s26, $0x1;
	_ =	strace $0x80000049;
	[dreg:$0x1] =	wrdreg $0xFFFFFFFF  }
0xad: {  	s28 =	simm.s32 $_size_execute0_lowered;
	s3 =	sadd.s32 s3, s5;
	[dreg:$0x0] =	wrdreg $0x0  }
0xae: {  	s5 =	sshll.u32 s28, $0x1;
	[dreg:$0x2] =	wrdreg s3  }
0xaf: {  	[dreg:$0x3] =	wrdreg s5  }
0xb0: {  	[dreg:$0x4] =	wrdreg $0xC0  }
0xb1: {  	_ =	task [dreg:s7], $0x5FFFF  }
0xb2: {  	[dreg:$0x1] =	wrdreg $0xFFFFFFFF  }
0xb3: {  	[dreg:$0x0] =	wrdreg $0x60  }
0xb4: {  	[dreg:$0x2] =	wrdreg s24  }
0xb5: {  	[dreg:$0x3] =	wrdreg s16  }
0xb6: {  	[dreg:$0x4] =	wrdreg $0x9  }
0xb7: {  	_ =	task.clear_ibuf [dreg:s7], $0x5FFFF;
	_ =	strace $0x90000049  }
0xb8: {  	s29 =	simm.s32 $0x9;
	_ =	strace $0x8000004B  }
0xb9: {  	_ =	swait.ge [sflag:s29], $0x1  }
0xba: {  	[sflag:s29] =	ssyncadd.s32 $0xFFFFFFFF  }
0xbb: {  	_ =	strace $0x9000004B  }
0xbc: {  	_ =	sfence  }
0xbd: {  	s30 =	sld [smem:$0x0];
	_ =	sdelay $0x2  }
0xbe: {  	s31 =	sshll.u32 s1, $0xD;
	s1 =	sshrl.u32 s1, $0x2  }
0xbf: {  	s3 =	sand.u32 $0x4000, s31;
	s1 =	sadd.s32 s1, s30  }
0xc0: {  	s0 =	sor.u32 s3, s0;
	s1 =	sshll.u32 s1, $0x11  }
0xc1: {  	s0 =	sor.u32 s1, s0  }
0xc2: {  	s0 =	sadd.s32 $0x8F2B, s0  }
0xc3: {  	[sflag:s0] =	ssyncadd.remote.s32 $0x1  }
0xc4: {  	_ =	sfence.sel $0xFFFF  }
0xc5: {  	[dreg:$0x0] =	wrdreg $0xFFFFFFFF;
	(pc) =	sbr.abs _section_cstart, $3  }
0xc6: {  	[dreg:$0x1] =	wrdreg $0xFFFFFFFF  }
0xc7: {  	_ =	task.clear_ibuf [dreg:s7], $0x2FFFF;
	_ =	strace $0x9FFFFFFF  }
0xc8: {  	(tm) =	ssettm $0x7FFFFFFF  }
0xc9: {  	_ =	shalt  }
tec
execute0_lowered:
.L_overlay_start_1:
0x0: {  	(tag) =	ssettag $0x1  }
0x1: {  	s4 =	rddreg [dreg:$0x0]  }
0x2: {  	s9 =	rddreg [dreg:$0x1]  }
0x3: {  	s0 =	rddreg [dreg:$0x2];
	s3 =	srdreg.scid  }
0x4: {  	s1 =	stileid.u32;
	s2 =	simm.s32 $0x0;
	s19 =	simm.s32 $0x4100  }
0x5: {  	s20 =	simm.s32 $0x1;
	s21 =	simm.s32 $0x2100;
	s22 =	simm.s32 $0x6100  }
0x6: {  	s23 =	simm.s32 $0x8100;
	s24 =	simm.s32 $0x8110;
	s25 =	simm.s32 $0x0  }
0x7: {  	s5 =	sand.u32 $0x1, s3;
	s28 =	sshll.u32 s1, $0x1;
	[smem:$0x7FF] =	sst s2  }
0x8: {  	s3 =	sadd.s32 $0x80E00, s4;
	s13 =	sadd.s32 $0x100E00, s4;
	s8 =	sor.u32 s5, s28  }
0x9: {  	_ =	strace $0x8000004A;
	s5 =	ssub.s32 $0x2, s5;
	s6 =	sshll.u32 s8, $0x5  }
0xa: {  	s7 =	sshll.u32 s8, $0x1;
	s10 =	sshrl.u32 s5, $0x1;
	s29 =	sshll.u32 s8, $0x2  }
0xb: {  	s30 =	sshll.u32 s8, $0xC;
	s16 =	sshllo.u32 s8, $0x2;
	s18 =	sshll.u32 s8, $0x3  }
0xc: {  	s6 =	sadd.s32 s6, s4;
	s14 =	sadd.s32 s7, s4;
	s15 =	ssub.s32 s5, s10  }
0xd: {  	s11 =	sor.u32 $0x1, s29;
	s12 =	sor.u32 $0x2, s29;
	s17 =	sshll.u32 s16, $0xA  }
0xe: {  	s16 =	sshll.u32 s16, $0x1;
	s4 =	sadd.s32 $0xA00, s6;
	s5 =	sadd.s32 $0xA10, s6  }
0xf: {  	v0 =	vlaneseq.u32;
	s6 =	sadd.s32 s9, s30;
	s31 =	sshll.u32 s11, $0xA;
	s10 =	sshll.u32 s12, $0xA  }
.Ltmp0:
0x10: {  	v2 =	vimm.s32 $0x0;
	vm0 =	vcmask $0x1310;
	vm1 =	vcmask $0x1714;
	s11 =	sshll.u32 s11, $0x1;
	s12 =	sshll.u32 s12, $0x1;
	(pc) =	sbr.rel .LBB2_1-.Ltmp0, $4  }
0x11: {  	vm2 =	vcmask $0x1B18;
	vm3 =	vcmask $0x1F1C;
	vm4 =	vcmask $0xF0C;
	s14 =	sadd.s32 $0xE00, s14;
	s15 =	smax.u32 s15, $0x1;
	s7 =	sadd.s32 s9, s31  }
0x12: {  	vm5 =	vcmask $0x2320;
	v1 =	vmul.u32 $0x2, v0;
	v3 =	vor.u32 $0x80000000, v0;
	s8 =	sadd.s32 s9, s10;
	s9 =	sadd.s32 s9, s17;
	s10 =	sadd.s32 s13, s18  }
0x13: {  	v4 =	vsel vm0, $0xFFFFFFFF, v2;
	vm0 =	vcmask $0x300;
	v5 =	vsel vm1, $0xFFFFFFFF, v2;
	s11 =	sadd.s32 s13, s11;
	s12 =	sadd.s32 s13, s12;
	s13 =	sadd.s32 s13, s16  }
0x14: {  	vm1 =	vcmask $0x704;
	v6 =	vsel vm2, $0xFFFFFFFF, v2;
	vm2 =	vcmask $0xB08;
	s16 =	simm.s32 $0x2;
	s17 =	simm.s32 $0x80;
	s18 =	simm.s32 $0x100  }
.LBB2_24:
0x15: {  	v27 =	vor.u32 v1, v27;
	s26 =	sand.u32 $0xFFFFFF80, s29  }
0x16: {  	v27 =	vor.u32 s26, v27;
	_ =	sdelay $0x4  }
0x17: {  	v30 =	vld.idx.msk [tilespmem:v27+s18+$0x0], $0xffff;
	_ =	sdelay $0x1  }
0x18: {  	vm8 =	veq.s32 v14, v15  }
0x19: {  	v32 =	vnsel vm8, $0x80000063, v3  }
0x1a: {  	v29, _, _ =	vpop (xrf0);
	v20 =	vor.u32 $0x1, v20;
	v28 =	vnsel vm6, $0x0, v28;
	vm12 =	vne.s32 v21, $0xFFFFFFFF;
	(xrf0) =	vmin.scan.msk.u32 $0xffff, v32  }
0x1b: {  	vm9 =	vne.s32 v25, $0xFFFFFFFF;
	vm7 =	vmmov vm7;
	vm13 =	veq.s32 v30, v15  }
0x1c: {  	s31 =	spop (v2sf);
	v19 =	vor.u32 $0x1, v19;
	(v2sf) =	vpush v29, $0xF;
	v34 =	vnsel vm13, $0x80000063, v3  }
0x1d: {  	v35 =	vsel vm6, $0x1, v2;
	vm15 =	vne.s32 v16, $0xFFFFFFFF;
	v18 =	vor.u32 $0x1, v18;
	s26 =	sxor.u32 $0x80000000, s31;
	(xrf0) =	vmin.scan.msk.u32 $0xffff, v34  }
0x1e: {  	vm8 =	vmand vm12, vm9;
	v24 =	vmax.u32 v24, v35;
	v33 =	vmov s26  }
0x1f: {  	v36 =	vmpcnt.ones.xlane vm7;
	v39 =	vxor.u32 $0x1, v24;
	vm14 =	vgt.s32 v33, v0  }
0x20: {  	vm7 =	vmmov vm8;
	v51 =	vor.u32 $0x1, v27;
	vm9 =	vmand vm8, vm14;
	v20 =	vld.idx.msk [tilespmem:v20+s18+$0x0], $0xffff;
	v37, _, _ =	vpop (xrf0)  }
0x21: {  	vm6 =	vlt.s32 v33, $0x63;
	v38 =	vmpcnt.ones.xlane vm9;
	v19 =	vld.idx.msk [tilespmem:v19+s18+$0x0], $0xffff;
	(v2sf) =	vpush v37, $0xF  }
0x22: {  	v40 =	vadd.s32 v23, v36;
	v44 =	vmpcnt.ones.xlane vm7;
	vm7 =	vne.s32 v17, $0xFFFFFFFF;
	s28 =	spop (v2sf)  }
0x23: {  	v21 =	vnsel vm6, $0x0, v39;
	v43 =	vsel vm6, $0x1, v2;
	v25 =	vadd.s32 v40, v38;
	s26 =	sxor.u32 $0x80000000, s28;
	v42, _, _ =	vpop (xrf0)  }
0x24: {  	v21 =	vmul.u32 v25, v21;
	v41 =	vmov s26;
	(v2sf) =	vpush v42, $0xF  }
0x25: {  	vm6 =	vlt.s32 v41, $0x63;
	vm12 =	vne.s32 v20, $0xFFFFFFFF;
	v20 =	vmax.u32 v24, v43  }
0x26: {  	v18 =	vld.idx.msk [tilespmem:v18+s18+$0x0], $0xffff;
	vm14 =	vne.s32 v19, $0xFFFFFFFF;
	v49 =	vsel vm6, $0x1, v2;
	v15 =	vadd.s32 v23, v26  }
0x27: {  	vm8 =	vmand vm15, vm12;
	v46 =	vxor.u32 $0x1, v20;
	vm7 =	vmand vm7, vm14  }
0x28: {  	v20 =	vmax.u32 v20, v49;
	vm12 =	vne.s32 v14, $0xFFFFFFFF;
	vm13 =	vgt.s32 v41, v0  }
0x29: {  	v14 =	vld.idx.msk [tilespmem:v51+s18+$0x0], $0xffff;
	v15 =	vmul.u32 v15, v28;
	v16 =	vnsel vm6, $0x0, v46;
	vm9 =	vmand vm8, vm13  }
0x2a: {  	v53 =	vxor.u32 $0x1, v20;
	vm8 =	vmmov vm8;
	v45 =	vmpcnt.ones.xlane vm9  }
0x2b: {  	vm13 =	vne.s32 v18, $0xFFFFFFFF;
	v15 =	vadd.s32 v22, v15;
	v22 =	vadd.s32 v40, v44;
	s29 =	spop (v2sf)  }
0x2c: {  	v50 =	vmpcnt.ones.xlane vm8;
	vm8 =	vmand vm12, vm13;
	v48 =	vadd.s32 v22, v45;
	s26 =	sxor.u32 $0x80000000, s29  }
0x2d: {  	v15 =	vadd.s32 v15, v21;
	v16 =	vmul.u32 v48, v16;
	v47 =	vmov s26  }
0x2e: {  	v22 =	vadd.s32 v22, v50;
	vm14 =	vne.s32 v14, $0xFFFFFFFF;
	vm15 =	vgt.s32 v47, v0  }
0x2f: {  	vm6 =	vlt.s32 v47, $0x63;
	v15 =	vadd.s32 v15, v16;
	vm9 =	vmand vm7, vm15  }
0x30: {  	vm7 =	vmmov vm7;
	v56 =	vsel vm6, $0x1, v2;
	v52 =	vmpcnt.ones.xlane vm9;
	s30 =	spop (v2sf)  }
0x31: {  	v17 =	vnsel vm6, $0x0, v53;
	v57 =	vmpcnt.ones.xlane vm7;
	v18 =	vmax.u32 v20, v56;
	s26 =	sxor.u32 $0x80000000, s30  }
0x32: {  	v58 =	vxor.u32 $0x1, v18;
	v19 =	vadd.s32 v22, v52;
	v55 =	vmov s26  }
0x33: {  	v54 =	vmul.u32 v19, v17;
	vm6 =	vgt.s32 v55, v0;
	vm7 =	vlt.s32 v55, $0x63;
	s31 =	spop (v2sf)  }
0x34: {  	v19 =	vadd.s32 v22, v57;
	vm6 =	vmand vm8, vm6;
	v17 =	vnsel vm7, $0x0, v58;
	s26 =	sxor.u32 $0x80000000, s31  }
0x35: {  	v59 =	vmpcnt.ones.xlane vm6;
	vm6 =	vne.s32 v30, $0xFFFFFFFF;
	v14 =	vmov s26  }
0x36: {  	vm8 =	vmmov vm8;
	vm6 =	vmand vm6, vm14;
	vm15 =	vgt.s32 v14, v0  }
0x37: {  	v60 =	vsel vm7, $0x1, v2;
	v61 =	vmpcnt.ones.xlane vm8;
	vm6 =	vmand vm6, vm15  }
0x38: {  	v18 =	vmax.u32 v18, v60;
	v20 =	vadd.s32 v19, v59;
	v62 =	vmpcnt.ones.xlane vm6  }
0x39: {  	v63 =	vadd.s32 v19, v61;
	vm6 =	vlt.s32 v14, $0x63;
	v14 =	vxor.u32 $0x1, v18  }
0x3a: {  	v17 =	vmul.u32 v20, v17;
	v14 =	vnsel vm6, $0x0, v14;
	v18 =	vadd.s32 v63, v62  }
0x3b: {  	v15 =	vadd.s32 v15, v54;
	v14 =	vmul.u32 v18, v14  }
0x3c: {  	v15 =	vadd.s32 v15, v17  }
0x3d: {  	v14 =	vadd.s32 v15, v14;
	v15 =	vsel vm3, $0xFFFFFFFF, v2  }
0x3e: {  	v14 =	vand.u32 v15, v14  }
.LBB2_25:
0x3f: {  	v9 =	vadd.s32 v13, v9  }
0x40: {  	(xrf0) =	vadd.scan.msk.s32 $0xffff, v9;
	_ =	sdelay $0x4  }
0x41: {  	v59 =	vsel vm2, $0xFFFFFFFF, v12  }
0x42: {  	v60 =	vbroadcast v11, $0xF;
	v9 =	vand.u32 v59, v10;
	v61, _, _ =	vpop (xrf0)  }
0x43: {  	v62 =	vsel vm4, $0xFFFFFFFF, v2;
	v8 =	vadd.s32 v9, v8;
	v11 =	vbroadcast v61, $0xF  }
0x44: {  	v63 =	vsel vm5, $0xFFFFFFFF, v2;
	v7 =	vadd.s32 v7, v8;
	v8 =	vand.u32 v62, v60  }
0x45: {  	v7 =	vadd.s32 v8, v7;
	v8 =	vand.u32 v63, v11  }
0x46: {  	s25 =	sadd.s32 $0x1, s25;
	v7 =	vadd.s32 v8, v7  }
0x47: {  	p0 =	sne.s32 s25, s15;
	v7 =	vadd.s32 v14, v7  }
.Ltmp1:
0x48: {  	[tilespmem:$0x8110] =	vst v7;
	(pc) =	sbr.rel @!p0 .LBB2_26-.Ltmp1, $4  }
0x49: {  	[hbm4b:s14+s2] =	stream.linear.scatter [tilespmem:s24], [sflag:$0x2], $0x10, $0x38;
	[tilespmem:$0x8120] =	vst v63  }
0x4a: {  	_ =	swait.ge [sflag:s16], $0x10  }
0x4b: {  	[sflag:s16] =	ssyncset.done $0x0  }
0x4c: {  	[sflag:s16] =	ssyncadd.s32 $0xFFFFFFF0  }
.LBB2_1:
0x4d: {  	[tilespmem:s2], [sflag:$0x2] =	stream.linear.gather [hbm4b:s4+s2], $0x80, $0x38;
	[tilespmem:$0x8120] =	vst v63  }
0x4e: {  	_ =	swait.ge [sflag:s16], $0x80  }
0x4f: {  	[sflag:s16] =	ssyncset.done $0x0  }
0x50: {  	[sflag:s16] =	ssyncadd.s32 $0xFFFFFF80  }
0x51: {  	[tilespmem:s17], [sflag:$0x2] =	stream.linear.gather [hbm4b:s5+s2], $0x80, $0x38;
	[tilespmem:$0x8120] =	vst v63  }
0x52: {  	_ =	swait.ge [sflag:s16], $0x80  }
0x53: {  	[sflag:s16] =	ssyncset.done $0x0  }
0x54: {  	[sflag:s16] =	ssyncadd.s32 $0xFFFFFF80  }
0x55: {  	[tilespmem:s18], [sflag:$0x1] =	stream.indirect.gather [hbm4b:s3+s17], $0x80, s2, s17, $0xb8;
	[tilespmem:$0x8120] =	vst v63  }
0x56: {  	_ = 	snop  }
0x57: {  	[tilespmem:s19], [sflag:$0x1] =	stream.indirect.gather [hbm4b:s3+s17], $0x80, s17, s17, $0xb8;
	[tilespmem:$0x8120] =	vst v63  }
0x58: {  	_ =	swait.ge [sflag:s20], $0x4000  }
0x59: {  	[sflag:s20] =	ssyncset.done $0x0  }
0x5a: {  	[sflag:s20] =	ssyncadd.s32 $0xFFFFC000  }
0x5b: {  	_ =	swait.ge [sflag:s20], $0x4000  }
0x5c: {  	[sflag:s20] =	ssyncset.done $0x0  }
0x5d: {  	[sflag:s20] =	ssyncadd.s32 $0xFFFFC000  }
0x5e: {  	[hbm4b:s6+s2] =	stream.linear.scatter [tilespmem:s18], [sflag:$0x2], $0x2000, $0x38;
	[tilespmem:$0x8120] =	vst v63  }
0x5f: {  	_ =	swait.ge [sflag:s16], $0x2000  }
0x60: {  	[sflag:s16] =	ssyncset.done $0x0  }
0x61: {  	[sflag:s16] =	ssyncadd.s32 $0xFFFFE000  }
0x62: {  	[hbm4b:s7+s2] =	stream.linear.scatter [tilespmem:s21], [sflag:$0x2], $0x2000, $0x38;
	[tilespmem:$0x8120] =	vst v63  }
0x63: {  	_ =	swait.ge [sflag:s16], $0x2000  }
0x64: {  	[sflag:s16] =	ssyncset.done $0x0  }
0x65: {  	[sflag:s16] =	ssyncadd.s32 $0xFFFFE000  }
0x66: {  	[hbm4b:s8+s2] =	stream.linear.scatter [tilespmem:s19], [sflag:$0x2], $0x2000, $0x38;
	[tilespmem:$0x8120] =	vst v63  }
0x67: {  	_ =	swait.ge [sflag:s16], $0x2000  }
0x68: {  	[sflag:s16] =	ssyncset.done $0x0  }
0x69: {  	s26 =	sand.u32 $0x30, s2;
	[sflag:s16] =	ssyncadd.s32 $0xFFFFE000  }
0x6a: {  	[hbm4b:s9+s2] =	stream.linear.scatter [tilespmem:s22], [sflag:$0x2], $0x2000, $0x38;
	[tilespmem:$0x8120] =	vst v63  }
0x6b: {  	v7 =	vmov s26;
	_ =	swait.ge [sflag:s16], $0x2000  }
0x6c: {  	s29 =	simm.s32 $0x0;
	v7 =	vshll.u32 v7, $0x1;
	[sflag:s16] =	ssyncset.done $0x0  }
0x6d: {  	s30 =	simm.s32 $0x10;
	s26 =	sand.u32 $0xFFFFFF80, s29;
	v7 =	vor.u32 v1, v7;
	[sflag:s16] =	ssyncadd.s32 $0xFFFFE000  }
0x6e: {  	v7 =	vor.u32 s26, v7;
	[tilespmem:s23], [sflag:$0x2] =	stream.linear.gather [hbm4b:s10+s2], $0x10, $0x38;
	[tilespmem:$0x8120] =	vst v63  }
0x6f: {  	s26 =	sand.u32 $0x30, s30;
	v8 =	vor.u32 $0x1, v7;
	_ =	swait.ge [sflag:s16], $0x10  }
0x70: {  	v9 =	vmov s26;
	[sflag:s16] =	ssyncset.done $0x0  }
0x71: {  	s31 =	simm.s32 $0x20;
	v9 =	vshll.u32 v9, $0x1;
	[sflag:s16] =	ssyncadd.s32 $0xFFFFFFF0  }
0x72: {  	s26 =	sand.u32 $0xFFFFFF80, s31;
	v9 =	vor.u32 v1, v9;
	v11 =	vld [tilespmem:$0x8100]  }
0x73: {  	v9 =	vor.u32 s26, v9;
	s26 =	simm.s32 $0x20;
	v7 =	vld.idx.msk [tilespmem:v7+s18+$0x0], $0xffff  }
0x74: {  	s28 =	sand.u32 $0x30, s26;
	v10 =	vld.idx.msk [tilespmem:v8+s18+$0x0], $0xffff  }
0x75: {  	v13 =	vor.u32 $0x1, v9;
	v8 =	vmov s28  }
0x76: {  	s28 =	simm.s32 $0x40;
	v8 =	vshll.u32 v8, $0x1  }
0x77: {  	s28 =	sand.u32 $0xFFFFFF80, s28;
	v12 =	vor.u32 v1, v8  }
0x78: {  	v8 =	vld.idx.msk [tilespmem:v9+s18+$0x0], $0xffff;
	v9 =	vimm.s32 $0x0;
	v14 =	vor.u32 s28, v12  }
0x79: {  	vm8 =	vne.s32 v7, $0xFFFFFFFF;
	vm7 =	veq.s32 v7, v11;
	vm6 =	vne.s32 v10, $0xFFFFFFFF  }
0x7a: {  	v13 =	vld.idx.msk [tilespmem:v13+s18+$0x0], $0xffff;
	s28 =	simm.s32 $0x3;
	v7 =	vimm.s32 $0x0;
	v10 =	vimm.s32 $0x0;
	v12 =	vsel vm8, $0x1, v2  }
.LBB2_2:
0x7b: {  	p0 =	sne.s32 s28, $0xFF  }
0x7c: {  	v15 =	vor.u32 $0x1, v14;
	s26 =	sadd.s32 $0x10, s26;
	v7 =	vadd.s32 v12, v7;
	v12 =	vsel vm6, $0x1, v2;
	s29 =	smov.u32 s28;
	s28 =	sadd.s32 $0x1, s28  }
.Ltmp2:
0x7d: {  	vm6 =	vmand vm8, vm6;
	s30 =	sand.u32 $0x30, s26;
	v7 =	vadd.s32 v12, v7;
	v12 =	vsel vm7, $0x1, v2;
	(pc) =	sbr.rel @p0 .LBB2_2-.Ltmp2, $4  }
0x7e: {  	v17 =	vsel vm6, $0x1, v2;
	v16 =	vmov s30;
	v10 =	vor.u32 v12, v10  }
0x7f: {  	s29 =	sshll.u32 s29, $0x5;
	v9 =	vadd.s32 v17, v9;
	v12 =	vshll.u32 v16, $0x1  }
0x80: {  	s29 =	sand.u32 $0xFFFFFF80, s29;
	vm8 =	vne.s32 v8, $0xFFFFFFFF;
	vm7 =	veq.s32 v8, v11;
	v12 =	vor.u32 v1, v12;
	v8 =	vld.idx.msk [tilespmem:v14+s18+$0x0], $0xffff  }
0x81: {  	vm6 =	vne.s32 v13, $0xFFFFFFFF;
	v14 =	vor.u32 s29, v12;
	v13 =	vld.idx.msk [tilespmem:v15+s18+$0x0], $0xffff;
	v12 =	vsel vm8, $0x1, v2  }
0x82: {  	v15 =	vor.u32 $0x1, v14;
	_ =	sdelay $0x3  }
0x83: {  	v60 =	vld.idx.msk [tilespmem:v14+s18+$0x0], $0xffff  }
0x84: {  	v15 =	vld.idx.msk [tilespmem:v15+s18+$0x0], $0xffff  }
0x85: {  	vm8 =	vmand vm8, vm6  }
0x86: {  	v16 =	vsel vm7, $0x1, v2;
	v61 =	vsel vm8, $0x1, v2  }
0x87: {  	v10 =	vor.u32 v16, v10;
	v9 =	vadd.s32 v61, v9  }
0x88: {  	vm12 =	vne.s32 v8, $0xFFFFFFFF;
	vm9 =	veq.s32 v8, v11;
	vm7 =	vne.s32 v13, $0xFFFFFFFF  }
0x89: {  	vm10 =	vmand vm12, vm7;
	vm13 =	vne.s32 v60, $0xFFFFFFFF;
	vm11 =	vne.s32 v15, $0xFFFFFFFF  }
0x8a: {  	v8 =	vsel vm9, $0x1, v2;
	v62 =	vsel vm10, $0x1, v2;
	vm14 =	vmand vm13, vm11  }
0x8b: {  	vm15 =	veq.s32 v60, v11;
	v9 =	vadd.s32 v62, v9;
	v63 =	vsel vm14, $0x1, v2  }
0x8c: {  	v8 =	vor.u32 v8, v10;
	v14 =	vsel vm15, $0x1, v2;
	v9 =	vadd.s32 v63, v9  }
0x8d: {  	v8 =	vor.u32 v14, v8;
	(xrf0) =	vadd.scan.msk.s32 $0xffff, v9  }
0x8e: {  	(xrf0) =	vadd.scan.msk.s32 $0xffff, v8;
	_ =	sdelay $0x4  }
0x8f: {  	v10, _, _ =	vpop (xrf0)  }
0x90: {  	v8, _, _ =	vpop (xrf0)  }
0x91: {  	(v2sf) =	vpush v8, $0xF;
	_ =	sdelay $0xe  }
0x92: {  	s26 =	spop (v2sf)  }
0x93: {  	v7 =	vadd.s32 v12, v7;
	v8 =	vsel vm6, $0x1, v2;
	p0 =	slt.s32 s26, $0x1  }
.Ltmp3:
0x94: {  	v9 =	vsel vm12, $0x1, v2;
	v7 =	vadd.s32 v8, v7;
	(pc) =	sbr.rel @p0 .LBB2_7-.Ltmp3, $4  }
0x95: {  	v8 =	vsel vm7, $0x1, v2;
	v7 =	vadd.s32 v9, v7  }
0x96: {  	v7 =	vadd.s32 v8, v7;
	v8 =	vsel vm13, $0x1, v2  }
0x97: {  	v7 =	vadd.s32 v8, v7;
	v8 =	vsel vm11, $0x1, v2  }
0x98: {  	v9 =	vimm.s32 $0x0;
	v7 =	vadd.s32 v8, v7;
	v8 =	vimm.s32 $0x0;
	s26 =	simm.s32 $0x0  }
0x99: {  	s28 =	sand.u32 $0x30, s26  }
0x9a: {  	v9 =	vmov s28  }
0x9b: {  	s28 =	simm.s32 $0x0;
	v9 =	vshll.u32 v9, $0x1  }
0x9c: {  	s28 =	sand.u32 $0xFFFFFF80, s28;
	v9 =	vor.u32 v1, v9  }
0x9d: {  	v9 =	vor.u32 s28, v9;
	_ =	sdelay $0x4  }
0x9e: {  	v18 =	vld.idx.msk [tilespmem:v9+s18+$0x0], $0xffff;
	_ =	sdelay $0x3  }
0x9f: {  	s28 =	simm.s32 $0x10  }
0xa0: {  	s28 =	sand.u32 $0x30, s28;
	vm6 =	veq.s32 v18, v11  }
0xa1: {  	v13 =	vmov s28;
	v12 =	vnsel vm6, $0x80000063, v3  }
0xa2: {  	s28 =	simm.s32 $0x20;
	(xrf0) =	vmin.scan.msk.u32 $0xffff, v12;
	v12 =	vshll.u32 v13, $0x1  }
0xa3: {  	s28 =	sand.u32 $0xFFFFFF80, s28;
	v12 =	vor.u32 v1, v12  }
0xa4: {  	v19 =	vor.u32 s28, v12  }
0xa5: {  	s29 =	simm.s32 $0x20  }
0xa6: {  	s29 =	sand.u32 $0x30, s29  }
0xa7: {  	v12 =	vmov s29  }
0xa8: {  	s28 =	simm.s32 $0x40;
	v12 =	vshll.u32 v12, $0x1  }
0xa9: {  	s28 =	sand.u32 $0xFFFFFF80, s28;
	v12 =	vor.u32 v1, v12;
	v17 =	vld.idx.msk [tilespmem:v19+s18+$0x0], $0xffff  }
0xaa: {  	v16 =	vor.u32 s28, v12;
	s28 =	simm.s32 $0x30  }
0xab: {  	s28 =	sand.u32 $0x30, s28  }
0xac: {  	v13, _, _ =	vpop (xrf0);
	v12 =	vmov s28  }
0xad: {  	(v2sf) =	vpush v13, $0xF;
	s28 =	simm.s32 $0x60;
	v13 =	vshll.u32 v12, $0x1  }
0xae: {  	s28 =	sand.u32 $0xFFFFFF80, s28;
	v13 =	vor.u32 v1, v13;
	vm6 =	veq.s32 v17, v11  }
0xaf: {  	v12 =	vld.idx.msk [tilespmem:v16+s18+$0x0], $0xffff;
	v15 =	vor.u32 s28, v13;
	v13 =	vnsel vm6, $0x80000063, v3  }
0xb0: {  	(xrf0) =	vmin.scan.msk.u32 $0xffff, v13  }
0xb1: {  	s28 =	simm.s32 $0x40  }
0xb2: {  	s28 =	sand.u32 $0x30, s28  }
0xb3: {  	v20 =	vmov s28  }
0xb4: {  	vm6 =	veq.s32 v12, v11  }
0xb5: {  	v9 =	vor.u32 $0x1, v9;
	v14 =	vnsel vm6, $0x80000063, v3  }
0xb6: {  	(xrf0) =	vmin.scan.msk.u32 $0xffff, v14;
	v14 =	vshll.u32 v20, $0x1;
	v20, _, _ =	vpop (xrf0)  }
0xb7: {  	(v2sf) =	vpush v20, $0xF;
	_ =	sdelay $0x1  }
0xb8: {  	v13 =	vld.idx.msk [tilespmem:v15+s18+$0x0], $0xffff  }
0xb9: {  	v9 =	vld.idx.msk [tilespmem:v9+s18+$0x0], $0xffff  }
0xba: {  	s28 =	simm.s32 $0x80  }
0xbb: {  	s28 =	sand.u32 $0xFFFFFF80, s28;
	v14 =	vor.u32 v1, v14;
	v21, _, _ =	vpop (xrf0)  }
0xbc: {  	v14 =	vor.u32 s28, v14;
	s29 =	spop (v2sf);
	(v2sf) =	vpush v21, $0xF  }
0xbd: {  	vm7 =	vne.s32 v18, $0xFFFFFFFF;
	v19 =	vor.u32 $0x1, v19;
	vm6 =	veq.s32 v13, v11;
	s29 =	sxor.u32 $0x80000000, s29  }
0xbe: {  	s28 =	simm.s32 $0x50;
	v18 =	vnsel vm6, $0x80000063, v3;
	vm6 =	vne.s32 v9, $0xFFFFFFFF;
	v20 =	vmov s29  }
0xbf: {  	s30 =	sand.u32 $0x30, s28;
	vm7 =	vmand vm7, vm6;
	vm6 =	vgt.s32 v20, v0  }
0xc0: {  	v23 =	vxor.u32 $0x1, v8;
	v9 =	vmov s30;
	vm6 =	vmand vm7, vm6  }
0xc1: {  	v24 =	vshll.u32 v9, $0x1;
	(xrf0) =	vmin.scan.msk.u32 $0xffff, v18;
	v18 =	vimm.s32 $0x0;
	v9 =	vld.idx.msk [tilespmem:v14+s18+$0x0], $0xffff;
	v22 =	vmpcnt.ones.xlane vm6  }
0xc2: {  	s30 =	simm.s32 $0xA0;
	v21 =	vld.idx.msk [tilespmem:v19+s18+$0x0], $0xffff;
	s29 =	simm.s32 $0x6;
	v19 =	vimm.s32 $0x0;
	vm6 =	vlt.s32 v20, $0x63;
	v20 =	vimm.s32 $0x0  }
.LBB2_5:
0xc3: {  	p0 =	sne.s32 s29, $0xFF;
	v24 =	vor.u32 v1, v24;
	s30 =	sand.u32 $0xFFFFFF80, s30;
	s28 =	sadd.s32 $0x10, s28;
	v23 =	vnsel vm6, $0x0, v23;
	v22 =	vadd.s32 v19, v22  }
0xc4: {  	vm8 =	vmmov vm7;
	s31 =	sand.u32 $0x30, s28;
	v24 =	vor.u32 s30, v24;
	v22 =	vmul.u32 v22, v23  }
0xc5: {  	v25 =	vor.u32 $0x1, v16;
	v16 =	vmovc v15;
	v15 =	vmovc v14;
	v23 =	vmov s31;
	s30 =	spop (v2sf);
	v14 =	vmov v24  }
0xc6: {  	vm9 =	vne.s32 v17, $0xFFFFFFFF;
	v17 =	vmovc v12;
	v12 =	vmovc v13;
	vm7 =	veq.s32 v9, v11;
	s30 =	sxor.u32 $0x80000000, s30;
	v18 =	vadd.s32 v18, v22  }
.Ltmp4:
0xc7: {  	v22 =	vnsel vm7, $0x80000063, v3;
	vm7 =	vne.s32 v21, $0xFFFFFFFF;
	v13, _, _ =	vpop (xrf0);
	v26 =	vmov s30;
	(pc) =	sbr.rel @p0 .LBB2_5-.Ltmp4, $4  }
0xc8: {  	vm7 =	vmand vm9, vm7;
	(v2sf) =	vpush v13, $0xF;
	vm9 =	vgt.s32 v26, v0;
	v13 =	vmovc v9  }
0xc9: {  	v27 =	vsel vm6, $0x1, v2;
	v28 =	vmpcnt.ones.xlane vm8;
	v9 =	vld.idx.msk [tilespmem:v24+s18+$0x0], $0xffff;
	vm9 =	vmand vm7, vm9  }
0xca: {  	v20 =	vmax.u32 v20, v27;
	v24 =	vshll.u32 v23, $0x1;
	(xrf0) =	vmin.scan.msk.u32 $0xffff, v22;
	v21 =	vld.idx.msk [tilespmem:v25+s18+$0x0], $0xffff;
	v22 =	vmpcnt.ones.xlane vm9  }
0xcb: {  	v19 =	vadd.s32 v19, v28;
	s30 =	sshll.u32 s29, $0x5;
	s29 =	sadd.s32 $0x1, s29;
	vm6 =	vlt.s32 v26, $0x63;
	v23 =	vxor.u32 $0x1, v20  }
0xcc: {  	v24 =	vor.u32 v1, v24;
	s28 =	sand.u32 $0xFFFFFF80, s30  }
0xcd: {  	v24 =	vor.u32 s28, v24;
	_ =	sdelay $0x4  }
0xce: {  	v26 =	vld.idx.msk [tilespmem:v24+s18+$0x0], $0xffff;
	_ =	sdelay $0x1  }
0xcf: {  	vm8 =	veq.s32 v9, v11  }
0xd0: {  	v32 =	vnsel vm8, $0x80000063, v3  }
0xd1: {  	v16 =	vor.u32 $0x1, v16;
	v23 =	vnsel vm6, $0x0, v23;
	vm12 =	vne.s32 v17, $0xFFFFFFFF;
	v25, _, _ =	vpop (xrf0);
	(xrf0) =	vmin.scan.msk.u32 $0xffff, v32  }
0xd2: {  	vm7 =	vmmov vm7;
	v15 =	vor.u32 $0x1, v15;
	vm13 =	veq.s32 v26, v11  }
0xd3: {  	s30 =	spop (v2sf);
	v35 =	vsel vm6, $0x1, v2;
	(v2sf) =	vpush v25, $0xF;
	v34 =	vnsel vm13, $0x80000063, v3  }
0xd4: {  	vm15 =	vne.s32 v12, $0xFFFFFFFF;
	v14 =	vor.u32 $0x1, v14;
	s28 =	sxor.u32 $0x80000000, s30;
	v36 =	vmpcnt.ones.xlane vm7;
	(xrf0) =	vmin.scan.msk.u32 $0xffff, v34  }
0xd5: {  	v20 =	vmax.u32 v20, v35;
	v33 =	vmov s28;
	vm9 =	vne.s32 v21, $0xFFFFFFFF  }
0xd6: {  	v39 =	vxor.u32 $0x1, v20;
	vm14 =	vgt.s32 v33, v0;
	vm8 =	vmand vm12, vm9;
	v16 =	vld.idx.msk [tilespmem:v16+s18+$0x0], $0xffff  }
0xd7: {  	v51 =	vor.u32 $0x1, v24;
	vm6 =	vlt.s32 v33, $0x63;
	vm9 =	vmand vm8, vm14;
	v15 =	vld.idx.msk [tilespmem:v15+s18+$0x0], $0xffff;
	v37, _, _ =	vpop (xrf0)  }
0xd8: {  	v40 =	vadd.s32 v19, v36;
	v38 =	vmpcnt.ones.xlane vm9;
	(v2sf) =	vpush v37, $0xF  }
0xd9: {  	v17 =	vnsel vm6, $0x0, v39;
	v43 =	vsel vm6, $0x1, v2;
	vm7 =	vmmov vm8  }
0xda: {  	v44 =	vmpcnt.ones.xlane vm7;
	vm7 =	vne.s32 v13, $0xFFFFFFFF;
	v21 =	vadd.s32 v40, v38;
	v42, _, _ =	vpop (xrf0)  }
0xdb: {  	v17 =	vmul.u32 v21, v17;
	vm12 =	vne.s32 v16, $0xFFFFFFFF;
	s31 =	spop (v2sf);
	(v2sf) =	vpush v42, $0xF  }
0xdc: {  	v16 =	vmax.u32 v20, v43;
	vm14 =	vne.s32 v15, $0xFFFFFFFF;
	v11 =	vadd.s32 v19, v22  }
0xdd: {  	v14 =	vld.idx.msk [tilespmem:v14+s18+$0x0], $0xffff;
	vm8 =	vmand vm15, vm12;
	v46 =	vxor.u32 $0x1, v16;
	v11 =	vmul.u32 v11, v23;
	s28 =	sxor.u32 $0x80000000, s31  }
0xde: {  	vm7 =	vmand vm7, vm14;
	vm12 =	vne.s32 v9, $0xFFFFFFFF;
	v41 =	vmov s28  }
0xdf: {  	v9 =	vld.idx.msk [tilespmem:v51+s18+$0x0], $0xffff;
	v11 =	vadd.s32 v18, v11;
	vm13 =	vgt.s32 v41, v0;
	vm6 =	vlt.s32 v41, $0x63  }
0xe0: {  	v18 =	vadd.s32 v40, v44;
	vm9 =	vmand vm8, vm13;
	v12 =	vnsel vm6, $0x0, v46  }
0xe1: {  	vm8 =	vmmov vm8;
	v49 =	vsel vm6, $0x1, v2;
	v45 =	vmpcnt.ones.xlane vm9  }
0xe2: {  	v11 =	vadd.s32 v11, v17;
	vm13 =	vne.s32 v14, $0xFFFFFFFF;
	v50 =	vmpcnt.ones.xlane vm8;
	s29 =	spop (v2sf)  }
0xe3: {  	v16 =	vmax.u32 v16, v49;
	vm8 =	vmand vm12, vm13;
	v48 =	vadd.s32 v18, v45;
	s28 =	sxor.u32 $0x80000000, s29  }
0xe4: {  	vm14 =	vne.s32 v9, $0xFFFFFFFF;
	v12 =	vmul.u32 v48, v12;
	v47 =	vmov s28  }
0xe5: {  	v53 =	vxor.u32 $0x1, v16;
	v18 =	vadd.s32 v18, v50;
	vm15 =	vgt.s32 v47, v0  }
0xe6: {  	v11 =	vadd.s32 v11, v12;
	vm6 =	vlt.s32 v47, $0x63;
	vm9 =	vmand vm7, vm15  }
0xe7: {  	vm7 =	vmmov vm7;
	v56 =	vsel vm6, $0x1, v2;
	v52 =	vmpcnt.ones.xlane vm9;
	s30 =	spop (v2sf)  }
0xe8: {  	v13 =	vnsel vm6, $0x0, v53;
	v57 =	vmpcnt.ones.xlane vm7;
	v14 =	vmax.u32 v16, v56;
	s28 =	sxor.u32 $0x80000000, s30  }
0xe9: {  	v58 =	vxor.u32 $0x1, v14;
	v15 =	vadd.s32 v18, v52;
	v55 =	vmov s28  }
0xea: {  	v54 =	vmul.u32 v15, v13;
	vm6 =	vgt.s32 v55, v0;
	vm7 =	vlt.s32 v55, $0x63;
	s31 =	spop (v2sf)  }
0xeb: {  	v15 =	vadd.s32 v18, v57;
	vm6 =	vmand vm8, vm6;
	v13 =	vnsel vm7, $0x0, v58;
	s28 =	sxor.u32 $0x80000000, s31  }
0xec: {  	v59 =	vmpcnt.ones.xlane vm6;
	vm6 =	vne.s32 v26, $0xFFFFFFFF;
	v9 =	vmov s28  }
0xed: {  	vm8 =	vmmov vm8;
	vm6 =	vmand vm6, vm14;
	vm15 =	vgt.s32 v9, v0  }
0xee: {  	v60 =	vsel vm7, $0x1, v2;
	v61 =	vmpcnt.ones.xlane vm8;
	vm6 =	vmand vm6, vm15  }
0xef: {  	v14 =	vmax.u32 v14, v60;
	v16 =	vadd.s32 v15, v59;
	v62 =	vmpcnt.ones.xlane vm6  }
0xf0: {  	v63 =	vadd.s32 v15, v61;
	vm6 =	vlt.s32 v9, $0x63;
	v9 =	vxor.u32 $0x1, v14  }
0xf1: {  	v13 =	vmul.u32 v16, v13;
	v9 =	vnsel vm6, $0x0, v9;
	v14 =	vadd.s32 v63, v62  }
0xf2: {  	v11 =	vadd.s32 v11, v54;
	v9 =	vmul.u32 v14, v9  }
0xf3: {  	v11 =	vadd.s32 v11, v13  }
0xf4: {  	v9 =	vadd.s32 v11, v9  }
0xf5: {  	v9 =	vand.u32 v4, v9  }
.LBB2_7:
0xf6: {  	s28 =	sand.u32 $0x30, s26  }
0xf7: {  	s29 =	simm.s32 $0x0;
	v11 =	vmov s28  }
0xf8: {  	s28 =	sor.u32 $0x2000, s29;
	v11 =	vshll.u32 v11, $0x1  }
0xf9: {  	s28 =	sand.u32 $0xFFFFFF80, s28;
	v11 =	vor.u32 v1, v11  }
0xfa: {  	[tilespmem:s23], [sflag:$0x2] =	stream.linear.gather [hbm4b:s11+s26], $0x10, $0x38;
	v11 =	vor.u32 s28, v11;
	[tilespmem:$0x8120] =	vst v63  }
0xfb: {  	_ =	swait.ge [sflag:s16], $0x10;
	s29 =	simm.s32 $0x10;
	v12 =	vor.u32 $0x1, v11  }
0xfc: {  	[sflag:s16] =	ssyncset.done $0x0;
	s26 =	sand.u32 $0x30, s29  }
0xfd: {  	[sflag:s16] =	ssyncadd.s32 $0xFFFFFFF0;
	v13 =	vmov s26;
	s28 =	simm.s32 $0x20  }
0xfe: {  	v14 =	vld [tilespmem:$0x8100];
	v13 =	vshll.u32 v13, $0x1;
	s30 =	sor.u32 $0x2000, s28  }
0xff: {  	v13 =	vor.u32 v1, v13;
	s26 =	sand.u32 $0xFFFFFF80, s30;
	v15 =	vld.idx.msk [tilespmem:v11+s18+$0x0], $0xffff  }
0x100: {  	v11 =	vor.u32 s26, v13;
	s26 =	simm.s32 $0x20;
	v12 =	vld.idx.msk [tilespmem:v12+s18+$0x0], $0xffff  }
0x101: {  	v13 =	vor.u32 $0x1, v11;
	s28 =	sand.u32 $0x30, s26  }
0x102: {  	s31 =	simm.s32 $0x40;
	v16 =	vmov s28  }
0x103: {  	s28 =	sor.u32 $0x2000, s31;
	v16 =	vshll.u32 v16, $0x1  }
0x104: {  	v10 =	vbroadcast v10, $0xF;
	s28 =	sand.u32 $0xFFFFFF80, s28;
	v16 =	vor.u32 v1, v16;
	vm7 =	vne.s32 v15, $0xFFFFFFFF  }
0x105: {  	v11 =	vld.idx.msk [tilespmem:v11+s18+$0x0], $0xffff;
	vm8 =	veq.s32 v15, v14;
	v16 =	vor.u32 s28, v16;
	vm6 =	vne.s32 v12, $0xFFFFFFFF  }
0x106: {  	s28 =	simm.s32 $0x3;
	v15 =	vld.idx.msk [tilespmem:v13+s18+$0x0], $0xffff;
	v17 =	vsel vm7, $0x1, v2;
	v13 =	vimm.s32 $0x0;
	v12 =	vimm.s32 $0x0  }
.LBB2_8:
0x107: {  	p0 =	sne.s32 s28, $0xFF  }
0x108: {  	v18 =	vor.u32 $0x1, v16;
	s26 =	sadd.s32 $0x10, s26;
	v8 =	vadd.s32 v17, v8;
	v17 =	vsel vm6, $0x1, v2;
	s29 =	smov.u32 s28;
	s28 =	sadd.s32 $0x1, s28  }
.Ltmp5:
0x109: {  	vm6 =	vmand vm7, vm6;
	s30 =	sand.u32 $0x30, s26;
	v8 =	vadd.s32 v17, v8;
	v17 =	vsel vm8, $0x1, v2;
	(pc) =	sbr.rel @p0 .LBB2_8-.Ltmp5, $4  }
0x10a: {  	s29 =	sshll.u32 s29, $0x5;
	v20 =	vsel vm6, $0x1, v2;
	v19 =	vmov s30;
	v13 =	vor.u32 v17, v13  }
0x10b: {  	s29 =	sor.u32 $0x2000, s29;
	v12 =	vadd.s32 v20, v12;
	v17 =	vshll.u32 v19, $0x1  }
0x10c: {  	s29 =	sand.u32 $0xFFFFFF80, s29;
	vm7 =	vne.s32 v11, $0xFFFFFFFF;
	vm8 =	veq.s32 v11, v14;
	v17 =	vor.u32 v1, v17;
	v11 =	vld.idx.msk [tilespmem:v16+s18+$0x0], $0xffff  }
0x10d: {  	vm6 =	vne.s32 v15, $0xFFFFFFFF;
	v16 =	vor.u32 s29, v17;
	v15 =	vld.idx.msk [tilespmem:v18+s18+$0x0], $0xffff;
	v17 =	vsel vm7, $0x1, v2  }
0x10e: {  	v18 =	vor.u32 $0x1, v16;
	_ =	sdelay $0x3  }
0x10f: {  	v63 =	vld.idx.msk [tilespmem:v16+s18+$0x0], $0xffff  }
0x110: {  	v18 =	vld.idx.msk [tilespmem:v18+s18+$0x0], $0xffff;
	_ =	sdelay $0x1  }
0x111: {  	vm7 =	vmand vm7, vm6;
	v19 =	vsel vm8, $0x1, v2  }
0x112: {  	v13 =	vor.u32 v19, v13;
	vm9 =	veq.s32 v11, v14;
	vm12 =	vne.s32 v15, $0xFFFFFFFF  }
0x113: {  	v15 =	vsel vm7, $0x1, v2;
	vm7 =	vne.s32 v11, $0xFFFFFFFF;
	v11 =	vsel vm9, $0x1, v2  }
0x114: {  	vm10 =	vmand vm7, vm12;
	vm13 =	vne.s32 v63, $0xFFFFFFFF;
	vm11 =	vne.s32 v18, $0xFFFFFFFF  }
0x115: {  	v12 =	vadd.s32 v15, v12;
	v15 =	vsel vm10, $0x1, v2;
	vm14 =	vmand vm13, vm11  }
0x116: {  	vm15 =	veq.s32 v63, v14;
	v12 =	vadd.s32 v15, v12;
	v15 =	vsel vm14, $0x1, v2  }
0x117: {  	v11 =	vor.u32 v11, v13;
	v16 =	vsel vm15, $0x1, v2;
	v12 =	vadd.s32 v15, v12  }
0x118: {  	v11 =	vor.u32 v16, v11;
	(xrf0) =	vadd.scan.msk.s32 $0xffff, v12  }
0x119: {  	(xrf0) =	vadd.scan.msk.s32 $0xffff, v11;
	_ =	sdelay $0x4  }
0x11a: {  	v11, _, _ =	vpop (xrf0)  }
0x11b: {  	v12, _, _ =	vpop (xrf0)  }
0x11c: {  	(v2sf) =	vpush v12, $0xF;
	_ =	sdelay $0xe  }
0x11d: {  	s26 =	spop (v2sf)  }
0x11e: {  	v8 =	vadd.s32 v17, v8;
	v12 =	vsel vm6, $0x1, v2;
	p0 =	slt.s32 s26, $0x1  }
.Ltmp6:
0x11f: {  	v13 =	vsel vm7, $0x1, v2;
	v8 =	vadd.s32 v12, v8;
	(pc) =	sbr.rel @p0 .LBB2_13-.Ltmp6, $4  }
0x120: {  	v12 =	vsel vm12, $0x1, v2;
	v8 =	vadd.s32 v13, v8  }
0x121: {  	v8 =	vadd.s32 v12, v8;
	v12 =	vsel vm13, $0x1, v2  }
0x122: {  	v8 =	vadd.s32 v12, v8;
	v12 =	vsel vm11, $0x1, v2  }
0x123: {  	v13 =	vadd.s32 v12, v8;
	v12 =	vimm.s32 $0x0;
	v8 =	vimm.s32 $0x0;
	s26 =	simm.s32 $0x0  }
0x124: {  	s28 =	sand.u32 $0x30, s26  }
0x125: {  	v8 =	vmov s28;
	s28 =	simm.s32 $0x0  }
0x126: {  	v8 =	vshll.u32 v8, $0x1;
	s28 =	sor.u32 $0x2000, s28  }
0x127: {  	v8 =	vor.u32 v1, v8;
	s28 =	sand.u32 $0xFFFFFF80, s28  }
0x128: {  	v8 =	vor.u32 s28, v8;
	_ =	sdelay $0x4  }
0x129: {  	v21 =	vld.idx.msk [tilespmem:v8+s18+$0x0], $0xffff;
	_ =	sdelay $0x3  }
0x12a: {  	s28 =	simm.s32 $0x10  }
0x12b: {  	s28 =	sand.u32 $0x30, s28;
	vm6 =	veq.s32 v21, v14  }
0x12c: {  	v16 =	vmov s28;
	s28 =	simm.s32 $0x20;
	v15 =	vnsel vm6, $0x80000063, v3  }
0x12d: {  	s28 =	sor.u32 $0x2000, s28;
	(xrf0) =	vmin.scan.msk.u32 $0xffff, v15;
	v15 =	vshll.u32 v16, $0x1  }
0x12e: {  	s28 =	sand.u32 $0xFFFFFF80, s28;
	v15 =	vor.u32 v1, v15  }
0x12f: {  	v22 =	vor.u32 s28, v15  }
0x130: {  	s29 =	simm.s32 $0x20  }
0x131: {  	s29 =	sand.u32 $0x30, s29  }
0x132: {  	v15 =	vmov s29;
	s28 =	simm.s32 $0x40  }
0x133: {  	v15 =	vshll.u32 v15, $0x1;
	s28 =	sor.u32 $0x2000, s28  }
0x134: {  	v15 =	vor.u32 v1, v15;
	s28 =	sand.u32 $0xFFFFFF80, s28;
	v20 =	vld.idx.msk [tilespmem:v22+s18+$0x0], $0xffff  }
0x135: {  	v19 =	vor.u32 s28, v15;
	s28 =	simm.s32 $0x30  }
0x136: {  	s28 =	sand.u32 $0x30, s28  }
0x137: {  	v16, _, _ =	vpop (xrf0);
	v15 =	vmov s28;
	s28 =	simm.s32 $0x60  }
0x138: {  	(v2sf) =	vpush v16, $0xF;
	v16 =	vshll.u32 v15, $0x1;
	s28 =	sor.u32 $0x2000, s28  }
0x139: {  	v16 =	vor.u32 v1, v16;
	s28 =	sand.u32 $0xFFFFFF80, s28;
	vm6 =	veq.s32 v20, v14  }
0x13a: {  	v15 =	vld.idx.msk [tilespmem:v19+s18+$0x0], $0xffff;
	v18 =	vor.u32 s28, v16;
	v16 =	vnsel vm6, $0x80000063, v3  }
0x13b: {  	(xrf0) =	vmin.scan.msk.u32 $0xffff, v16  }
0x13c: {  	s28 =	simm.s32 $0x40  }
0x13d: {  	s28 =	sand.u32 $0x30, s28  }
0x13e: {  	v23 =	vmov s28  }
0x13f: {  	vm6 =	veq.s32 v15, v14  }
0x140: {  	v8 =	vor.u32 $0x1, v8;
	v17 =	vnsel vm6, $0x80000063, v3  }
0x141: {  	(xrf0) =	vmin.scan.msk.u32 $0xffff, v17;
	v17 =	vshll.u32 v23, $0x1;
	v23, _, _ =	vpop (xrf0)  }
0x142: {  	(v2sf) =	vpush v23, $0xF;
	_ =	sdelay $0x1  }
0x143: {  	v16 =	vld.idx.msk [tilespmem:v18+s18+$0x0], $0xffff  }
0x144: {  	v8 =	vld.idx.msk [tilespmem:v8+s18+$0x0], $0xffff;
	s28 =	simm.s32 $0x80  }
0x145: {  	s28 =	sor.u32 $0x2000, s28  }
0x146: {  	s28 =	sand.u32 $0xFFFFFF80, s28;
	v17 =	vor.u32 v1, v17;
	v24, _, _ =	vpop (xrf0)  }
0x147: {  	v17 =	vor.u32 s28, v17;
	s29 =	spop (v2sf);
	(v2sf) =	vpush v24, $0xF  }
0x148: {  	vm7 =	vne.s32 v21, $0xFFFFFFFF;
	v22 =	vor.u32 $0x1, v22;
	vm6 =	veq.s32 v16, v14;
	s29 =	sxor.u32 $0x80000000, s29  }
0x149: {  	s28 =	simm.s32 $0x50;
	v21 =	vnsel vm6, $0x80000063, v3;
	vm6 =	vne.s32 v8, $0xFFFFFFFF;
	v23 =	vmov s29  }
0x14a: {  	s30 =	sand.u32 $0x30, s28;
	vm7 =	vmand vm7, vm6;
	vm6 =	vgt.s32 v23, v0  }
0x14b: {  	v27 =	vxor.u32 $0x1, v12;
	v8 =	vmov s30;
	vm6 =	vmand vm7, vm6  }
0x14c: {  	v26 =	vshll.u32 v8, $0x1;
	(xrf0) =	vmin.scan.msk.u32 $0xffff, v21;
	v21 =	vimm.s32 $0x0;
	v8 =	vld.idx.msk [tilespmem:v17+s18+$0x0], $0xffff;
	s29 =	simm.s32 $0xA0;
	v25 =	vmpcnt.ones.xlane vm6  }
0x14d: {  	v24 =	vld.idx.msk [tilespmem:v22+s18+$0x0], $0xffff;
	v22 =	vimm.s32 $0x0;
	s30 =	sor.u32 $0x2000, s29;
	s29 =	simm.s32 $0x6;
	vm6 =	vlt.s32 v23, $0x63;
	v23 =	vimm.s32 $0x0  }
.LBB2_11:
0x14e: {  	p0 =	sne.s32 s29, $0xFF;
	v26 =	vor.u32 v1, v26;
	s30 =	sand.u32 $0xFFFFFF80, s30;
	s28 =	sadd.s32 $0x10, s28;
	v27 =	vnsel vm6, $0x0, v27;
	v25 =	vadd.s32 v22, v25  }
0x14f: {  	vm8 =	vmmov vm7;
	s31 =	sand.u32 $0x30, s28;
	v26 =	vor.u32 s30, v26;
	v25 =	vmul.u32 v25, v27  }
0x150: {  	v28 =	vor.u32 $0x1, v19;
	v19 =	vmovc v18;
	v18 =	vmovc v17;
	v27 =	vmov s31;
	s30 =	spop (v2sf);
	v17 =	vmov v26  }
0x151: {  	vm9 =	vne.s32 v20, $0xFFFFFFFF;
	v20 =	vmovc v15;
	v15 =	vmovc v16;
	vm7 =	veq.s32 v8, v14;
	s30 =	sxor.u32 $0x80000000, s30;
	v21 =	vadd.s32 v21, v25  }
.Ltmp7:
0x152: {  	v25 =	vnsel vm7, $0x80000063, v3;
	vm7 =	vne.s32 v24, $0xFFFFFFFF;
	v16, _, _ =	vpop (xrf0);
	v29 =	vmov s30;
	(pc) =	sbr.rel @p0 .LBB2_11-.Ltmp7, $4  }
0x153: {  	vm7 =	vmand vm9, vm7;
	(v2sf) =	vpush v16, $0xF;
	vm9 =	vgt.s32 v29, v0;
	v16 =	vmovc v8  }
0x154: {  	v30 =	vsel vm6, $0x1, v2;
	v31 =	vmpcnt.ones.xlane vm8;
	v8 =	vld.idx.msk [tilespmem:v26+s18+$0x0], $0xffff;
	vm9 =	vmand vm7, vm9  }
0x155: {  	v23 =	vmax.u32 v23, v30;
	s30 =	sshll.u32 s29, $0x5;
	v26 =	vshll.u32 v27, $0x1;
	(xrf0) =	vmin.scan.msk.u32 $0xffff, v25;
	v24 =	vld.idx.msk [tilespmem:v28+s18+$0x0], $0xffff;
	v25 =	vmpcnt.ones.xlane vm9  }
0x156: {  	v22 =	vadd.s32 v22, v31;
	s29 =	sadd.s32 $0x1, s29;
	s30 =	sor.u32 $0x2000, s30;
	vm6 =	vlt.s32 v29, $0x63;
	v27 =	vxor.u32 $0x1, v23  }
0x157: {  	v26 =	vor.u32 v1, v26;
	s28 =	sand.u32 $0xFFFFFF80, s30  }
0x158: {  	v26 =	vor.u32 s28, v26;
	_ =	sdelay $0x4  }
0x159: {  	v29 =	vld.idx.msk [tilespmem:v26+s18+$0x0], $0xffff;
	_ =	sdelay $0x1  }
0x15a: {  	vm8 =	veq.s32 v8, v14  }
0x15b: {  	v35 =	vnsel vm8, $0x80000063, v3  }
0x15c: {  	v19 =	vor.u32 $0x1, v19;
	v27 =	vnsel vm6, $0x0, v27;
	vm12 =	vne.s32 v20, $0xFFFFFFFF;
	v28, _, _ =	vpop (xrf0);
	(xrf0) =	vmin.scan.msk.u32 $0xffff, v35  }
0x15d: {  	vm7 =	vmmov vm7;
	v18 =	vor.u32 $0x1, v18;
	vm13 =	veq.s32 v29, v14  }
0x15e: {  	s30 =	spop (v2sf);
	v38 =	vsel vm6, $0x1, v2;
	(v2sf) =	vpush v28, $0xF;
	v37 =	vnsel vm13, $0x80000063, v3  }
0x15f: {  	vm15 =	vne.s32 v15, $0xFFFFFFFF;
	v17 =	vor.u32 $0x1, v17;
	s28 =	sxor.u32 $0x80000000, s30;
	v39 =	vmpcnt.ones.xlane vm7;
	(xrf0) =	vmin.scan.msk.u32 $0xffff, v37  }
0x160: {  	v23 =	vmax.u32 v23, v38;
	v36 =	vmov s28;
	vm9 =	vne.s32 v24, $0xFFFFFFFF  }
0x161: {  	v42 =	vxor.u32 $0x1, v23;
	vm14 =	vgt.s32 v36, v0;
	vm8 =	vmand vm12, vm9;
	v19 =	vld.idx.msk [tilespmem:v19+s18+$0x0], $0xffff  }
0x162: {  	v52 =	vor.u32 $0x1, v26;
	vm6 =	vlt.s32 v36, $0x63;
	vm9 =	vmand vm8, vm14;
	v18 =	vld.idx.msk [tilespmem:v18+s18+$0x0], $0xffff;
	v40, _, _ =	vpop (xrf0)  }
0x163: {  	v43 =	vadd.s32 v22, v39;
	v41 =	vmpcnt.ones.xlane vm9;
	(v2sf) =	vpush v40, $0xF  }
0x164: {  	v20 =	vnsel vm6, $0x0, v42;
	v45 =	vsel vm6, $0x1, v2;
	vm7 =	vmmov vm8  }
0x165: {  	v46 =	vmpcnt.ones.xlane vm7;
	vm7 =	vne.s32 v16, $0xFFFFFFFF;
	v24 =	vadd.s32 v43, v41;
	v44, _, _ =	vpop (xrf0)  }
0x166: {  	v20 =	vmul.u32 v24, v20;
	v14 =	vadd.s32 v22, v25;
	s31 =	spop (v2sf);
	(v2sf) =	vpush v44, $0xF  }
0x167: {  	vm12 =	vne.s32 v19, $0xFFFFFFFF;
	vm14 =	vne.s32 v18, $0xFFFFFFFF;
	v14 =	vmul.u32 v14, v27  }
0x168: {  	v17 =	vld.idx.msk [tilespmem:v17+s18+$0x0], $0xffff;
	v19 =	vmax.u32 v23, v45;
	vm8 =	vmand vm15, vm12;
	vm7 =	vmand vm7, vm14;
	s28 =	sxor.u32 $0x80000000, s31  }
0x169: {  	vm12 =	vne.s32 v8, $0xFFFFFFFF;
	v15 =	vmov s28;
	v14 =	vadd.s32 v21, v14  }
0x16a: {  	v8 =	vld.idx.msk [tilespmem:v52+s18+$0x0], $0xffff;
	vm13 =	vgt.s32 v15, v0;
	vm6 =	vlt.s32 v15, $0x63;
	v15 =	vxor.u32 $0x1, v19  }
0x16b: {  	v21 =	vadd.s32 v43, v46;
	vm9 =	vmand vm8, vm13;
	v15 =	vnsel vm6, $0x0, v15  }
0x16c: {  	vm8 =	vmmov vm8;
	v50 =	vsel vm6, $0x1, v2;
	v47 =	vmpcnt.ones.xlane vm9  }
0x16d: {  	v14 =	vadd.s32 v14, v20;
	vm13 =	vne.s32 v17, $0xFFFFFFFF;
	v51 =	vmpcnt.ones.xlane vm8;
	s29 =	spop (v2sf)  }
0x16e: {  	v19 =	vmax.u32 v19, v50;
	vm8 =	vmand vm12, vm13;
	v49 =	vadd.s32 v21, v47;
	s28 =	sxor.u32 $0x80000000, s29  }
0x16f: {  	vm14 =	vne.s32 v8, $0xFFFFFFFF;
	v15 =	vmul.u32 v49, v15;
	v48 =	vmov s28  }
0x170: {  	v54 =	vxor.u32 $0x1, v19;
	v21 =	vadd.s32 v21, v51;
	vm15 =	vgt.s32 v48, v0  }
0x171: {  	v14 =	vadd.s32 v14, v15;
	vm6 =	vlt.s32 v48, $0x63;
	vm9 =	vmand vm7, vm15  }
0x172: {  	vm7 =	vmmov vm7;
	v56 =	vsel vm6, $0x1, v2;
	v53 =	vmpcnt.ones.xlane vm9;
	s30 =	spop (v2sf)  }
0x173: {  	v16 =	vnsel vm6, $0x0, v54;
	v57 =	vmpcnt.ones.xlane vm7;
	v17 =	vmax.u32 v19, v56;
	s28 =	sxor.u32 $0x80000000, s30  }
0x174: {  	v58 =	vxor.u32 $0x1, v17;
	v18 =	vadd.s32 v21, v53;
	v55 =	vmov s28  }
0x175: {  	v15 =	vmul.u32 v18, v16;
	vm6 =	vgt.s32 v55, v0;
	vm7 =	vlt.s32 v55, $0x63;
	s31 =	spop (v2sf)  }
0x176: {  	v18 =	vadd.s32 v21, v57;
	vm6 =	vmand vm8, vm6;
	v16 =	vnsel vm7, $0x0, v58;
	s28 =	sxor.u32 $0x80000000, s31  }
0x177: {  	v59 =	vmpcnt.ones.xlane vm6;
	vm6 =	vne.s32 v29, $0xFFFFFFFF;
	v8 =	vmov s28  }
0x178: {  	vm8 =	vmmov vm8;
	vm6 =	vmand vm6, vm14;
	vm15 =	vgt.s32 v8, v0  }
0x179: {  	v60 =	vsel vm7, $0x1, v2;
	v61 =	vmpcnt.ones.xlane vm8;
	vm6 =	vmand vm6, vm15  }
0x17a: {  	v17 =	vmax.u32 v17, v60;
	v19 =	vadd.s32 v18, v59;
	v62 =	vmpcnt.ones.xlane vm6  }
0x17b: {  	v63 =	vadd.s32 v18, v61;
	vm6 =	vlt.s32 v8, $0x63;
	v8 =	vxor.u32 $0x1, v17  }
0x17c: {  	v16 =	vmul.u32 v19, v16;
	v8 =	vnsel vm6, $0x0, v8;
	v17 =	vadd.s32 v63, v62  }
0x17d: {  	v14 =	vadd.s32 v14, v15;
	v8 =	vmul.u32 v17, v8  }
0x17e: {  	v14 =	vadd.s32 v14, v16  }
0x17f: {  	v8 =	vadd.s32 v14, v8  }
0x180: {  	v8 =	vand.u32 v5, v8  }
.LBB2_13:
0x181: {  	s28 =	sand.u32 $0x30, s26;
	s29 =	simm.s32 $0x0  }
0x182: {  	[tilespmem:s23], [sflag:$0x2] =	stream.linear.gather [hbm4b:s12+s26], $0x10, $0x38;
	v14 =	vmov s28;
	[tilespmem:$0x8120] =	vst v63  }
0x183: {  	s28 =	sor.u32 $0x4000, s29;
	v14 =	vshll.u32 v14, $0x1  }
0x184: {  	s29 =	simm.s32 $0x10;
	s28 =	sand.u32 $0xFFFFFF80, s28;
	v14 =	vor.u32 v1, v14  }
0x185: {  	s26 =	sand.u32 $0x30, s29;
	v14 =	vor.u32 s28, v14  }
0x186: {  	_ =	swait.ge [sflag:s16], $0x10;
	v17 =	vmov s26;
	s28 =	simm.s32 $0x20;
	v16 =	vor.u32 $0x1, v14  }
0x187: {  	[sflag:s16] =	ssyncset.done $0x0;
	v17 =	vshll.u32 v17, $0x1;
	s30 =	sor.u32 $0x4000, s28  }
0x188: {  	[sflag:s16] =	ssyncadd.s32 $0xFFFFFFF0;
	v17 =	vor.u32 v1, v17;
	s26 =	sand.u32 $0xFFFFFF80, s30  }
0x189: {  	v15 =	vld [tilespmem:$0x8100];
	v17 =	vor.u32 s26, v17;
	s26 =	simm.s32 $0x20  }
0x18a: {  	v18 =	vsel vm0, $0xFFFFFFFF, v12;
	s28 =	sand.u32 $0x30, s26;
	v14 =	vld.idx.msk [tilespmem:v14+s18+$0x0], $0xffff  }
0x18b: {  	s31 =	simm.s32 $0x40;
	v10 =	vand.u32 v18, v10;
	v19 =	vor.u32 $0x1, v17;
	v18 =	vmov s28;
	v16 =	vld.idx.msk [tilespmem:v16+s18+$0x0], $0xffff  }
0x18c: {  	v10 =	vadd.s32 v10, v9;
	v9 =	vadd.s32 v7, v13;
	s28 =	sor.u32 $0x4000, s31;
	v7 =	vshll.u32 v18, $0x1  }
0x18d: {  	s28 =	sand.u32 $0xFFFFFF80, s28;
	v13 =	vor.u32 v1, v7  }
0x18e: {  	v11 =	vbroadcast v11, $0xF;
	v7 =	vld.idx.msk [tilespmem:v17+s18+$0x0], $0xffff;
	v17 =	vor.u32 s28, v13  }
0x18f: {  	v13 =	vimm.s32 $0x0;
	vm7 =	vne.s32 v14, $0xFFFFFFFF;
	vm8 =	veq.s32 v14, v15  }
0x190: {  	s28 =	simm.s32 $0x3;
	v14 =	vimm.s32 $0x0;
	vm6 =	vne.s32 v16, $0xFFFFFFFF;
	v16 =	vld.idx.msk [tilespmem:v19+s18+$0x0], $0xffff;
	v18 =	vsel vm7, $0x1, v2  }
.LBB2_14:
0x191: {  	p0 =	sne.s32 s28, $0xFF  }
0x192: {  	v19 =	vor.u32 $0x1, v17;
	s26 =	sadd.s32 $0x10, s26;
	v12 =	vadd.s32 v18, v12;
	v18 =	vsel vm6, $0x1, v2;
	s29 =	smov.u32 s28;
	s28 =	sadd.s32 $0x1, s28  }
.Ltmp8:
0x193: {  	vm6 =	vmand vm7, vm6;
	s30 =	sand.u32 $0x30, s26;
	v12 =	vadd.s32 v18, v12;
	v18 =	vsel vm8, $0x1, v2;
	(pc) =	sbr.rel @p0 .LBB2_14-.Ltmp8, $4  }
0x194: {  	s29 =	sshll.u32 s29, $0x5;
	v21 =	vsel vm6, $0x1, v2;
	v20 =	vmov s30;
	v14 =	vor.u32 v18, v14  }
0x195: {  	s29 =	sor.u32 $0x4000, s29;
	v13 =	vadd.s32 v21, v13;
	v18 =	vshll.u32 v20, $0x1  }
0x196: {  	s29 =	sand.u32 $0xFFFFFF80, s29;
	vm7 =	vne.s32 v7, $0xFFFFFFFF;
	vm8 =	veq.s32 v7, v15;
	v18 =	vor.u32 v1, v18;
	v7 =	vld.idx.msk [tilespmem:v17+s18+$0x0], $0xffff  }
0x197: {  	vm6 =	vne.s32 v16, $0xFFFFFFFF;
	v17 =	vor.u32 s29, v18;
	v16 =	vld.idx.msk [tilespmem:v19+s18+$0x0], $0xffff;
	v18 =	vsel vm7, $0x1, v2  }
0x198: {  	v19 =	vor.u32 $0x1, v17;
	_ =	sdelay $0x3  }
0x199: {  	v17 =	vld.idx.msk [tilespmem:v17+s18+$0x0], $0xffff  }
0x19a: {  	v19 =	vld.idx.msk [tilespmem:v19+s18+$0x0], $0xffff;
	_ =	sdelay $0x1  }
0x19b: {  	vm7 =	vmand vm7, vm6;
	v20 =	vsel vm8, $0x1, v2  }
0x19c: {  	v14 =	vor.u32 v20, v14;
	vm9 =	veq.s32 v7, v15;
	vm12 =	vne.s32 v16, $0xFFFFFFFF  }
0x19d: {  	v16 =	vsel vm7, $0x1, v2;
	vm7 =	vne.s32 v7, $0xFFFFFFFF;
	v7 =	vsel vm9, $0x1, v2  }
0x19e: {  	vm10 =	vmand vm7, vm12;
	vm13 =	vne.s32 v17, $0xFFFFFFFF;
	vm11 =	vne.s32 v19, $0xFFFFFFFF  }
0x19f: {  	v13 =	vadd.s32 v16, v13;
	v16 =	vsel vm10, $0x1, v2;
	vm14 =	vmand vm13, vm11  }
0x1a0: {  	vm15 =	veq.s32 v17, v15;
	v13 =	vadd.s32 v16, v13;
	v16 =	vsel vm14, $0x1, v2  }
0x1a1: {  	v7 =	vor.u32 v7, v14;
	v17 =	vsel vm15, $0x1, v2;
	v13 =	vadd.s32 v16, v13  }
0x1a2: {  	v7 =	vor.u32 v17, v7;
	(xrf0) =	vadd.scan.msk.s32 $0xffff, v13  }
0x1a3: {  	(xrf0) =	vadd.scan.msk.s32 $0xffff, v7;
	_ =	sdelay $0x4  }
0x1a4: {  	v13, _, _ =	vpop (xrf0)  }
0x1a5: {  	v7, _, _ =	vpop (xrf0)  }
0x1a6: {  	(v2sf) =	vpush v7, $0xF;
	_ =	sdelay $0xe  }
0x1a7: {  	s26 =	spop (v2sf)  }
0x1a8: {  	v12 =	vadd.s32 v18, v12;
	v7 =	vsel vm6, $0x1, v2;
	p0 =	slt.s32 s26, $0x1  }
.Ltmp9:
0x1a9: {  	v14 =	vsel vm7, $0x1, v2;
	v7 =	vadd.s32 v7, v12;
	(pc) =	sbr.rel @p0 .LBB2_19-.Ltmp9, $4  }
0x1aa: {  	v12 =	vsel vm12, $0x1, v2;
	v7 =	vadd.s32 v14, v7  }
0x1ab: {  	v7 =	vadd.s32 v12, v7;
	v12 =	vsel vm13, $0x1, v2  }
0x1ac: {  	v7 =	vadd.s32 v12, v7;
	v12 =	vsel vm11, $0x1, v2  }
0x1ad: {  	v14 =	vadd.s32 v12, v7;
	v12 =	vimm.s32 $0x0;
	v7 =	vimm.s32 $0x0;
	s26 =	simm.s32 $0x0  }
0x1ae: {  	s28 =	sand.u32 $0x30, s26  }
0x1af: {  	v7 =	vmov s28;
	s28 =	simm.s32 $0x0  }
0x1b0: {  	v7 =	vshll.u32 v7, $0x1;
	s28 =	sor.u32 $0x4000, s28  }
0x1b1: {  	v7 =	vor.u32 v1, v7;
	s28 =	sand.u32 $0xFFFFFF80, s28  }
0x1b2: {  	v7 =	vor.u32 s28, v7;
	_ =	sdelay $0x4  }
0x1b3: {  	v22 =	vld.idx.msk [tilespmem:v7+s18+$0x0], $0xffff;
	_ =	sdelay $0x3  }
0x1b4: {  	s28 =	simm.s32 $0x10  }
0x1b5: {  	s28 =	sand.u32 $0x30, s28;
	vm6 =	veq.s32 v22, v15  }
0x1b6: {  	v17 =	vmov s28;
	s28 =	simm.s32 $0x20;
	v16 =	vnsel vm6, $0x80000063, v3  }
0x1b7: {  	s28 =	sor.u32 $0x4000, s28;
	(xrf0) =	vmin.scan.msk.u32 $0xffff, v16;
	v16 =	vshll.u32 v17, $0x1  }
0x1b8: {  	s28 =	sand.u32 $0xFFFFFF80, s28;
	v16 =	vor.u32 v1, v16  }
0x1b9: {  	v23 =	vor.u32 s28, v16  }
0x1ba: {  	s29 =	simm.s32 $0x20  }
0x1bb: {  	s29 =	sand.u32 $0x30, s29  }
0x1bc: {  	v16 =	vmov s29;
	s28 =	simm.s32 $0x40  }
0x1bd: {  	v16 =	vshll.u32 v16, $0x1;
	s28 =	sor.u32 $0x4000, s28  }
0x1be: {  	v16 =	vor.u32 v1, v16;
	s28 =	sand.u32 $0xFFFFFF80, s28;
	v21 =	vld.idx.msk [tilespmem:v23+s18+$0x0], $0xffff  }
0x1bf: {  	v20 =	vor.u32 s28, v16;
	s28 =	simm.s32 $0x30  }
0x1c0: {  	s28 =	sand.u32 $0x30, s28  }
0x1c1: {  	v17, _, _ =	vpop (xrf0);
	v16 =	vmov s28;
	s28 =	simm.s32 $0x60  }
0x1c2: {  	(v2sf) =	vpush v17, $0xF;
	v17 =	vshll.u32 v16, $0x1;
	s28 =	sor.u32 $0x4000, s28  }
0x1c3: {  	v17 =	vor.u32 v1, v17;
	s28 =	sand.u32 $0xFFFFFF80, s28;
	vm6 =	veq.s32 v21, v15  }
0x1c4: {  	v16 =	vld.idx.msk [tilespmem:v20+s18+$0x0], $0xffff;
	v19 =	vor.u32 s28, v17;
	v17 =	vnsel vm6, $0x80000063, v3  }
0x1c5: {  	(xrf0) =	vmin.scan.msk.u32 $0xffff, v17  }
0x1c6: {  	s28 =	simm.s32 $0x40  }
0x1c7: {  	s28 =	sand.u32 $0x30, s28  }
0x1c8: {  	v24 =	vmov s28  }
0x1c9: {  	vm6 =	veq.s32 v16, v15  }
0x1ca: {  	v7 =	vor.u32 $0x1, v7;
	v18 =	vnsel vm6, $0x80000063, v3  }
0x1cb: {  	(xrf0) =	vmin.scan.msk.u32 $0xffff, v18;
	v18 =	vshll.u32 v24, $0x1;
	v24, _, _ =	vpop (xrf0)  }
0x1cc: {  	(v2sf) =	vpush v24, $0xF;
	_ =	sdelay $0x1  }
0x1cd: {  	v17 =	vld.idx.msk [tilespmem:v19+s18+$0x0], $0xffff  }
0x1ce: {  	v7 =	vld.idx.msk [tilespmem:v7+s18+$0x0], $0xffff;
	s28 =	simm.s32 $0x80  }
0x1cf: {  	s28 =	sor.u32 $0x4000, s28  }
0x1d0: {  	s28 =	sand.u32 $0xFFFFFF80, s28;
	v18 =	vor.u32 v1, v18;
	v25, _, _ =	vpop (xrf0)  }
0x1d1: {  	v18 =	vor.u32 s28, v18;
	s29 =	spop (v2sf);
	(v2sf) =	vpush v25, $0xF  }
0x1d2: {  	vm7 =	vne.s32 v22, $0xFFFFFFFF;
	v23 =	vor.u32 $0x1, v23;
	vm6 =	veq.s32 v17, v15;
	s29 =	sxor.u32 $0x80000000, s29  }
0x1d3: {  	s28 =	simm.s32 $0x50;
	v22 =	vnsel vm6, $0x80000063, v3;
	vm6 =	vne.s32 v7, $0xFFFFFFFF;
	v24 =	vmov s29  }
0x1d4: {  	s30 =	sand.u32 $0x30, s28;
	vm7 =	vmand vm7, vm6;
	vm6 =	vgt.s32 v24, v0  }
0x1d5: {  	v28 =	vxor.u32 $0x1, v12;
	v7 =	vmov s30;
	vm6 =	vmand vm7, vm6  }
0x1d6: {  	v27 =	vshll.u32 v7, $0x1;
	(xrf0) =	vmin.scan.msk.u32 $0xffff, v22;
	v22 =	vimm.s32 $0x0;
	v7 =	vld.idx.msk [tilespmem:v18+s18+$0x0], $0xffff;
	s29 =	simm.s32 $0xA0;
	v26 =	vmpcnt.ones.xlane vm6  }
0x1d7: {  	v25 =	vld.idx.msk [tilespmem:v23+s18+$0x0], $0xffff;
	v23 =	vimm.s32 $0x0;
	s30 =	sor.u32 $0x4000, s29;
	s29 =	simm.s32 $0x6;
	vm6 =	vlt.s32 v24, $0x63;
	v24 =	vimm.s32 $0x0  }
.LBB2_17:
0x1d8: {  	p0 =	sne.s32 s29, $0xFF;
	v27 =	vor.u32 v1, v27;
	s30 =	sand.u32 $0xFFFFFF80, s30;
	s28 =	sadd.s32 $0x10, s28;
	v28 =	vnsel vm6, $0x0, v28;
	v26 =	vadd.s32 v23, v26  }
0x1d9: {  	vm8 =	vmmov vm7;
	s31 =	sand.u32 $0x30, s28;
	v27 =	vor.u32 s30, v27;
	v26 =	vmul.u32 v26, v28  }
0x1da: {  	v29 =	vor.u32 $0x1, v20;
	v20 =	vmovc v19;
	v19 =	vmovc v18;
	v28 =	vmov s31;
	s30 =	spop (v2sf);
	v18 =	vmov v27  }
0x1db: {  	vm9 =	vne.s32 v21, $0xFFFFFFFF;
	v21 =	vmovc v16;
	v16 =	vmovc v17;
	vm7 =	veq.s32 v7, v15;
	s30 =	sxor.u32 $0x80000000, s30;
	v22 =	vadd.s32 v22, v26  }
.Ltmp10:
0x1dc: {  	v26 =	vnsel vm7, $0x80000063, v3;
	vm7 =	vne.s32 v25, $0xFFFFFFFF;
	v17, _, _ =	vpop (xrf0);
	v30 =	vmov s30;
	(pc) =	sbr.rel @p0 .LBB2_17-.Ltmp10, $4  }
0x1dd: {  	vm7 =	vmand vm9, vm7;
	(v2sf) =	vpush v17, $0xF;
	vm9 =	vgt.s32 v30, v0;
	v17 =	vmovc v7  }
0x1de: {  	v31 =	vsel vm6, $0x1, v2;
	v32 =	vmpcnt.ones.xlane vm8;
	v7 =	vld.idx.msk [tilespmem:v27+s18+$0x0], $0xffff;
	vm9 =	vmand vm7, vm9  }
0x1df: {  	v24 =	vmax.u32 v24, v31;
	s30 =	sshll.u32 s29, $0x5;
	v27 =	vshll.u32 v28, $0x1;
	(xrf0) =	vmin.scan.msk.u32 $0xffff, v26;
	v25 =	vld.idx.msk [tilespmem:v29+s18+$0x0], $0xffff;
	v26 =	vmpcnt.ones.xlane vm9  }
0x1e0: {  	v23 =	vadd.s32 v23, v32;
	s29 =	sadd.s32 $0x1, s29;
	s30 =	sor.u32 $0x4000, s30;
	vm6 =	vlt.s32 v30, $0x63;
	v28 =	vxor.u32 $0x1, v24  }
0x1e1: {  	v27 =	vor.u32 v1, v27;
	s28 =	sand.u32 $0xFFFFFF80, s30  }
0x1e2: {  	v27 =	vor.u32 s28, v27;
	_ =	sdelay $0x4  }
0x1e3: {  	v30 =	vld.idx.msk [tilespmem:v27+s18+$0x0], $0xffff;
	_ =	sdelay $0x1  }
0x1e4: {  	vm8 =	veq.s32 v7, v15  }
0x1e5: {  	v32 =	vnsel vm8, $0x80000063, v3  }
0x1e6: {  	v20 =	vor.u32 $0x1, v20;
	v28 =	vnsel vm6, $0x0, v28;
	vm12 =	vne.s32 v21, $0xFFFFFFFF;
	v29, _, _ =	vpop (xrf0);
	(xrf0) =	vmin.scan.msk.u32 $0xffff, v32  }
0x1e7: {  	vm7 =	vmmov vm7;
	v19 =	vor.u32 $0x1, v19;
	vm13 =	veq.s32 v30, v15  }
0x1e8: {  	s30 =	spop (v2sf);
	v35 =	vsel vm6, $0x1, v2;
	(v2sf) =	vpush v29, $0xF;
	v34 =	vnsel vm13, $0x80000063, v3  }
0x1e9: {  	vm15 =	vne.s32 v16, $0xFFFFFFFF;
	v18 =	vor.u32 $0x1, v18;
	s28 =	sxor.u32 $0x80000000, s30;
	v36 =	vmpcnt.ones.xlane vm7;
	(xrf0) =	vmin.scan.msk.u32 $0xffff, v34  }
0x1ea: {  	v24 =	vmax.u32 v24, v35;
	v33 =	vmov s28;
	vm9 =	vne.s32 v25, $0xFFFFFFFF  }
0x1eb: {  	v39 =	vxor.u32 $0x1, v24;
	vm14 =	vgt.s32 v33, v0;
	vm8 =	vmand vm12, vm9;
	v20 =	vld.idx.msk [tilespmem:v20+s18+$0x0], $0xffff  }
0x1ec: {  	v51 =	vor.u32 $0x1, v27;
	vm6 =	vlt.s32 v33, $0x63;
	vm9 =	vmand vm8, vm14;
	v19 =	vld.idx.msk [tilespmem:v19+s18+$0x0], $0xffff;
	v37, _, _ =	vpop (xrf0)  }
0x1ed: {  	v40 =	vadd.s32 v23, v36;
	v38 =	vmpcnt.ones.xlane vm9;
	(v2sf) =	vpush v37, $0xF  }
0x1ee: {  	v21 =	vnsel vm6, $0x0, v39;
	v43 =	vsel vm6, $0x1, v2;
	vm7 =	vmmov vm8  }
0x1ef: {  	v44 =	vmpcnt.ones.xlane vm7;
	vm7 =	vne.s32 v17, $0xFFFFFFFF;
	v25 =	vadd.s32 v40, v38;
	v42, _, _ =	vpop (xrf0)  }
0x1f0: {  	v21 =	vmul.u32 v25, v21;
	vm12 =	vne.s32 v20, $0xFFFFFFFF;
	s31 =	spop (v2sf);
	(v2sf) =	vpush v42, $0xF  }
0x1f1: {  	v20 =	vmax.u32 v24, v43;
	vm14 =	vne.s32 v19, $0xFFFFFFFF;
	v15 =	vadd.s32 v23, v26  }
0x1f2: {  	v18 =	vld.idx.msk [tilespmem:v18+s18+$0x0], $0xffff;
	vm8 =	vmand vm15, vm12;
	v46 =	vxor.u32 $0x1, v20;
	v15 =	vmul.u32 v15, v28;
	s28 =	sxor.u32 $0x80000000, s31  }
0x1f3: {  	vm7 =	vmand vm7, vm14;
	vm12 =	vne.s32 v7, $0xFFFFFFFF;
	v41 =	vmov s28  }
0x1f4: {  	v7 =	vld.idx.msk [tilespmem:v51+s18+$0x0], $0xffff;
	v15 =	vadd.s32 v22, v15;
	vm13 =	vgt.s32 v41, v0;
	vm6 =	vlt.s32 v41, $0x63  }
0x1f5: {  	v22 =	vadd.s32 v40, v44;
	vm9 =	vmand vm8, vm13;
	v16 =	vnsel vm6, $0x0, v46  }
0x1f6: {  	vm8 =	vmmov vm8;
	v49 =	vsel vm6, $0x1, v2;
	v45 =	vmpcnt.ones.xlane vm9  }
0x1f7: {  	v15 =	vadd.s32 v15, v21;
	vm13 =	vne.s32 v18, $0xFFFFFFFF;
	v50 =	vmpcnt.ones.xlane vm8;
	s29 =	spop (v2sf)  }
0x1f8: {  	v20 =	vmax.u32 v20, v49;
	vm8 =	vmand vm12, vm13;
	v48 =	vadd.s32 v22, v45;
	s28 =	sxor.u32 $0x80000000, s29  }
0x1f9: {  	vm14 =	vne.s32 v7, $0xFFFFFFFF;
	v16 =	vmul.u32 v48, v16;
	v47 =	vmov s28  }
0x1fa: {  	v53 =	vxor.u32 $0x1, v20;
	v22 =	vadd.s32 v22, v50;
	vm15 =	vgt.s32 v47, v0  }
0x1fb: {  	v15 =	vadd.s32 v15, v16;
	vm6 =	vlt.s32 v47, $0x63;
	vm9 =	vmand vm7, vm15  }
0x1fc: {  	vm7 =	vmmov vm7;
	v56 =	vsel vm6, $0x1, v2;
	v52 =	vmpcnt.ones.xlane vm9;
	s30 =	spop (v2sf)  }
0x1fd: {  	v17 =	vnsel vm6, $0x0, v53;
	v57 =	vmpcnt.ones.xlane vm7;
	v18 =	vmax.u32 v20, v56;
	s28 =	sxor.u32 $0x80000000, s30  }
0x1fe: {  	v58 =	vxor.u32 $0x1, v18;
	v19 =	vadd.s32 v22, v52;
	v55 =	vmov s28  }
0x1ff: {  	v54 =	vmul.u32 v19, v17;
	vm6 =	vgt.s32 v55, v0;
	vm7 =	vlt.s32 v55, $0x63;
	s31 =	spop (v2sf)  }
0x200: {  	v19 =	vadd.s32 v22, v57;
	vm6 =	vmand vm8, vm6;
	v17 =	vnsel vm7, $0x0, v58;
	s28 =	sxor.u32 $0x80000000, s31  }
0x201: {  	v59 =	vmpcnt.ones.xlane vm6;
	vm6 =	vne.s32 v30, $0xFFFFFFFF;
	v7 =	vmov s28  }
0x202: {  	vm8 =	vmmov vm8;
	vm6 =	vmand vm6, vm14;
	vm15 =	vgt.s32 v7, v0  }
0x203: {  	v60 =	vsel vm7, $0x1, v2;
	v61 =	vmpcnt.ones.xlane vm8;
	vm6 =	vmand vm6, vm15  }
0x204: {  	v18 =	vmax.u32 v18, v60;
	v20 =	vadd.s32 v19, v59;
	v62 =	vmpcnt.ones.xlane vm6  }
0x205: {  	v63 =	vadd.s32 v19, v61;
	vm6 =	vlt.s32 v7, $0x63;
	v7 =	vxor.u32 $0x1, v18  }
0x206: {  	v17 =	vmul.u32 v20, v17;
	v7 =	vnsel vm6, $0x0, v7;
	v18 =	vadd.s32 v63, v62  }
0x207: {  	v15 =	vadd.s32 v15, v54;
	v7 =	vmul.u32 v18, v7  }
0x208: {  	v15 =	vadd.s32 v15, v17  }
0x209: {  	v7 =	vadd.s32 v15, v7  }
0x20a: {  	v7 =	vand.u32 v6, v7  }
.LBB2_19:
0x20b: {  	s28 =	sand.u32 $0x30, s26;
	s29 =	simm.s32 $0x0  }
0x20c: {  	[tilespmem:s23], [sflag:$0x2] =	stream.linear.gather [hbm4b:s13+s26], $0x10, $0x38;
	v15 =	vmov s28;
	[tilespmem:$0x8120] =	vst v63  }
0x20d: {  	s28 =	sor.u32 $0x6000, s29;
	v15 =	vshll.u32 v15, $0x1  }
0x20e: {  	s28 =	sand.u32 $0xFFFFFF80, s28;
	v15 =	vor.u32 v1, v15  }
0x20f: {  	s29 =	simm.s32 $0x10;
	v16 =	vor.u32 s28, v15  }
0x210: {  	_ =	swait.ge [sflag:s16], $0x10;
	s26 =	sand.u32 $0x30, s29;
	v17 =	vor.u32 $0x1, v16  }
0x211: {  	[sflag:s16] =	ssyncset.done $0x0;
	v18 =	vmov s26;
	s28 =	simm.s32 $0x20  }
0x212: {  	[sflag:s16] =	ssyncadd.s32 $0xFFFFFFF0;
	v18 =	vshll.u32 v18, $0x1;
	s30 =	sor.u32 $0x6000, s28  }
0x213: {  	v15 =	vld [tilespmem:$0x8100];
	v18 =	vor.u32 v1, v18;
	s26 =	sand.u32 $0xFFFFFF80, s30  }
0x214: {  	v19 =	vsel vm1, $0xFFFFFFFF, v12;
	v18 =	vor.u32 s26, v18;
	s26 =	simm.s32 $0x20;
	v16 =	vld.idx.msk [tilespmem:v16+s18+$0x0], $0xffff  }
0x215: {  	v11 =	vand.u32 v19, v11;
	v19 =	vor.u32 $0x1, v18;
	s28 =	sand.u32 $0x30, s26;
	v20 =	vld.idx.msk [tilespmem:v17+s18+$0x0], $0xffff  }
0x216: {  	s31 =	simm.s32 $0x40;
	v10 =	vadd.s32 v11, v10;
	v11 =	vmov s28  }
0x217: {  	v9 =	vadd.s32 v14, v9;
	v14 =	vimm.s32 $0x0;
	s28 =	sor.u32 $0x6000, s31;
	v11 =	vshll.u32 v11, $0x1  }
0x218: {  	v8 =	vadd.s32 v8, v10;
	v10 =	vbroadcast v13, $0xF;
	s28 =	sand.u32 $0xFFFFFF80, s28;
	v13 =	vor.u32 v1, v11  }
0x219: {  	v11 =	vld.idx.msk [tilespmem:v18+s18+$0x0], $0xffff;
	v17 =	vor.u32 s28, v13;
	v13 =	vimm.s32 $0x0;
	vm7 =	vne.s32 v16, $0xFFFFFFFF  }
0x21a: {  	s28 =	simm.s32 $0x3;
	vm8 =	veq.s32 v16, v15;
	v16 =	vld.idx.msk [tilespmem:v19+s18+$0x0], $0xffff;
	vm6 =	vne.s32 v20, $0xFFFFFFFF;
	v18 =	vsel vm7, $0x1, v2  }
.LBB2_20:
0x21b: {  	p0 =	sne.s32 s28, $0xFF  }
0x21c: {  	v19 =	vor.u32 $0x1, v17;
	s26 =	sadd.s32 $0x10, s26;
	v12 =	vadd.s32 v18, v12;
	v18 =	vsel vm6, $0x1, v2;
	s29 =	smov.u32 s28;
	s28 =	sadd.s32 $0x1, s28  }
.Ltmp11:
0x21d: {  	vm6 =	vmand vm7, vm6;
	s30 =	sand.u32 $0x30, s26;
	v12 =	vadd.s32 v18, v12;
	v18 =	vsel vm8, $0x1, v2;
	(pc) =	sbr.rel @p0 .LBB2_20-.Ltmp11, $4  }
0x21e: {  	s29 =	sshll.u32 s29, $0x5;
	v21 =	vsel vm6, $0x1, v2;
	v20 =	vmov s30;
	v14 =	vor.u32 v18, v14  }
0x21f: {  	s29 =	sor.u32 $0x6000, s29;
	v13 =	vadd.s32 v21, v13;
	v18 =	vshll.u32 v20, $0x1  }
0x220: {  	s29 =	sand.u32 $0xFFFFFF80, s29;
	vm7 =	vne.s32 v11, $0xFFFFFFFF;
	vm8 =	veq.s32 v11, v15;
	v18 =	vor.u32 v1, v18;
	v11 =	vld.idx.msk [tilespmem:v17+s18+$0x0], $0xffff  }
0x221: {  	vm6 =	vne.s32 v16, $0xFFFFFFFF;
	v17 =	vor.u32 s29, v18;
	v16 =	vld.idx.msk [tilespmem:v19+s18+$0x0], $0xffff;
	v18 =	vsel vm7, $0x1, v2  }
0x222: {  	v19 =	vor.u32 $0x1, v17;
	_ =	sdelay $0x3  }
0x223: {  	v17 =	vld.idx.msk [tilespmem:v17+s18+$0x0], $0xffff  }
0x224: {  	v19 =	vld.idx.msk [tilespmem:v19+s18+$0x0], $0xffff;
	_ =	sdelay $0x1  }
0x225: {  	vm7 =	vmand vm7, vm6;
	v20 =	vsel vm8, $0x1, v2  }
0x226: {  	v14 =	vor.u32 v20, v14;
	vm9 =	veq.s32 v11, v15;
	vm12 =	vne.s32 v16, $0xFFFFFFFF  }
0x227: {  	v16 =	vsel vm7, $0x1, v2;
	vm7 =	vne.s32 v11, $0xFFFFFFFF;
	v11 =	vsel vm9, $0x1, v2  }
0x228: {  	vm10 =	vmand vm7, vm12;
	vm13 =	vne.s32 v17, $0xFFFFFFFF;
	vm11 =	vne.s32 v19, $0xFFFFFFFF  }
0x229: {  	v13 =	vadd.s32 v16, v13;
	v16 =	vsel vm10, $0x1, v2;
	vm14 =	vmand vm13, vm11  }
0x22a: {  	vm15 =	veq.s32 v17, v15;
	v13 =	vadd.s32 v16, v13;
	v16 =	vsel vm14, $0x1, v2  }
0x22b: {  	v11 =	vor.u32 v11, v14;
	v17 =	vsel vm15, $0x1, v2;
	v13 =	vadd.s32 v16, v13  }
0x22c: {  	v11 =	vor.u32 v17, v11;
	(xrf0) =	vadd.scan.msk.s32 $0xffff, v13  }
0x22d: {  	(xrf0) =	vadd.scan.msk.s32 $0xffff, v11;
	_ =	sdelay $0x4  }
0x22e: {  	v11, _, _ =	vpop (xrf0)  }
0x22f: {  	v13, _, _ =	vpop (xrf0)  }
0x230: {  	(v2sf) =	vpush v13, $0xF;
	_ =	sdelay $0xe  }
0x231: {  	s26 =	spop (v2sf)  }
0x232: {  	v12 =	vadd.s32 v18, v12;
	v13 =	vsel vm6, $0x1, v2;
	p0 =	slt.s32 s26, $0x1  }
.Ltmp12:
0x233: {  	v14 =	vsel vm7, $0x1, v2;
	v12 =	vadd.s32 v13, v12;
	(pc) =	sbr.rel @p0 .LBB2_25-.Ltmp12, $4  }
0x234: {  	v13 =	vsel vm12, $0x1, v2;
	v12 =	vadd.s32 v14, v12  }
0x235: {  	v12 =	vadd.s32 v13, v12;
	v13 =	vsel vm13, $0x1, v2  }
0x236: {  	v12 =	vadd.s32 v13, v12;
	v13 =	vsel vm11, $0x1, v2  }
0x237: {  	v14 =	vimm.s32 $0x0;
	v13 =	vadd.s32 v13, v12;
	v12 =	vimm.s32 $0x0;
	s26 =	simm.s32 $0x0  }
0x238: {  	s26 =	sand.u32 $0x30, s26  }
0x239: {  	s30 =	simm.s32 $0x0;
	v14 =	vmov s26  }
0x23a: {  	s26 =	sor.u32 $0x6000, s30;
	v14 =	vshll.u32 v14, $0x1  }
0x23b: {  	s26 =	sand.u32 $0xFFFFFF80, s26;
	v14 =	vor.u32 v1, v14  }
0x23c: {  	v14 =	vor.u32 s26, v14;
	_ =	sdelay $0x4  }
0x23d: {  	v22 =	vld.idx.msk [tilespmem:v14+s18+$0x0], $0xffff;
	_ =	sdelay $0x3  }
0x23e: {  	s31 =	simm.s32 $0x10  }
0x23f: {  	s26 =	sand.u32 $0x30, s31;
	vm6 =	veq.s32 v22, v15  }
0x240: {  	s30 =	simm.s32 $0x20;
	v17 =	vmov s26;
	v16 =	vnsel vm6, $0x80000063, v3  }
0x241: {  	s26 =	sor.u32 $0x6000, s30;
	(xrf0) =	vmin.scan.msk.u32 $0xffff, v16;
	v16 =	vshll.u32 v17, $0x1  }
0x242: {  	s26 =	sand.u32 $0xFFFFFF80, s26;
	v16 =	vor.u32 v1, v16  }
0x243: {  	v23 =	vor.u32 s26, v16  }
0x244: {  	s28 =	simm.s32 $0x20  }
0x245: {  	s28 =	sand.u32 $0x30, s28  }
0x246: {  	s31 =	simm.s32 $0x40;
	v16 =	vmov s28  }
0x247: {  	s26 =	sor.u32 $0x6000, s31;
	v16 =	vshll.u32 v16, $0x1  }
0x248: {  	s26 =	sand.u32 $0xFFFFFF80, s26;
	v16 =	vor.u32 v1, v16;
	v21 =	vld.idx.msk [tilespmem:v23+s18+$0x0], $0xffff  }
0x249: {  	s30 =	simm.s32 $0x30;
	v20 =	vor.u32 s26, v16  }
0x24a: {  	s26 =	sand.u32 $0x30, s30  }
0x24b: {  	s31 =	simm.s32 $0x60;
	v17, _, _ =	vpop (xrf0);
	v16 =	vmov s26  }
0x24c: {  	s26 =	sor.u32 $0x6000, s31;
	(v2sf) =	vpush v17, $0xF;
	v17 =	vshll.u32 v16, $0x1  }
0x24d: {  	s26 =	sand.u32 $0xFFFFFF80, s26;
	v17 =	vor.u32 v1, v17;
	vm6 =	veq.s32 v21, v15  }
0x24e: {  	v19 =	vor.u32 s26, v17;
	v16 =	vld.idx.msk [tilespmem:v20+s18+$0x0], $0xffff;
	v17 =	vnsel vm6, $0x80000063, v3  }
0x24f: {  	(xrf0) =	vmin.scan.msk.u32 $0xffff, v17  }
0x250: {  	s30 =	simm.s32 $0x40  }
0x251: {  	s26 =	sand.u32 $0x30, s30  }
0x252: {  	v24 =	vmov s26  }
0x253: {  	vm6 =	veq.s32 v16, v15  }
0x254: {  	v14 =	vor.u32 $0x1, v14;
	v18 =	vnsel vm6, $0x80000063, v3  }
0x255: {  	(xrf0) =	vmin.scan.msk.u32 $0xffff, v18;
	v18 =	vshll.u32 v24, $0x1;
	v24, _, _ =	vpop (xrf0)  }
0x256: {  	(v2sf) =	vpush v24, $0xF;
	_ =	sdelay $0x1  }
0x257: {  	v17 =	vld.idx.msk [tilespmem:v19+s18+$0x0], $0xffff  }
0x258: {  	v14 =	vld.idx.msk [tilespmem:v14+s18+$0x0], $0xffff;
	s31 =	simm.s32 $0x80  }
0x259: {  	s26 =	sor.u32 $0x6000, s31  }
0x25a: {  	s26 =	sand.u32 $0xFFFFFF80, s26;
	v18 =	vor.u32 v1, v18  }
0x25b: {  	v18 =	vor.u32 s26, v18;
	s28 =	spop (v2sf)  }
0x25c: {  	vm7 =	vne.s32 v22, $0xFFFFFFFF;
	v23 =	vor.u32 $0x1, v23;
	vm6 =	veq.s32 v17, v15;
	s28 =	sxor.u32 $0x80000000, s28  }
0x25d: {  	s26 =	simm.s32 $0x50;
	v22 =	vnsel vm6, $0x80000063, v3;
	vm6 =	vne.s32 v14, $0xFFFFFFFF;
	v24 =	vmov s28  }
0x25e: {  	v28 =	vxor.u32 $0x1, v12;
	s29 =	sand.u32 $0x30, s26;
	vm7 =	vmand vm7, vm6;
	vm6 =	vgt.s32 v24, v0  }
0x25f: {  	v14 =	vmov s29;
	(xrf0) =	vmin.scan.msk.u32 $0xffff, v22;
	v22 =	vimm.s32 $0x0;
	v25, _, _ =	vpop (xrf0);
	vm6 =	vmand vm7, vm6  }
0x260: {  	v27 =	vshll.u32 v14, $0x1;
	(v2sf) =	vpush v25, $0xF;
	v14 =	vld.idx.msk [tilespmem:v18+s18+$0x0], $0xffff;
	s28 =	simm.s32 $0xA0;
	v26 =	vmpcnt.ones.xlane vm6  }
0x261: {  	v25 =	vld.idx.msk [tilespmem:v23+s18+$0x0], $0xffff;
	v23 =	vimm.s32 $0x0;
	s29 =	sor.u32 $0x6000, s28;
	s28 =	simm.s32 $0x6;
	vm6 =	vlt.s32 v24, $0x63;
	v24 =	vimm.s32 $0x0  }
.LBB2_23:
0x262: {  	p0 =	sne.s32 s28, $0xFF;
	v27 =	vor.u32 v1, v27;
	s29 =	sand.u32 $0xFFFFFF80, s29;
	s26 =	sadd.s32 $0x10, s26;
	v28 =	vnsel vm6, $0x0, v28;
	v26 =	vadd.s32 v23, v26  }
0x263: {  	vm8 =	vmmov vm7;
	s30 =	sand.u32 $0x30, s26;
	v27 =	vor.u32 s29, v27;
	v26 =	vmul.u32 v26, v28  }
0x264: {  	v29 =	vor.u32 $0x1, v20;
	v20 =	vmovc v19;
	v19 =	vmovc v18;
	v28 =	vmov s30;
	s29 =	spop (v2sf);
	v18 =	vmov v27  }
0x265: {  	vm7 =	veq.s32 v14, v15;
	vm9 =	vne.s32 v21, $0xFFFFFFFF;
	v21 =	vmovc v16;
	v16 =	vmovc v17;
	s29 =	sxor.u32 $0x80000000, s29;
	v22 =	vadd.s32 v22, v26  }
.Ltmp13:
0x266: {  	v26 =	vnsel vm7, $0x80000063, v3;
	vm7 =	vne.s32 v25, $0xFFFFFFFF;
	v17, _, _ =	vpop (xrf0);
	v30 =	vmov s29;
	(pc) =	sbr.rel @p0 .LBB2_23-.Ltmp13, $4  }
0x267: {  	vm7 =	vmand vm9, vm7;
	(v2sf) =	vpush v17, $0xF;
	vm9 =	vgt.s32 v30, v0;
	v17 =	vmovc v14  }
0x268: {  	v31 =	vsel vm6, $0x1, v2;
	v32 =	vmpcnt.ones.xlane vm8;
	v14 =	vld.idx.msk [tilespmem:v27+s18+$0x0], $0xffff;
	vm9 =	vmand vm7, vm9  }
0x269: {  	v24 =	vmax.u32 v24, v31;
	s29 =	sshll.u32 s28, $0x5;
	v27 =	vshll.u32 v28, $0x1;
	(xrf0) =	vmin.scan.msk.u32 $0xffff, v26;
	v25 =	vld.idx.msk [tilespmem:v29+s18+$0x0], $0xffff;
	v26 =	vmpcnt.ones.xlane vm9  }
0x26a: {  	v23 =	vadd.s32 v23, v32;
	s28 =	sadd.s32 $0x1, s28;
	s29 =	sor.u32 $0x6000, s29;
	vm6 =	vlt.s32 v30, $0x63;
	v28 =	vxor.u32 $0x1, v24  }
.Ltmp14:
0x26b: {  	_ = 	snop;
	(pc) =	sbr.rel .LBB2_24-.Ltmp14, $1  }
0x26c: {  	_ =	sdelay $0x3  }
.LBB2_26:
0x26d: {  	_ =	sfence.sel $0x180000  }
0x26e: {  	[bflag:$0x0] =	sbarrier.arrive $0xFFFF  }
0x26f: {  	p0 =	sne.s32 s1, $0x0;
	_ =	strace $0x9000004A  }
0x270: {  	s0 =	sadd.s32 @!p0 $0x100000, s0;
	[bflag:$0x2] =	sbarrier.arrive $0xFFFF  }
0x271: {  	[sflag:s0] =	ssyncadd.tile.s32 @!p0 $0x1;
	_ =	shalt  }
.Lfunc_end2:
_tile_overlayer_lowered:
.L_overlay_start_2:
0x272: {  	(tag) =	ssettag $0x2  }
0x273: {  	s0 =	rddreg [dreg:$0x0];
	s2 =	stileid.u32  }
0x274: {  	s1 =	rddreg [dreg:$0x1];
	p0 =	sne.s32 s2, $0x0  }
0x275: {  	s3 =	rddreg [dreg:$0x2];
	[bflag:$0x3] =	sbarrier.arrive $0xFFFF;
	s2 =	simm.s32 @!p0 $0x1C02  }
0x276: {  	[timem:s3], [sflag:s2] =	dma.local @!p0 [hbm:s0], s1  }
0x277: {  	s0 =	simm.s32 @!p0 $0x2  }
0x278: {  	_ =	swait.ge @!p0 [sflag:s0], s1  }
0x279: {  	s1 =	ssub.s32 @!p0 $0x0, s1;
	[sflag:s0] =	ssyncset.done @!p0 $0x0  }
0x27a: {  	[sflag:s0] =	ssyncadd.s32 @!p0 s1  }
0x27b: {  	[bflag:$0x3] =	sbarrier.arrive $0xFFFF  }
0x27c: {  	_ =	shalt  }

// kernel: kernel.7.cloned.1.call-start
scs
__scs_entry_jumppad:
0x0: {  	(pc) =	sbr.rel $0x88, $3  }
0x1: {  	(tag) =	ssettag $0x0;
	lr =	simm.s32 $0x1  }
0x2: {  	[smem:$0x3F9C] =	sst lr;
	_ =	strace $0xD0000000  }
0x3: {  	_ = 	snop  }
0x4: {  	_ = 	snop  }
0x5: {  	_ = 	snop  }
0x6: {  	_ = 	snop  }
0x7: {  	_ = 	snop  }
__scs_overlays_trampoline_lowered:
0x8: {  	[smem:$0x3FAB] =	sst s0  }
0x9: {  	[smem:$0x3FAC] =	sst s1  }
0xa: {  	[smem:$0x3FAD] =	sst s2  }
0xb: {  	[smem:$0x3FAE] =	sst s3  }
0xc: {  	[smem:$0x3FAF] =	sst s4  }
0xd: {  	[smem:$0x3FB0] =	sst s5  }
0xe: {  	[smem:$0x3FB1] =	sst s6  }
0xf: {  	[smem:$0x3FB2] =	sst s7  }
0x10: {  	[smem:$0x3FB3] =	sst s8  }
0x11: {  	[smem:$0x3FB4] =	sst s9;
	s0 =	simm.s32 @!p0 $0x0  }
0x12: {  	s1 =	sld [smem:$0x3F9A];
	s0 =	simm.s32 @p0 $0x1  }
0x13: {  	[smem:$0x3FB5] =	sst s0;
	s0 =	simm.s32 @!p1 $0x0  }
0x14: {  	s2 =	sld [smem:$0x3F99];
	s0 =	simm.s32 @p1 $0x1  }
0x15: {  	[smem:$0x3FB6] =	sst s0;
	s0 =	simm.s32 @!p2 $0x0  }
0x16: {  	s3 =	sld [smem:$0x3FDB];
	s0 =	simm.s32 @p2 $0x1  }
0x17: {  	s4 =	simm.s32 $0x1BF5;
	[smem:$0x3FB8] =	sst s0  }
0x18: {  	s0 =	sld [smem:$0x3F9B];
	_ =	swait.ge [sflag:s4], $0x0  }
0x19: {  	s7 =	sld [smem:$0x3F9C]  }
0x1a: {  	s8 =	sadd.s32 $0xFFFFE003, lr  }
0x1b: {  	s9 =	sadd.s32 $0xFFFFFEF7, lr;
	s5 =	simm.s32 $0xFFFFFFFF;
	p2 =	slt.u32 s8, $0xFFFFF086  }
0x1c: {  	p1 =	slt.u32 s9, $0xF7A;
	s5 =	simm.s32 @!p2 $0x0  }
0x1d: {  	s5 =	simm.s32 @p1 $0x1;
	p0 =	seq.s32 s7, s2  }
0x1e: {  	s7 =	smul.u32 @!p0 $0xF7A, s2;
	p2 =	seq.s32 @!p0 s5, $0x0  }
0x1f: {  	s9 =	smul.u32 $0xF7A, s1;
	s8 =	simm.s32 @!p0 $0x1BF5;
	p2 =	por !p2, p0  }
0x20: {  	[sflag:s8] =	ssyncset.s32 @!p0 $0xFFFFF086;
	s6 =	sadd.s32 @!p0 s3, s7;
	s7 =	simm.s32 @!p0 $0x108  }
0x21: {  	s3 =	sadd.s32 s3, s9;
	s6 =	sadd.s32 @!p0 $0x88, s6;
	s7 =	simm.s32 @p2 $0x1082  }
0x22: {  	[simem:s7], [sflag:s8] =	dma.local @!p0 [hbm:s6], $0xF7A  }
0x23: {  	s9 =	sor.u32 $0xD0000000, s2;
	s6 =	simm.s32 $0x108;
	_ =	swait.ge @!p0 [sflag:s8], $0x0  }
0x24: {  	s3 =	sadd.s32 $0x88, s3;
	s6 =	simm.s32 @!p1 $0x1082;
	[sflag:s4] =	ssyncset.s32 $0xFFFFF086  }
0x25: {  	[simem:s6], [sflag:s4] =	dma.local [hbm:s3], $0xF7A  }
0x26: {  	[smem:$0x3F9C] =	sst s1;
	(tag) =	ssettag s2;
	_ =	strace s9  }
0x27: {  	s1 =	sld [smem:$0x3FAC]  }
0x28: {  	s2 =	sld [smem:$0x3FAD]  }
0x29: {  	s4 =	sld [smem:$0x3FAF]  }
0x2a: {  	p0 =	seq.s32 s5, $0x0;
	s5 =	sld [smem:$0x3FB0]  }
0x2b: {  	s6 =	sld [smem:$0x3FB1]  }
0x2c: {  	s7 =	sld [smem:$0x3FB2]  }
0x2d: {  	s3 =	simm.s32 $0x108;
	s8 =	sld [smem:$0x3FB3]  }
0x2e: {  	s3 =	simm.s32 @!p0 $0x1082;
	s9 =	sld [smem:$0x3FB4]  }
0x2f: {  	lr =	sadd.s32 s0, s3;
	s0 =	sld [smem:$0x3FAB]  }
0x30: {  	s3 =	sld [smem:$0x3FAE]  }
0x31: {  	[smem:$0x3FB7] =	sst s10  }
0x32: {  	s10 =	sld [smem:$0x3FB5];
	_ =	sdelay $0x3  }
0x33: {  	p0 =	seq.s32 s10, $0x1;
	s10 =	sld [smem:$0x3FB7];
	_ =	sdelay $0x3  }
0x34: {  	[smem:$0x3FB7] =	sst s10  }
0x35: {  	s10 =	sld [smem:$0x3FB6];
	_ =	sdelay $0x3  }
0x36: {  	p1 =	seq.s32 s10, $0x1;
	s10 =	sld [smem:$0x3FB7];
	_ =	sdelay $0x3  }
0x37: {  	[smem:$0x3FB7] =	sst s10  }
0x38: {  	s10 =	sld [smem:$0x3FB8]  }
0x39: {  	_ = 	snop;
	(pc) =	sbr.ind lr, $3  }
0x3a: {  	_ = 	snop  }
0x3b: {  	_ = 	snop  }
0x3c: {  	p2 =	seq.s32 s10, $0x1;
	s10 =	sld [smem:$0x3FB7]  }
0x3d: {  	_ =	shalt  }
0x3e: {  	_ =	shalt  }
0x3f: {  	_ =	shalt  }
0x40: {  	_ =	shalt  }
0x41: {  	_ =	shalt  }
0x42: {  	_ =	shalt  }
0x43: {  	_ =	shalt  }
0x44: {  	_ =	shalt  }
0x45: {  	_ =	shalt  }
0x46: {  	_ =	shalt  }
0x47: {  	_ =	shalt  }
0x48: {  	_ =	shalt  }
0x49: {  	_ =	shalt  }
0x4a: {  	_ =	shalt  }
0x4b: {  	_ =	shalt  }
0x4c: {  	_ =	shalt  }
0x4d: {  	_ =	shalt  }
0x4e: {  	_ =	shalt  }
0x4f: {  	_ =	shalt  }
0x50: {  	_ =	shalt  }
0x51: {  	_ =	shalt  }
0x52: {  	_ =	shalt  }
0x53: {  	_ =	shalt  }
0x54: {  	_ =	shalt  }
0x55: {  	_ =	shalt  }
0x56: {  	_ =	shalt  }
0x57: {  	_ =	shalt  }
0x58: {  	_ =	shalt  }
0x59: {  	_ =	shalt  }
0x5a: {  	_ =	shalt  }
0x5b: {  	_ =	shalt  }
0x5c: {  	_ =	shalt  }
0x5d: {  	_ =	shalt  }
0x5e: {  	_ =	shalt  }
0x5f: {  	_ =	shalt  }
0x60: {  	_ =	shalt  }
0x61: {  	_ =	shalt  }
0x62: {  	_ =	shalt  }
0x63: {  	_ =	shalt  }
0x64: {  	_ =	shalt  }
0x65: {  	_ =	shalt  }
0x66: {  	_ =	shalt  }
0x67: {  	_ =	shalt  }
0x68: {  	_ =	shalt  }
0x69: {  	_ =	shalt  }
0x6a: {  	_ =	shalt  }
0x6b: {  	_ =	shalt  }
0x6c: {  	_ =	shalt  }
0x6d: {  	_ =	shalt  }
0x6e: {  	_ =	shalt  }
0x6f: {  	_ =	shalt  }
0x70: {  	_ =	shalt  }
0x71: {  	_ =	shalt  }
0x72: {  	_ =	shalt  }
0x73: {  	_ =	shalt  }
0x74: {  	_ =	shalt  }
0x75: {  	_ =	shalt  }
0x76: {  	_ =	shalt  }
0x77: {  	_ =	shalt  }
0x78: {  	_ =	shalt  }
0x79: {  	_ =	shalt  }
0x7a: {  	_ =	shalt  }
0x7b: {  	_ =	shalt  }
0x7c: {  	_ =	shalt  }
0x7d: {  	_ =	shalt  }
0x7e: {  	_ =	shalt  }
0x7f: {  	_ =	shalt  }
0x80: {  	_ =	shalt  }
0x81: {  	_ =	shalt  }
0x82: {  	_ =	shalt  }
0x83: {  	_ =	shalt  }
0x84: {  	_ =	shalt  }
0x85: {  	_ =	shalt  }
0x86: {  	_ =	shalt  }
0x87: {  	_ =	shalt  }
.Lfunc_end0:
.L_simem_size_0:
called_computation_lowered:
.L_overlay_start_0:
0x88: {  	s2 =	sld [smem:$0x3FD9]  }
0x89: {  	s3 =	sld [smem:$0x3FFE];
	_ =	sdelay $0x1  }
0x8a: {  	s1 =	srdreg.scid  }
0x8b: {  	s0 =	sand.u32 $0x1, s1  }
0x8c: {  	s14 =	sshll.u32 s0, $0xA;
	s2 =	sadd.s32 s3, s2  }
0x8d: {  	s2 =	sadd.s32 s2, s14  }
0x8e: {  	[smem:$0x3FC3] =	sst s2  }
0x8f: {  	_ = 	snop  }
0x90: {  	s2 =	sld [smem:$0x3FD0];
	_ =	sdelay $0x2  }
0x91: {  	s15 =	simm.s32 $0xA;
	s4 =	simm.s32 $0x10  }
0x92: {  	[smem:s4], [sflag:s15] =	dma.local [hbm:s2], $0x1  }
0x93: {  	_ =	swait.eq [sflag:s15], $0x1  }
0x94: {  	[sflag:s15] =	ssyncset.done $0x0  }
0x95: {  	[sflag:s15] =	ssyncadd.s32 $0xFFFFFFFF  }
0x96: {  	s16 =	sld [smem:$0x11];
	(tm) =	ssettm $0x1  }
0x97: {  	s17 =	sld [smem:$0x3FFB];
	_ =	sdelay $0x3  }
0x98: {  	_ =	strace s17  }
0x99: {  	s3 =	sld [smem:$0x3FFC];
	_ =	sdelay $0x3  }
0x9a: {  	_ =	strace s3  }
0x9b: {  	s3 =	sld [smem:$0x3FFD];
	_ =	sdelay $0x3  }
0x9c: {  	_ =	strace s3  }
0x9d: {  	_ =	strace $0x8FFFFFFF  }
0x9e: {  	s18 =	sld [smem:$0x3FDB];
	_ =	sdelay $0x1  }
0x9f: {  	s19 =	simm.s32 $_scs_section_size  }
0xa0: {  	s5 =	simm.s32 $_size__tile_overlayer_lowered;
	s6 =	simm.s32 $_tile_overlayer_lowered  }
0xa1: {  	s22 =	simm.s32 $0x1BFF;
	s21 =	sshll.u32 s6, $0x1;
	s3 =	sadd.s32 s19, s18  }
0xa2: {  	s7 =	simm.s32 $0x0;
	s20 =	sshll.u32 s5, $0x1;
	s5 =	sadd.s32 s21, s3  }
0xa3: {  	[timem:s7], [sflag:s22] =	dma.local [hbm:s5], s20  }
0xa4: {  	_ =	swait.ge [sflag:s22], s20  }
0xa5: {  	s4 =	ssub.s32 $0x0, s20;
	[sflag:s22] =	ssyncset.done $0x0  }
0xa6: {  	[sflag:s22] =	ssyncadd.s32 s4;
	_ =	sdelay $0x1  }
0xa7: {  	s23 =	simm.s32 $0x1B8B  }
0xa8: {  	_ =	swait.ge [sflag:s23], $0x1  }
0xa9: {  	[sflag:s23] =	ssyncset.done $0x0  }
0xaa: {  	s25 =	simm.s32 $0x1B8E;
	s24 =	sld [smem:$0x3FFE];
	[sflag:s23] =	ssyncadd.s32 $0xFFFFFFFF  }
0xab: {  	s26 =	simm.s32 $execute0_lowered;
	[smem:$0x3FD2] =	sst s25  }
0xac: {  	s5 =	sshll.u32 s26, $0x1;
	_ =	strace $0x80000046;
	[dreg:$0x1] =	wrdreg $0xFFFFFFFF  }
0xad: {  	s28 =	simm.s32 $_size_execute0_lowered;
	s3 =	sadd.s32 s3, s5;
	[dreg:$0x0] =	wrdreg $0x0  }
0xae: {  	s5 =	sshll.u32 s28, $0x1;
	[dreg:$0x2] =	wrdreg s3  }
0xaf: {  	[dreg:$0x3] =	wrdreg s5  }
0xb0: {  	[dreg:$0x4] =	wrdreg $0xC0  }
0xb1: {  	_ =	task [dreg:s7], $0x5FFFF  }
0xb2: {  	[dreg:$0x1] =	wrdreg $0xFFFFFFFF  }
0xb3: {  	[dreg:$0x0] =	wrdreg $0x60  }
0xb4: {  	[dreg:$0x2] =	wrdreg s24  }
0xb5: {  	[dreg:$0x3] =	wrdreg s16  }
0xb6: {  	[dreg:$0x4] =	wrdreg $0x9  }
0xb7: {  	_ =	task.clear_ibuf [dreg:s7], $0x5FFFF;
	_ =	strace $0x90000046  }
0xb8: {  	s29 =	simm.s32 $0x9;
	_ =	strace $0x80000048  }
0xb9: {  	_ =	swait.ge [sflag:s29], $0x1  }
0xba: {  	[sflag:s29] =	ssyncadd.s32 $0xFFFFFFFF  }
0xbb: {  	_ =	strace $0x90000048  }
0xbc: {  	_ =	sfence  }
0xbd: {  	s30 =	sld [smem:$0x0];
	_ =	sdelay $0x2  }
0xbe: {  	s31 =	sshll.u32 s1, $0xD;
	s1 =	sshrl.u32 s1, $0x2  }
0xbf: {  	s3 =	sand.u32 $0x4000, s31;
	s1 =	sadd.s32 s1, s30  }
0xc0: {  	s0 =	sor.u32 s3, s0;
	s1 =	sshll.u32 s1, $0x11  }
0xc1: {  	s0 =	sor.u32 s1, s0  }
0xc2: {  	s0 =	sadd.s32 $0x8F2B, s0  }
0xc3: {  	[sflag:s0] =	ssyncadd.remote.s32 $0x1  }
0xc4: {  	_ =	sfence.sel $0xFFFF  }
0xc5: {  	[dreg:$0x0] =	wrdreg $0xFFFFFFFF;
	(pc) =	sbr.abs _section_cstart, $3  }
0xc6: {  	[dreg:$0x1] =	wrdreg $0xFFFFFFFF  }
0xc7: {  	_ =	task.clear_ibuf [dreg:s7], $0x2FFFF;
	_ =	strace $0x9FFFFFFF  }
0xc8: {  	(tm) =	ssettm $0x7FFFFFFF  }
0xc9: {  	_ =	shalt  }
tec
execute0_lowered:
.L_overlay_start_1:
0x0: {  	(tag) =	ssettag $0x1  }
0x1: {  	s1 =	srdreg.scid  }
0x2: {  	s0 =	stileid.u32;
	s11 =	sand.u32 $0x1, s1  }
0x3: {  	s7 =	rddreg [dreg:$0x0];
	s29 =	sshll.u32 s0, $0x9;
	s2 =	sshll.u32 s11, $0x8  }
0x4: {  	s12 =	rddreg [dreg:$0x1];
	s13 =	sor.u32 s2, s29  }
0x5: {  	s1 =	rddreg [dreg:$0x2];
	s2 =	simm.s32 $0x0;
	s3 =	sshrl.u32 s13, $0x3  }
0x6: {  	[smem:$0x7FF] =	sst s2;
	s5 =	sadd.s32 s3, s7  }
0x7: {  	_ =	strace $0x80000047;
	s3 =	simm.s32 $0x2;
	s4 =	sadd.s32 $0x80A00, s5  }
0x8: {  	[tilespmem:s2], [sflag:$0x2] =	stream.linear.gather [hbm4b:s4+s2], $0x80, $0x38;
	[tilespmem:$0x2100] =	vst v63  }
0x9: {  	_ =	swait.ge [sflag:s3], $0x80  }
0xa: {  	[sflag:s3] =	ssyncset.done $0x0  }
0xb: {  	s6 =	simm.s32 $0x80;
	s5 =	sadd.s32 $0x80A10, s5;
	[sflag:s3] =	ssyncadd.s32 $0xFFFFFF80  }
0xc: {  	[tilespmem:s6], [sflag:$0x2] =	stream.linear.gather [hbm4b:s5+s2], $0x80, $0x38;
	[tilespmem:$0x2100] =	vst v63  }
0xd: {  	_ =	swait.ge [sflag:s3], $0x80  }
0xe: {  	[sflag:s3] =	ssyncset.done $0x0  }
0xf: {  	s8 =	simm.s32 $0x100;
	s7 =	sadd.s32 $0xA00, s7;
	[sflag:s3] =	ssyncadd.s32 $0xFFFFFF80  }
0x10: {  	[tilespmem:s8], [sflag:$0x1] =	stream.indirect.gather [hbm4b:s7+s6], $0x20, s2, s6, $0xb8;
	[tilespmem:$0x2100] =	vst v63  }
0x11: {  	s9 =	simm.s32 $0x1100;
	s10 =	simm.s32 $0x1;
	s11 =	ssub.s32 $0x2, s11  }
0x12: {  	[tilespmem:s9], [sflag:$0x1] =	stream.indirect.gather [hbm4b:s7+s6], $0x20, s6, s6, $0xb8;
	[tilespmem:$0x2100] =	vst v63  }
0x13: {  	s14 =	sshrl.u32 s11, $0x1;
	_ =	swait.ge [sflag:s10], $0x1000  }
0x14: {  	s14 =	ssub.s32 s11, s14;
	[sflag:s10] =	ssyncset.done $0x0  }
0x15: {  	s31 =	smax.u32 s14, $0x1;
	[sflag:s10] =	ssyncadd.s32 $0xFFFFF000  }
0x16: {  	p0 =	sne.s32 s31, $0x1;
	_ =	swait.ge [sflag:s10], $0x1000  }
.Ltmp0:
0x17: {  	s30 =	sshll.u32 s13, $0x2;
	[sflag:s10] =	ssyncset.done $0x0;
	(pc) =	sbr.rel @!p0 .LBB2_2-.Ltmp0, $4  }
0x18: {  	s11 =	sadd.s32 s12, s30;
	[sflag:s10] =	ssyncadd.s32 $0xFFFFF000  }
0x19: {  	[hbm4b:s11+s2] =	stream.linear.scatter [tilespmem:s8], [sflag:$0x2], $0x2000, $0x38;
	[tilespmem:$0x2100] =	vst v63  }
0x1a: {  	_ =	swait.ge [sflag:s3], $0x2000  }
0x1b: {  	s12 =	sadd.s32 $0xFFFFFFFF, s31;
	[sflag:s3] =	ssyncset.done $0x0  }
.LBB2_1:
0x1c: {  	p0 =	sne.s32 s12, $0x1;
	s12 =	sadd.s32 $0xFFFFFFFF, s12;
	[sflag:s3] =	ssyncadd.s32 $0xFFFFE000  }
0x1d: {  	[tilespmem:s2], [sflag:$0x2] =	stream.linear.gather [hbm4b:s4+s2], $0x80, $0x38;
	[tilespmem:$0x2100] =	vst v63  }
0x1e: {  	_ =	swait.ge [sflag:s3], $0x80  }
0x1f: {  	[sflag:s3] =	ssyncset.done $0x0  }
0x20: {  	[sflag:s3] =	ssyncadd.s32 $0xFFFFFF80  }
0x21: {  	[tilespmem:s6], [sflag:$0x2] =	stream.linear.gather [hbm4b:s5+s2], $0x80, $0x38;
	[tilespmem:$0x2100] =	vst v63  }
0x22: {  	_ =	swait.ge [sflag:s3], $0x80  }
0x23: {  	[sflag:s3] =	ssyncset.done $0x0  }
0x24: {  	[sflag:s3] =	ssyncadd.s32 $0xFFFFFF80  }
0x25: {  	[tilespmem:s8], [sflag:$0x1] =	stream.indirect.gather [hbm4b:s7+s6], $0x20, s2, s6, $0xb8;
	[tilespmem:$0x2100] =	vst v63  }
0x26: {  	_ = 	snop  }
0x27: {  	[tilespmem:s9], [sflag:$0x1] =	stream.indirect.gather [hbm4b:s7+s6], $0x20, s6, s6, $0xb8;
	[tilespmem:$0x2100] =	vst v63  }
0x28: {  	_ =	swait.ge [sflag:s10], $0x1000  }
0x29: {  	[sflag:s10] =	ssyncset.done $0x0  }
0x2a: {  	[sflag:s10] =	ssyncadd.s32 $0xFFFFF000  }
0x2b: {  	_ =	swait.ge [sflag:s10], $0x1000  }
.Ltmp1:
0x2c: {  	[sflag:s10] =	ssyncset.done $0x0;
	(pc) =	sbr.rel @p0 .LBB2_1-.Ltmp1, $4  }
0x2d: {  	[sflag:s10] =	ssyncadd.s32 $0xFFFFF000  }
0x2e: {  	[hbm4b:s11+s2] =	stream.linear.scatter [tilespmem:s8], [sflag:$0x2], $0x2000, $0x38;
	[tilespmem:$0x2100] =	vst v63  }
0x2f: {  	_ =	swait.ge [sflag:s3], $0x2000  }
0x30: {  	[sflag:s3] =	ssyncset.done $0x0  }
.LBB2_2:
0x31: {  	[sflag:s3] =	ssyncadd.s32 $0xFFFFE000  }
0x32: {  	_ =	sfence.sel $0x180000  }
0x33: {  	[bflag:$0x0] =	sbarrier.arrive $0xFFFF  }
0x34: {  	p0 =	sne.s32 s0, $0x0;
	_ =	strace $0x90000047  }
0x35: {  	s0 =	sadd.s32 @!p0 $0x100000, s1;
	[bflag:$0x2] =	sbarrier.arrive $0xFFFF  }
0x36: {  	[sflag:s0] =	ssyncadd.tile.s32 @!p0 $0x1;
	_ =	shalt  }
.Lfunc_end2:
_tile_overlayer_lowered:
.L_overlay_start_2:
0x37: {  	(tag) =	ssettag $0x2  }
0x38: {  	s0 =	rddreg [dreg:$0x0];
	s2 =	stileid.u32  }
0x39: {  	s1 =	rddreg [dreg:$0x1];
	p0 =	sne.s32 s2, $0x0  }
0x3a: {  	s3 =	rddreg [dreg:$0x2];
	[bflag:$0x3] =	sbarrier.arrive $0xFFFF;
	s2 =	simm.s32 @!p0 $0x1C02  }
0x3b: {  	[timem:s3], [sflag:s2] =	dma.local @!p0 [hbm:s0], s1  }
0x3c: {  	s0 =	simm.s32 @!p0 $0x2  }
0x3d: {  	_ =	swait.ge @!p0 [sflag:s0], s1  }
0x3e: {  	s1 =	ssub.s32 @!p0 $0x0, s1;
	[sflag:s0] =	ssyncset.done @!p0 $0x0  }
0x3f: {  	[sflag:s0] =	ssyncadd.s32 @!p0 s1  }
0x40: {  	[bflag:$0x3] =	sbarrier.arrive $0xFFFF  }
0x41: {  	_ =	shalt  }

</sc_bundles>
